<compile_context>
chip_gen: v7x
topology: tpu7x:2x2x1
jax: 0.10.2.dev20260603
libtpu: 0.0.44.dev20260713+nightly
codegen_flags: <defaults>
</compile_context>

<pallas_src>
import jax
import jax.numpy as jnp
from jax import lax
from jax.experimental import pallas as pl
from jax.experimental.pallas import tpu as pltpu
from jax.experimental.pallas import tpu_sc as plsc

_NC, _NS = 2, 16
_NW = _NC * _NS
_C = 80
_NBUF = 10
_LOOK = 3


def kernel(x, weight):
    B, S = x.shape
    V, D = weight.shape
    n = B * S
    per_tile = n // _NW
    nchunks = per_tile // _C
    ngroups = nchunks // _NBUF
    idx = jnp.swapaxes(x, 0, 1).reshape(n).astype(jnp.int32)

    mesh = plsc.VectorSubcoreMesh(core_axis_name="c", subcore_axis_name="s")

    @pl.kernel(
        out_type=jax.ShapeDtypeStruct((n, D), weight.dtype),
        mesh=mesh,
        scratch_types=[
            pltpu.VMEM((per_tile,), jnp.int32),
            pltpu.VMEM((_NBUF, _C, D), jnp.float32),
        ] + [pltpu.SemaphoreType.DMA] * (2 * _NBUF),
    )
    def k(w_hbm, i_hbm, o_hbm, idx_v, bufs, *sems):
        gsems = sems[:_NBUF]
        wsems = sems[_NBUF:]
        wid = lax.axis_index("s") * _NC + lax.axis_index("c")
        base = wid * per_tile
        pltpu.sync_copy(i_hbm.at[pl.ds(base, per_tile)], idx_v)

        def gather_copy(c, b):
            return pltpu.make_async_copy(
                w_hbm.at[idx_v.at[pl.ds(c * _C, _C)]], bufs.at[b], gsems[b])

        def write_copy(c, b):
            return pltpu.make_async_copy(
                bufs.at[b], o_hbm.at[pl.ds(base + c * _C, _C)], wsems[b])

        for b in range(_NBUF):
            gather_copy(b, b).start()

        for b in range(_NBUF):
            gather_copy(b, b).wait()
            write_copy(b, b).start()
            if b >= _LOOK:
                cp = b - _LOOK
                write_copy(cp, cp).wait()
                gather_copy(cp + _NBUF, cp).start()

        @pl.loop(1, ngroups - 1)
        def _(g):
            for b in range(_NBUF):
                c = g * _NBUF + b
                gather_copy(c, b).wait()
                write_copy(c, b).start()
                bp = (b - _LOOK) % _NBUF
                write_copy(c - _LOOK, bp).wait()
                gather_copy(c - _LOOK + _NBUF, bp).start()

        gl = ngroups - 1
        for b in range(_NBUF):
            c = gl * _NBUF + b
            gather_copy(c, b).wait()
            write_copy(c, b).start()
            if b < _LOOK:
                bp = (b - _LOOK) % _NBUF
                write_copy(c - _LOOK, bp).wait()
                gather_copy(c - _LOOK + _NBUF, bp).start()
        for b in range(_NBUF):
            write_copy(gl * _NBUF + b, b).wait()

    out = k(weight, idx).reshape(S, B, D)
    return jnp.swapaxes(out, 0, 1)

# --- scband reference (transcript-rebuilt; emitter-appended) ---
"""Pipeline reference for scband-embedding-14637248545367 (READ-ONLY COPY).

The authoritative reference and input builder live on the scoring server;
editing this copy changes nothing except your own understanding.
"""

import jax, jax.numpy as jnp
import numpy as np

NUM_EMBEDDINGS = 100000
EMBEDDING_DIM = 128

def setup_inputs(seed: int = 0) -> dict:
    key = jax.random.key(seed)
    k_idx, k_w = jax.random.split(key)
    x = jax.random.randint(k_idx, (4096, 50), 0, NUM_EMBEDDINGS, dtype=jnp.int64 if jax.config.jax_enable_x64 else jnp.int32)
    weight = jax.random.normal(k_w, (NUM_EMBEDDINGS, EMBEDDING_DIM), dtype=jnp.float32) * 0.02
    return {"x": x, "weight": weight}

def reference(x, weight):
    # Faithful translation of: return self.weight[x]
    return jnp.take(weight, x, axis=0)

if __name__ == "__main__":
    import jax
    _d = setup_inputs()
    print(jax.jit(kernel)(*tuple(_d.values())))

</pallas_src>

<mosaic_0001>
#map = affine_map<(d0, d1) -> (0, 0)>
#map1 = affine_map<(d0, d1) -> (0)>
module attributes {stable_mosaic.version = 14 : i64} {
  func.func @k(%arg0: i32, %arg1: i32, %arg2: memref<100000x128xf32, #tpu.memory_space<hbm>>, %arg3: memref<204800xi32, #tpu.memory_space<hbm>>, %arg4: memref<204800x128xf32, #tpu.memory_space<hbm>>, %arg5: memref<6400xi32, #tpu.memory_space<vmem>>, %arg6: memref<10x80x128xf32, #tpu.memory_space<vmem>>, %arg7: memref<!tpu.dma_semaphore, #tpu.memory_space<semaphore_mem>>, %arg8: memref<!tpu.dma_semaphore, #tpu.memory_space<semaphore_mem>>, %arg9: memref<!tpu.dma_semaphore, #tpu.memory_space<semaphore_mem>>, %arg10: memref<!tpu.dma_semaphore, #tpu.memory_space<semaphore_mem>>, %arg11: memref<!tpu.dma_semaphore, #tpu.memory_space<semaphore_mem>>, %arg12: memref<!tpu.dma_semaphore, #tpu.memory_space<semaphore_mem>>, %arg13: memref<!tpu.dma_semaphore, #tpu.memory_space<semaphore_mem>>, %arg14: memref<!tpu.dma_semaphore, #tpu.memory_space<semaphore_mem>>, %arg15: memref<!tpu.dma_semaphore, #tpu.memory_space<semaphore_mem>>, %arg16: memref<!tpu.dma_semaphore, #tpu.memory_space<semaphore_mem>>, %arg17: memref<!tpu.dma_semaphore, #tpu.memory_space<semaphore_mem>>, %arg18: memref<!tpu.dma_semaphore, #tpu.memory_space<semaphore_mem>>, %arg19: memref<!tpu.dma_semaphore, #tpu.memory_space<semaphore_mem>>, %arg20: memref<!tpu.dma_semaphore, #tpu.memory_space<semaphore_mem>>, %arg21: memref<!tpu.dma_semaphore, #tpu.memory_space<semaphore_mem>>, %arg22: memref<!tpu.dma_semaphore, #tpu.memory_space<semaphore_mem>>, %arg23: memref<!tpu.dma_semaphore, #tpu.memory_space<semaphore_mem>>, %arg24: memref<!tpu.dma_semaphore, #tpu.memory_space<semaphore_mem>>, %arg25: memref<!tpu.dma_semaphore, #tpu.memory_space<semaphore_mem>>, %arg26: memref<!tpu.dma_semaphore, #tpu.memory_space<semaphore_mem>>) attributes {dimension_semantics = [#tpu.dimension_semantics<core_parallel>, #tpu.dimension_semantics<subcore_parallel>], iteration_bounds = array<i64: 2, 16>, scalar_prefetch = 0 : i64, scratch_operands = 22 : i64, tpu.core_type = #tpu.core_type<sc_vector_subcore>, window_params = [{transform_indices = #map}, {transform_indices = #map1}, {transform_indices = #map}]} {
    %mul3A = arith.constant 2 : i32
    %mul3A_0 = arith.muli %arg1, %mul3A : i32
    %add3A = arith.addi %mul3A_0, %arg0 : i32
    %mul3A_1 = arith.constant 6400 : i32
    %mul3A_2 = arith.muli %add3A, %mul3A_1 : i32
    "tpu.region"() ({
      %run_scoped3A = tpu.sem_alloc : memref<!tpu.dma_semaphore, #tpu.memory_space<semaphore_mem>>
      %dma_start3A_1005 = tpu.memref_slice %arg3[%mul3A_2] : memref<204800xi32, #tpu.memory_space<hbm>> -> memref<6400xi32, #tpu.memory_space<hbm>>
      %dma_start3A_1006 = tpu.memref_slice %arg3[%mul3A_2] : memref<204800xi32, #tpu.memory_space<hbm>> -> memref<6400xi32, #tpu.memory_space<hbm>>
      tpu.enqueue_dma source(%dma_start3A_1006 : memref<6400xi32, #tpu.memory_space<hbm>>) target(%arg5 : memref<6400xi32, #tpu.memory_space<vmem>>) target_semaphore(%run_scoped3A : memref<!tpu.dma_semaphore, #tpu.memory_space<semaphore_mem>>)
      %dma_wait3A_1007 = tpu.memref_slice %arg3[%mul3A_2] : memref<204800xi32, #tpu.memory_space<hbm>> -> memref<6400xi32, #tpu.memory_space<hbm>>
      %dma_wait3A_1008 = tpu.memref_slice %arg3[%mul3A_2] : memref<204800xi32, #tpu.memory_space<hbm>> -> memref<6400xi32, #tpu.memory_space<hbm>>
      tpu.wait_dma2 semaphore(%run_scoped3A : memref<!tpu.dma_semaphore, #tpu.memory_space<semaphore_mem>>) src(%dma_wait3A_1008 : memref<6400xi32, #tpu.memory_space<hbm>>) dst(%arg5 : memref<6400xi32, #tpu.memory_space<vmem>>)
      tpu.yield
    }) : () -> ()
    %dma_start3A = arith.constant 0 : i32
    %dma_start3A_3 = arith.constant 0 : i32
    %dma_start3A_4 = arith.constant 0 : i32
    %dma_start3A_5 = tpu.memref_slice %arg6[%dma_start3A, %dma_start3A_3, %dma_start3A_4] : memref<10x80x128xf32, #tpu.memory_space<vmem>> -> memref<1x80x128xf32, #tpu.memory_space<vmem>>
    %dma_start3A_6 = tpu.memref_squeeze %dma_start3A_5 : memref<1x80x128xf32, #tpu.memory_space<vmem>> -> memref<80x128xf32, #tpu.memory_space<vmem>>
    %dma_start3A_7 = arith.constant 0 : i32
    %dma_start3A_8 = tpu.memref_slice %arg5[%dma_start3A_7] : memref<6400xi32, #tpu.memory_space<vmem>> -> memref<80xi32, #tpu.memory_space<vmem>>
    %dma_start3A_9 = arith.constant 0 : i32
    %dma_start3A_10 = arith.constant 0 : i32
    %dma_start3A_11 = tpu.memref_slice %arg2[%dma_start3A_9, %dma_start3A_10] : memref<100000x128xf32, #tpu.memory_space<hbm>> -> memref<100000x128xf32, #tpu.memory_space<hbm>>
    tpu.enqueue_indirect_dma source(%dma_start3A_11 : memref<100000x128xf32, #tpu.memory_space<hbm>>) target(%dma_start3A_6 : memref<80x128xf32, #tpu.memory_space<vmem>>) offsets(%dma_start3A_8 : memref<80xi32, #tpu.memory_space<vmem>>) semaphore(%arg7 : memref<!tpu.dma_semaphore, #tpu.memory_space<semaphore_mem>>)
    %dma_start3A_12 = arith.constant 1 : i32
    %dma_start3A_13 = arith.constant 0 : i32
    %dma_start3A_14 = arith.constant 0 : i32
    %dma_start3A_15 = tpu.memref_slice %arg6[%dma_start3A_12, %dma_start3A_13, %dma_start3A_14] : memref<10x80x128xf32, #tpu.memory_space<vmem>> -> memref<1x80x128xf32, #tpu.memory_space<vmem>>
    %dma_start3A_16 = tpu.memref_squeeze %dma_start3A_15 : memref<1x80x128xf32, #tpu.memory_space<vmem>> -> memref<80x128xf32, #tpu.memory_space<vmem>>
    %dma_start3A_17 = arith.constant 80 : i32
    %dma_start3A_18 = tpu.memref_slice %arg5[%dma_start3A_17] : memref<6400xi32, #tpu.memory_space<vmem>> -> memref<80xi32, #tpu.memory_space<vmem>>
    %dma_start3A_19 = arith.constant 0 : i32
    %dma_start3A_20 = arith.constant 0 : i32
    %dma_start3A_21 = tpu.memref_slice %arg2[%dma_start3A_19, %dma_start3A_20] : memref<100000x128xf32, #tpu.memory_space<hbm>> -> memref<100000x128xf32, #tpu.memory_space<hbm>>
    tpu.enqueue_indirect_dma source(%dma_start3A_21 : memref<100000x128xf32, #tpu.memory_space<hbm>>) target(%dma_start3A_16 : memref<80x128xf32, #tpu.memory_space<vmem>>) offsets(%dma_start3A_18 : memref<80xi32, #tpu.memory_space<vmem>>) semaphore(%arg8 : memref<!tpu.dma_semaphore, #tpu.memory_space<semaphore_mem>>)
    %dma_start3A_22 = arith.constant 2 : i32
    %dma_start3A_23 = arith.constant 0 : i32
    %dma_start3A_24 = arith.constant 0 : i32
    %dma_start3A_25 = tpu.memref_slice %arg6[%dma_start3A_22, %dma_start3A_23, %dma_start3A_24] : memref<10x80x128xf32, #tpu.memory_space<vmem>> -> memref<1x80x128xf32, #tpu.memory_space<vmem>>
    %dma_start3A_26 = tpu.memref_squeeze %dma_start3A_25 : memref<1x80x128xf32, #tpu.memory_space<vmem>> -> memref<80x128xf32, #tpu.memory_space<vmem>>
    %dma_start3A_27 = arith.constant 160 : i32
    %dma_start3A_28 = tpu.memref_slice %arg5[%dma_start3A_27] : memref<6400xi32, #tpu.memory_space<vmem>> -> memref<80xi32, #tpu.memory_space<vmem>>
    %dma_start3A_29 = arith.constant 0 : i32
    %dma_start3A_30 = arith.constant 0 : i32
    %dma_start3A_31 = tpu.memref_slice %arg2[%dma_start3A_29, %dma_start3A_30] : memref<100000x128xf32, #tpu.memory_space<hbm>> -> memref<100000x128xf32, #tpu.memory_space<hbm>>
    tpu.enqueue_indirect_dma source(%dma_start3A_31 : memref<100000x128xf32, #tpu.memory_space<hbm>>) target(%dma_start3A_26 : memref<80x128xf32, #tpu.memory_space<vmem>>) offsets(%dma_start3A_28 : memref<80xi32, #tpu.memory_space<vmem>>) semaphore(%arg9 : memref<!tpu.dma_semaphore, #tpu.memory_space<semaphore_mem>>)
    %dma_start3A_32 = arith.constant 3 : i32
    %dma_start3A_33 = arith.constant 0 : i32
    %dma_start3A_34 = arith.constant 0 : i32
    %dma_start3A_35 = tpu.memref_slice %arg6[%dma_start3A_32, %dma_start3A_33, %dma_start3A_34] : memref<10x80x128xf32, #tpu.memory_space<vmem>> -> memref<1x80x128xf32, #tpu.memory_space<vmem>>
    %dma_start3A_36 = tpu.memref_squeeze %dma_start3A_35 : memref<1x80x128xf32, #tpu.memory_space<vmem>> -> memref<80x128xf32, #tpu.memory_space<vmem>>
    %dma_start3A_37 = arith.constant 240 : i32
    %dma_start3A_38 = tpu.memref_slice %arg5[%dma_start3A_37] : memref<6400xi32, #tpu.memory_space<vmem>> -> memref<80xi32, #tpu.memory_space<vmem>>
    %dma_start3A_39 = arith.constant 0 : i32
    %dma_start3A_40 = arith.constant 0 : i32
    %dma_start3A_41 = tpu.memref_slice %arg2[%dma_start3A_39, %dma_start3A_40] : memref<100000x128xf32, #tpu.memory_space<hbm>> -> memref<100000x128xf32, #tpu.memory_space<hbm>>
    tpu.enqueue_indirect_dma source(%dma_start3A_41 : memref<100000x128xf32, #tpu.memory_space<hbm>>) target(%dma_start3A_36 : memref<80x128xf32, #tpu.memory_space<vmem>>) offsets(%dma_start3A_38 : memref<80xi32, #tpu.memory_space<vmem>>) semaphore(%arg10 : memref<!tpu.dma_semaphore, #tpu.memory_space<semaphore_mem>>)
    %dma_start3A_42 = arith.constant 4 : i32
    %dma_start3A_43 = arith.constant 0 : i32
    %dma_start3A_44 = arith.constant 0 : i32
    %dma_start3A_45 = tpu.memref_slice %arg6[%dma_start3A_42, %dma_start3A_43, %dma_start3A_44] : memref<10x80x128xf32, #tpu.memory_space<vmem>> -> memref<1x80x128xf32, #tpu.memory_space<vmem>>
    %dma_start3A_46 = tpu.memref_squeeze %dma_start3A_45 : memref<1x80x128xf32, #tpu.memory_space<vmem>> -> memref<80x128xf32, #tpu.memory_space<vmem>>
    %dma_start3A_47 = arith.constant 320 : i32
    %dma_start3A_48 = tpu.memref_slice %arg5[%dma_start3A_47] : memref<6400xi32, #tpu.memory_space<vmem>> -> memref<80xi32, #tpu.memory_space<vmem>>
    %dma_start3A_49 = arith.constant 0 : i32
    %dma_start3A_50 = arith.constant 0 : i32
    %dma_start3A_51 = tpu.memref_slice %arg2[%dma_start3A_49, %dma_start3A_50] : memref<100000x128xf32, #tpu.memory_space<hbm>> -> memref<100000x128xf32, #tpu.memory_space<hbm>>
    tpu.enqueue_indirect_dma source(%dma_start3A_51 : memref<100000x128xf32, #tpu.memory_space<hbm>>) target(%dma_start3A_46 : memref<80x128xf32, #tpu.memory_space<vmem>>) offsets(%dma_start3A_48 : memref<80xi32, #tpu.memory_space<vmem>>) semaphore(%arg11 : memref<!tpu.dma_semaphore, #tpu.memory_space<semaphore_mem>>)
    %dma_start3A_52 = arith.constant 5 : i32
    %dma_start3A_53 = arith.constant 0 : i32
    %dma_start3A_54 = arith.constant 0 : i32
    %dma_start3A_55 = tpu.memref_slice %arg6[%dma_start3A_52, %dma_start3A_53, %dma_start3A_54] : memref<10x80x128xf32, #tpu.memory_space<vmem>> -> memref<1x80x128xf32, #tpu.memory_space<vmem>>
    %dma_start3A_56 = tpu.memref_squeeze %dma_start3A_55 : memref<1x80x128xf32, #tpu.memory_space<vmem>> -> memref<80x128xf32, #tpu.memory_space<vmem>>
    %dma_start3A_57 = arith.constant 400 : i32
    %dma_start3A_58 = tpu.memref_slice %arg5[%dma_start3A_57] : memref<6400xi32, #tpu.memory_space<vmem>> -> memref<80xi32, #tpu.memory_space<vmem>>
    %dma_start3A_59 = arith.constant 0 : i32
    %dma_start3A_60 = arith.constant 0 : i32
    %dma_start3A_61 = tpu.memref_slice %arg2[%dma_start3A_59, %dma_start3A_60] : memref<100000x128xf32, #tpu.memory_space<hbm>> -> memref<100000x128xf32, #tpu.memory_space<hbm>>
    tpu.enqueue_indirect_dma source(%dma_start3A_61 : memref<100000x128xf32, #tpu.memory_space<hbm>>) target(%dma_start3A_56 : memref<80x128xf32, #tpu.memory_space<vmem>>) offsets(%dma_start3A_58 : memref<80xi32, #tpu.memory_space<vmem>>) semaphore(%arg12 : memref<!tpu.dma_semaphore, #tpu.memory_space<semaphore_mem>>)
    %dma_start3A_62 = arith.constant 6 : i32
    %dma_start3A_63 = arith.constant 0 : i32
    %dma_start3A_64 = arith.constant 0 : i32
    %dma_start3A_65 = tpu.memref_slice %arg6[%dma_start3A_62, %dma_start3A_63, %dma_start3A_64] : memref<10x80x128xf32, #tpu.memory_space<vmem>> -> memref<1x80x128xf32, #tpu.memory_space<vmem>>
    %dma_start3A_66 = tpu.memref_squeeze %dma_start3A_65 : memref<1x80x128xf32, #tpu.memory_space<vmem>> -> memref<80x128xf32, #tpu.memory_space<vmem>>
    %dma_start3A_67 = arith.constant 480 : i32
    %dma_start3A_68 = tpu.memref_slice %arg5[%dma_start3A_67] : memref<6400xi32, #tpu.memory_space<vmem>> -> memref<80xi32, #tpu.memory_space<vmem>>
    %dma_start3A_69 = arith.constant 0 : i32
    %dma_start3A_70 = arith.constant 0 : i32
    %dma_start3A_71 = tpu.memref_slice %arg2[%dma_start3A_69, %dma_start3A_70] : memref<100000x128xf32, #tpu.memory_space<hbm>> -> memref<100000x128xf32, #tpu.memory_space<hbm>>
    tpu.enqueue_indirect_dma source(%dma_start3A_71 : memref<100000x128xf32, #tpu.memory_space<hbm>>) target(%dma_start3A_66 : memref<80x128xf32, #tpu.memory_space<vmem>>) offsets(%dma_start3A_68 : memref<80xi32, #tpu.memory_space<vmem>>) semaphore(%arg13 : memref<!tpu.dma_semaphore, #tpu.memory_space<semaphore_mem>>)
    %dma_start3A_72 = arith.constant 7 : i32
    %dma_start3A_73 = arith.constant 0 : i32
    %dma_start3A_74 = arith.constant 0 : i32
    %dma_start3A_75 = tpu.memref_slice %arg6[%dma_start3A_72, %dma_start3A_73, %dma_start3A_74] : memref<10x80x128xf32, #tpu.memory_space<vmem>> -> memref<1x80x128xf32, #tpu.memory_space<vmem>>
    %dma_start3A_76 = tpu.memref_squeeze %dma_start3A_75 : memref<1x80x128xf32, #tpu.memory_space<vmem>> -> memref<80x128xf32, #tpu.memory_space<vmem>>
    %dma_start3A_77 = arith.constant 560 : i32
    %dma_start3A_78 = tpu.memref_slice %arg5[%dma_start3A_77] : memref<6400xi32, #tpu.memory_space<vmem>> -> memref<80xi32, #tpu.memory_space<vmem>>
    %dma_start3A_79 = arith.constant 0 : i32
    %dma_start3A_80 = arith.constant 0 : i32
    %dma_start3A_81 = tpu.memref_slice %arg2[%dma_start3A_79, %dma_start3A_80] : memref<100000x128xf32, #tpu.memory_space<hbm>> -> memref<100000x128xf32, #tpu.memory_space<hbm>>
    tpu.enqueue_indirect_dma source(%dma_start3A_81 : memref<100000x128xf32, #tpu.memory_space<hbm>>) target(%dma_start3A_76 : memref<80x128xf32, #tpu.memory_space<vmem>>) offsets(%dma_start3A_78 : memref<80xi32, #tpu.memory_space<vmem>>) semaphore(%arg14 : memref<!tpu.dma_semaphore, #tpu.memory_space<semaphore_mem>>)
    %dma_start3A_82 = arith.constant 8 : i32
    %dma_start3A_83 = arith.constant 0 : i32
    %dma_start3A_84 = arith.constant 0 : i32
    %dma_start3A_85 = tpu.memref_slice %arg6[%dma_start3A_82, %dma_start3A_83, %dma_start3A_84] : memref<10x80x128xf32, #tpu.memory_space<vmem>> -> memref<1x80x128xf32, #tpu.memory_space<vmem>>
    %dma_start3A_86 = tpu.memref_squeeze %dma_start3A_85 : memref<1x80x128xf32, #tpu.memory_space<vmem>> -> memref<80x128xf32, #tpu.memory_space<vmem>>
    %dma_start3A_87 = arith.constant 640 : i32
    %dma_start3A_88 = tpu.memref_slice %arg5[%dma_start3A_87] : memref<6400xi32, #tpu.memory_space<vmem>> -> memref<80xi32, #tpu.memory_space<vmem>>
    %dma_start3A_89 = arith.constant 0 : i32
    %dma_start3A_90 = arith.constant 0 : i32
    %dma_start3A_91 = tpu.memref_slice %arg2[%dma_start3A_89, %dma_start3A_90] : memref<100000x128xf32, #tpu.memory_space<hbm>> -> memref<100000x128xf32, #tpu.memory_space<hbm>>
    tpu.enqueue_indirect_dma source(%dma_start3A_91 : memref<100000x128xf32, #tpu.memory_space<hbm>>) target(%dma_start3A_86 : memref<80x128xf32, #tpu.memory_space<vmem>>) offsets(%dma_start3A_88 : memref<80xi32, #tpu.memory_space<vmem>>) semaphore(%arg15 : memref<!tpu.dma_semaphore, #tpu.memory_space<semaphore_mem>>)
    %dma_start3A_92 = arith.constant 9 : i32
    %dma_start3A_93 = arith.constant 0 : i32
    %dma_start3A_94 = arith.constant 0 : i32
    %dma_start3A_95 = tpu.memref_slice %arg6[%dma_start3A_92, %dma_start3A_93, %dma_start3A_94] : memref<10x80x128xf32, #tpu.memory_space<vmem>> -> memref<1x80x128xf32, #tpu.memory_space<vmem>>
    %dma_start3A_96 = tpu.memref_squeeze %dma_start3A_95 : memref<1x80x128xf32, #tpu.memory_space<vmem>> -> memref<80x128xf32, #tpu.memory_space<vmem>>
    %dma_start3A_97 = arith.constant 720 : i32
    %dma_start3A_98 = tpu.memref_slice %arg5[%dma_start3A_97] : memref<6400xi32, #tpu.memory_space<vmem>> -> memref<80xi32, #tpu.memory_space<vmem>>
    %dma_start3A_99 = arith.constant 0 : i32
    %dma_start3A_100 = arith.constant 0 : i32
    %dma_start3A_101 = tpu.memref_slice %arg2[%dma_start3A_99, %dma_start3A_100] : memref<100000x128xf32, #tpu.memory_space<hbm>> -> memref<100000x128xf32, #tpu.memory_space<hbm>>
    tpu.enqueue_indirect_dma source(%dma_start3A_101 : memref<100000x128xf32, #tpu.memory_space<hbm>>) target(%dma_start3A_96 : memref<80x128xf32, #tpu.memory_space<vmem>>) offsets(%dma_start3A_98 : memref<80xi32, #tpu.memory_space<vmem>>) semaphore(%arg16 : memref<!tpu.dma_semaphore, #tpu.memory_space<semaphore_mem>>)
    %dma_wait3A = arith.constant 0 : i32
    %dma_wait3A_102 = arith.constant 0 : i32
    %dma_wait3A_103 = arith.constant 0 : i32
    %dma_wait3A_104 = tpu.memref_slice %arg6[%dma_wait3A, %dma_wait3A_102, %dma_wait3A_103] : memref<10x80x128xf32, #tpu.memory_space<vmem>> -> memref<1x80x128xf32, #tpu.memory_space<vmem>>
    %dma_wait3A_105 = tpu.memref_squeeze %dma_wait3A_104 : memref<1x80x128xf32, #tpu.memory_space<vmem>> -> memref<80x128xf32, #tpu.memory_space<vmem>>
    %dma_wait3A_106 = arith.constant 0 : i32
    %dma_wait3A_107 = tpu.memref_slice %arg5[%dma_wait3A_106] : memref<6400xi32, #tpu.memory_space<vmem>> -> memref<80xi32, #tpu.memory_space<vmem>>
    %dma_wait3A_108 = arith.constant 0 : i32
    %dma_wait3A_109 = arith.constant 0 : i32
    %dma_wait3A_110 = tpu.memref_slice %arg2[%dma_wait3A_108, %dma_wait3A_109] : memref<100000x128xf32, #tpu.memory_space<hbm>> -> memref<100000x128xf32, #tpu.memory_space<hbm>>
    tpu.wait_indirect_dma semaphore(%arg7 : memref<!tpu.dma_semaphore, #tpu.memory_space<semaphore_mem>>) src(%dma_wait3A_110 : memref<100000x128xf32, #tpu.memory_space<hbm>>) dst(%dma_wait3A_105 : memref<80x128xf32, #tpu.memory_space<vmem>>)
    %add3A_111 = arith.constant 0 : i32
    %add3A_112 = arith.addi %mul3A_2, %add3A_111 : i32
    %dma_start3A_113 = arith.constant 0 : i32
    %dma_start3A_114 = arith.constant 0 : i32
    %dma_start3A_115 = arith.constant 0 : i32
    %dma_start3A_116 = tpu.memref_slice %arg6[%dma_start3A_113, %dma_start3A_114, %dma_start3A_115] : memref<10x80x128xf32, #tpu.memory_space<vmem>> -> memref<1x80x128xf32, #tpu.memory_space<vmem>>
    %dma_start3A_117 = tpu.memref_squeeze %dma_start3A_116 : memref<1x80x128xf32, #tpu.memory_space<vmem>> -> memref<80x128xf32, #tpu.memory_space<vmem>>
    %dma_start3A_118 = arith.constant 0 : i32
    %dma_start3A_119 = tpu.memref_slice %arg4[%add3A_112, %dma_start3A_118] : memref<204800x128xf32, #tpu.memory_space<hbm>> -> memref<80x128xf32, #tpu.memory_space<hbm>>
    %dma_start3A_120 = arith.constant 0 : i32
    %dma_start3A_121 = tpu.memref_slice %arg4[%add3A_112, %dma_start3A_120] : memref<204800x128xf32, #tpu.memory_space<hbm>> -> memref<80x128xf32, #tpu.memory_space<hbm>>
    %dma_start3A_122 = arith.constant 0 : i32
    %dma_start3A_123 = arith.constant 0 : i32
    %dma_start3A_124 = tpu.memref_slice %arg6[%dma_start3A_113, %dma_start3A_122, %dma_start3A_123] : memref<10x80x128xf32, #tpu.memory_space<vmem>> -> memref<1x80x128xf32, #tpu.memory_space<vmem>>
    %dma_start3A_125 = tpu.memref_squeeze %dma_start3A_124 : memref<1x80x128xf32, #tpu.memory_space<vmem>> -> memref<80x128xf32, #tpu.memory_space<vmem>>
    tpu.enqueue_dma source(%dma_start3A_125 : memref<80x128xf32, #tpu.memory_space<vmem>>) target(%dma_start3A_121 : memref<80x128xf32, #tpu.memory_space<hbm>>) target_semaphore(%arg17 : memref<!tpu.dma_semaphore, #tpu.memory_space<semaphore_mem>>)
    %dma_wait3A_126 = arith.constant 1 : i32
    %dma_wait3A_127 = arith.constant 0 : i32
    %dma_wait3A_128 = arith.constant 0 : i32
    %dma_wait3A_129 = tpu.memref_slice %arg6[%dma_wait3A_126, %dma_wait3A_127, %dma_wait3A_128] : memref<10x80x128xf32, #tpu.memory_space<vmem>> -> memref<1x80x128xf32, #tpu.memory_space<vmem>>
    %dma_wait3A_130 = tpu.memref_squeeze %dma_wait3A_129 : memref<1x80x128xf32, #tpu.memory_space<vmem>> -> memref<80x128xf32, #tpu.memory_space<vmem>>
    %dma_wait3A_131 = arith.constant 80 : i32
    %dma_wait3A_132 = tpu.memref_slice %arg5[%dma_wait3A_131] : memref<6400xi32, #tpu.memory_space<vmem>> -> memref<80xi32, #tpu.memory_space<vmem>>
    %dma_wait3A_133 = arith.constant 0 : i32
    %dma_wait3A_134 = arith.constant 0 : i32
    %dma_wait3A_135 = tpu.memref_slice %arg2[%dma_wait3A_133, %dma_wait3A_134] : memref<100000x128xf32, #tpu.memory_space<hbm>> -> memref<100000x128xf32, #tpu.memory_space<hbm>>
    tpu.wait_indirect_dma semaphore(%arg8 : memref<!tpu.dma_semaphore, #tpu.memory_space<semaphore_mem>>) src(%dma_wait3A_135 : memref<100000x128xf32, #tpu.memory_space<hbm>>) dst(%dma_wait3A_130 : memref<80x128xf32, #tpu.memory_space<vmem>>)
    %add3A_136 = arith.constant 80 : i32
    %add3A_137 = arith.addi %mul3A_2, %add3A_136 : i32
    %dma_start3A_138 = arith.constant 1 : i32
    %dma_start3A_139 = arith.constant 0 : i32
    %dma_start3A_140 = arith.constant 0 : i32
    %dma_start3A_141 = tpu.memref_slice %arg6[%dma_start3A_138, %dma_start3A_139, %dma_start3A_140] : memref<10x80x128xf32, #tpu.memory_space<vmem>> -> memref<1x80x128xf32, #tpu.memory_space<vmem>>
    %dma_start3A_142 = tpu.memref_squeeze %dma_start3A_141 : memref<1x80x128xf32, #tpu.memory_space<vmem>> -> memref<80x128xf32, #tpu.memory_space<vmem>>
    %dma_start3A_143 = arith.constant 0 : i32
    %dma_start3A_144 = tpu.memref_slice %arg4[%add3A_137, %dma_start3A_143] : memref<204800x128xf32, #tpu.memory_space<hbm>> -> memref<80x128xf32, #tpu.memory_space<hbm>>
    %dma_start3A_145 = arith.constant 0 : i32
    %dma_start3A_146 = tpu.memref_slice %arg4[%add3A_137, %dma_start3A_145] : memref<204800x128xf32, #tpu.memory_space<hbm>> -> memref<80x128xf32, #tpu.memory_space<hbm>>
    %dma_start3A_147 = arith.constant 0 : i32
    %dma_start3A_148 = arith.constant 0 : i32
    %dma_start3A_149 = tpu.memref_slice %arg6[%dma_start3A_138, %dma_start3A_147, %dma_start3A_148] : memref<10x80x128xf32, #tpu.memory_space<vmem>> -> memref<1x80x128xf32, #tpu.memory_space<vmem>>
    %dma_start3A_150 = tpu.memref_squeeze %dma_start3A_149 : memref<1x80x128xf32, #tpu.memory_space<vmem>> -> memref<80x128xf32, #tpu.memory_space<vmem>>
    tpu.enqueue_dma source(%dma_start3A_150 : memref<80x128xf32, #tpu.memory_space<vmem>>) target(%dma_start3A_146 : memref<80x128xf32, #tpu.memory_space<hbm>>) target_semaphore(%arg18 : memref<!tpu.dma_semaphore, #tpu.memory_space<semaphore_mem>>)
    %dma_wait3A_151 = arith.constant 2 : i32
    %dma_wait3A_152 = arith.constant 0 : i32
    %dma_wait3A_153 = arith.constant 0 : i32
    %dma_wait3A_154 = tpu.memref_slice %arg6[%dma_wait3A_151, %dma_wait3A_152, %dma_wait3A_153] : memref<10x80x128xf32, #tpu.memory_space<vmem>> -> memref<1x80x128xf32, #tpu.memory_space<vmem>>
    %dma_wait3A_155 = tpu.memref_squeeze %dma_wait3A_154 : memref<1x80x128xf32, #tpu.memory_space<vmem>> -> memref<80x128xf32, #tpu.memory_space<vmem>>
    %dma_wait3A_156 = arith.constant 160 : i32
    %dma_wait3A_157 = tpu.memref_slice %arg5[%dma_wait3A_156] : memref<6400xi32, #tpu.memory_space<vmem>> -> memref<80xi32, #tpu.memory_space<vmem>>
    %dma_wait3A_158 = arith.constant 0 : i32
    %dma_wait3A_159 = arith.constant 0 : i32
    %dma_wait3A_160 = tpu.memref_slice %arg2[%dma_wait3A_158, %dma_wait3A_159] : memref<100000x128xf32, #tpu.memory_space<hbm>> -> memref<100000x128xf32, #tpu.memory_space<hbm>>
    tpu.wait_indirect_dma semaphore(%arg9 : memref<!tpu.dma_semaphore, #tpu.memory_space<semaphore_mem>>) src(%dma_wait3A_160 : memref<100000x128xf32, #tpu.memory_space<hbm>>) dst(%dma_wait3A_155 : memref<80x128xf32, #tpu.memory_space<vmem>>)
    %add3A_161 = arith.constant 160 : i32
    %add3A_162 = arith.addi %mul3A_2, %add3A_161 : i32
    %dma_start3A_163 = arith.constant 2 : i32
    %dma_start3A_164 = arith.constant 0 : i32
    %dma_start3A_165 = arith.constant 0 : i32
    %dma_start3A_166 = tpu.memref_slice %arg6[%dma_start3A_163, %dma_start3A_164, %dma_start3A_165] : memref<10x80x128xf32, #tpu.memory_space<vmem>> -> memref<1x80x128xf32, #tpu.memory_space<vmem>>
    %dma_start3A_167 = tpu.memref_squeeze %dma_start3A_166 : memref<1x80x128xf32, #tpu.memory_space<vmem>> -> memref<80x128xf32, #tpu.memory_space<vmem>>
    %dma_start3A_168 = arith.constant 0 : i32
    %dma_start3A_169 = tpu.memref_slice %arg4[%add3A_162, %dma_start3A_168] : memref<204800x128xf32, #tpu.memory_space<hbm>> -> memref<80x128xf32, #tpu.memory_space<hbm>>
    %dma_start3A_170 = arith.constant 0 : i32
    %dma_start3A_171 = tpu.memref_slice %arg4[%add3A_162, %dma_start3A_170] : memref<204800x128xf32, #tpu.memory_space<hbm>> -> memref<80x128xf32, #tpu.memory_space<hbm>>
    %dma_start3A_172 = arith.constant 0 : i32
    %dma_start3A_173 = arith.constant 0 : i32
    %dma_start3A_174 = tpu.memref_slice %arg6[%dma_start3A_163, %dma_start3A_172, %dma_start3A_173] : memref<10x80x128xf32, #tpu.memory_space<vmem>> -> memref<1x80x128xf32, #tpu.memory_space<vmem>>
    %dma_start3A_175 = tpu.memref_squeeze %dma_start3A_174 : memref<1x80x128xf32, #tpu.memory_space<vmem>> -> memref<80x128xf32, #tpu.memory_space<vmem>>
    tpu.enqueue_dma source(%dma_start3A_175 : memref<80x128xf32, #tpu.memory_space<vmem>>) target(%dma_start3A_171 : memref<80x128xf32, #tpu.memory_space<hbm>>) target_semaphore(%arg19 : memref<!tpu.dma_semaphore, #tpu.memory_space<semaphore_mem>>)
    %dma_wait3A_176 = arith.constant 3 : i32
    %dma_wait3A_177 = arith.constant 0 : i32
    %dma_wait3A_178 = arith.constant 0 : i32
    %dma_wait3A_179 = tpu.memref_slice %arg6[%dma_wait3A_176, %dma_wait3A_177, %dma_wait3A_178] : memref<10x80x128xf32, #tpu.memory_space<vmem>> -> memref<1x80x128xf32, #tpu.memory_space<vmem>>
    %dma_wait3A_180 = tpu.memref_squeeze %dma_wait3A_179 : memref<1x80x128xf32, #tpu.memory_space<vmem>> -> memref<80x128xf32, #tpu.memory_space<vmem>>
    %dma_wait3A_181 = arith.constant 240 : i32
    %dma_wait3A_182 = tpu.memref_slice %arg5[%dma_wait3A_181] : memref<6400xi32, #tpu.memory_space<vmem>> -> memref<80xi32, #tpu.memory_space<vmem>>
    %dma_wait3A_183 = arith.constant 0 : i32
    %dma_wait3A_184 = arith.constant 0 : i32
    %dma_wait3A_185 = tpu.memref_slice %arg2[%dma_wait3A_183, %dma_wait3A_184] : memref<100000x128xf32, #tpu.memory_space<hbm>> -> memref<100000x128xf32, #tpu.memory_space<hbm>>
    tpu.wait_indirect_dma semaphore(%arg10 : memref<!tpu.dma_semaphore, #tpu.memory_space<semaphore_mem>>) src(%dma_wait3A_185 : memref<100000x128xf32, #tpu.memory_space<hbm>>) dst(%dma_wait3A_180 : memref<80x128xf32, #tpu.memory_space<vmem>>)
    %add3A_186 = arith.constant 240 : i32
    %add3A_187 = arith.addi %mul3A_2, %add3A_186 : i32
    %dma_start3A_188 = arith.constant 3 : i32
    %dma_start3A_189 = arith.constant 0 : i32
    %dma_start3A_190 = arith.constant 0 : i32
    %dma_start3A_191 = tpu.memref_slice %arg6[%dma_start3A_188, %dma_start3A_189, %dma_start3A_190] : memref<10x80x128xf32, #tpu.memory_space<vmem>> -> memref<1x80x128xf32, #tpu.memory_space<vmem>>
    %dma_start3A_192 = tpu.memref_squeeze %dma_start3A_191 : memref<1x80x128xf32, #tpu.memory_space<vmem>> -> memref<80x128xf32, #tpu.memory_space<vmem>>
    %dma_start3A_193 = arith.constant 0 : i32
    %dma_start3A_194 = tpu.memref_slice %arg4[%add3A_187, %dma_start3A_193] : memref<204800x128xf32, #tpu.memory_space<hbm>> -> memref<80x128xf32, #tpu.memory_space<hbm>>
    %dma_start3A_195 = arith.constant 0 : i32
    %dma_start3A_196 = tpu.memref_slice %arg4[%add3A_187, %dma_start3A_195] : memref<204800x128xf32, #tpu.memory_space<hbm>> -> memref<80x128xf32, #tpu.memory_space<hbm>>
    %dma_start3A_197 = arith.constant 0 : i32
    %dma_start3A_198 = arith.constant 0 : i32
    %dma_start3A_199 = tpu.memref_slice %arg6[%dma_start3A_188, %dma_start3A_197, %dma_start3A_198] : memref<10x80x128xf32, #tpu.memory_space<vmem>> -> memref<1x80x128xf32, #tpu.memory_space<vmem>>
    %dma_start3A_200 = tpu.memref_squeeze %dma_start3A_199 : memref<1x80x128xf32, #tpu.memory_space<vmem>> -> memref<80x128xf32, #tpu.memory_space<vmem>>
    tpu.enqueue_dma source(%dma_start3A_200 : memref<80x128xf32, #tpu.memory_space<vmem>>) target(%dma_start3A_196 : memref<80x128xf32, #tpu.memory_space<hbm>>) target_semaphore(%arg20 : memref<!tpu.dma_semaphore, #tpu.memory_space<semaphore_mem>>)
    %add3A_201 = arith.constant 0 : i32
    %add3A_202 = arith.addi %mul3A_2, %add3A_201 : i32
    %dma_wait3A_203 = arith.constant 0 : i32
    %dma_wait3A_204 = arith.constant 0 : i32
    %dma_wait3A_205 = arith.constant 0 : i32
    %dma_wait3A_206 = tpu.memref_slice %arg6[%dma_wait3A_203, %dma_wait3A_204, %dma_wait3A_205] : memref<10x80x128xf32, #tpu.memory_space<vmem>> -> memref<1x80x128xf32, #tpu.memory_space<vmem>>
    %dma_wait3A_207 = tpu.memref_squeeze %dma_wait3A_206 : memref<1x80x128xf32, #tpu.memory_space<vmem>> -> memref<80x128xf32, #tpu.memory_space<vmem>>
    %dma_wait3A_208 = arith.constant 0 : i32
    %dma_wait3A_209 = tpu.memref_slice %arg4[%add3A_202, %dma_wait3A_208] : memref<204800x128xf32, #tpu.memory_space<hbm>> -> memref<80x128xf32, #tpu.memory_space<hbm>>
    %dma_wait3A_210 = arith.constant 0 : i32
    %dma_wait3A_211 = tpu.memref_slice %arg4[%add3A_202, %dma_wait3A_210] : memref<204800x128xf32, #tpu.memory_space<hbm>> -> memref<80x128xf32, #tpu.memory_space<hbm>>
    %dma_wait3A_212 = arith.constant 0 : i32
    %dma_wait3A_213 = arith.constant 0 : i32
    %dma_wait3A_214 = tpu.memref_slice %arg6[%dma_wait3A_203, %dma_wait3A_212, %dma_wait3A_213] : memref<10x80x128xf32, #tpu.memory_space<vmem>> -> memref<1x80x128xf32, #tpu.memory_space<vmem>>
    %dma_wait3A_215 = tpu.memref_squeeze %dma_wait3A_214 : memref<1x80x128xf32, #tpu.memory_space<vmem>> -> memref<80x128xf32, #tpu.memory_space<vmem>>
    tpu.wait_dma2 semaphore(%arg17 : memref<!tpu.dma_semaphore, #tpu.memory_space<semaphore_mem>>) src(%dma_wait3A_215 : memref<80x128xf32, #tpu.memory_space<vmem>>) dst(%dma_wait3A_211 : memref<80x128xf32, #tpu.memory_space<hbm>>)
    %dma_start3A_216 = arith.constant 0 : i32
    %dma_start3A_217 = arith.constant 0 : i32
    %dma_start3A_218 = arith.constant 0 : i32
    %dma_start3A_219 = tpu.memref_slice %arg6[%dma_start3A_216, %dma_start3A_217, %dma_start3A_218] : memref<10x80x128xf32, #tpu.memory_space<vmem>> -> memref<1x80x128xf32, #tpu.memory_space<vmem>>
    %dma_start3A_220 = tpu.memref_squeeze %dma_start3A_219 : memref<1x80x128xf32, #tpu.memory_space<vmem>> -> memref<80x128xf32, #tpu.memory_space<vmem>>
    %dma_start3A_221 = arith.constant 800 : i32
    %dma_start3A_222 = tpu.memref_slice %arg5[%dma_start3A_221] : memref<6400xi32, #tpu.memory_space<vmem>> -> memref<80xi32, #tpu.memory_space<vmem>>
    %dma_start3A_223 = arith.constant 0 : i32
    %dma_start3A_224 = arith.constant 0 : i32
    %dma_start3A_225 = tpu.memref_slice %arg2[%dma_start3A_223, %dma_start3A_224] : memref<100000x128xf32, #tpu.memory_space<hbm>> -> memref<100000x128xf32, #tpu.memory_space<hbm>>
    tpu.enqueue_indirect_dma source(%dma_start3A_225 : memref<100000x128xf32, #tpu.memory_space<hbm>>) target(%dma_start3A_220 : memref<80x128xf32, #tpu.memory_space<vmem>>) offsets(%dma_start3A_222 : memref<80xi32, #tpu.memory_space<vmem>>) semaphore(%arg7 : memref<!tpu.dma_semaphore, #tpu.memory_space<semaphore_mem>>)
    %dma_wait3A_226 = arith.constant 4 : i32
    %dma_wait3A_227 = arith.constant 0 : i32
    %dma_wait3A_228 = arith.constant 0 : i32
    %dma_wait3A_229 = tpu.memref_slice %arg6[%dma_wait3A_226, %dma_wait3A_227, %dma_wait3A_228] : memref<10x80x128xf32, #tpu.memory_space<vmem>> -> memref<1x80x128xf32, #tpu.memory_space<vmem>>
    %dma_wait3A_230 = tpu.memref_squeeze %dma_wait3A_229 : memref<1x80x128xf32, #tpu.memory_space<vmem>> -> memref<80x128xf32, #tpu.memory_space<vmem>>
    %dma_wait3A_231 = arith.constant 320 : i32
    %dma_wait3A_232 = tpu.memref_slice %arg5[%dma_wait3A_231] : memref<6400xi32, #tpu.memory_space<vmem>> -> memref<80xi32, #tpu.memory_space<vmem>>
    %dma_wait3A_233 = arith.constant 0 : i32
    %dma_wait3A_234 = arith.constant 0 : i32
    %dma_wait3A_235 = tpu.memref_slice %arg2[%dma_wait3A_233, %dma_wait3A_234] : memref<100000x128xf32, #tpu.memory_space<hbm>> -> memref<100000x128xf32, #tpu.memory_space<hbm>>
    tpu.wait_indirect_dma semaphore(%arg11 : memref<!tpu.dma_semaphore, #tpu.memory_space<semaphore_mem>>) src(%dma_wait3A_235 : memref<100000x128xf32, #tpu.memory_space<hbm>>) dst(%dma_wait3A_230 : memref<80x128xf32, #tpu.memory_space<vmem>>)
    %add3A_236 = arith.constant 320 : i32
    %add3A_237 = arith.addi %mul3A_2, %add3A_236 : i32
    %dma_start3A_238 = arith.constant 4 : i32
    %dma_start3A_239 = arith.constant 0 : i32
    %dma_start3A_240 = arith.constant 0 : i32
    %dma_start3A_241 = tpu.memref_slice %arg6[%dma_start3A_238, %dma_start3A_239, %dma_start3A_240] : memref<10x80x128xf32, #tpu.memory_space<vmem>> -> memref<1x80x128xf32, #tpu.memory_space<vmem>>
    %dma_start3A_242 = tpu.memref_squeeze %dma_start3A_241 : memref<1x80x128xf32, #tpu.memory_space<vmem>> -> memref<80x128xf32, #tpu.memory_space<vmem>>
    %dma_start3A_243 = arith.constant 0 : i32
    %dma_start3A_244 = tpu.memref_slice %arg4[%add3A_237, %dma_start3A_243] : memref<204800x128xf32, #tpu.memory_space<hbm>> -> memref<80x128xf32, #tpu.memory_space<hbm>>
    %dma_start3A_245 = arith.constant 0 : i32
    %dma_start3A_246 = tpu.memref_slice %arg4[%add3A_237, %dma_start3A_245] : memref<204800x128xf32, #tpu.memory_space<hbm>> -> memref<80x128xf32, #tpu.memory_space<hbm>>
    %dma_start3A_247 = arith.constant 0 : i32
    %dma_start3A_248 = arith.constant 0 : i32
    %dma_start3A_249 = tpu.memref_slice %arg6[%dma_start3A_238, %dma_start3A_247, %dma_start3A_248] : memref<10x80x128xf32, #tpu.memory_space<vmem>> -> memref<1x80x128xf32, #tpu.memory_space<vmem>>
    %dma_start3A_250 = tpu.memref_squeeze %dma_start3A_249 : memref<1x80x128xf32, #tpu.memory_space<vmem>> -> memref<80x128xf32, #tpu.memory_space<vmem>>
    tpu.enqueue_dma source(%dma_start3A_250 : memref<80x128xf32, #tpu.memory_space<vmem>>) target(%dma_start3A_246 : memref<80x128xf32, #tpu.memory_space<hbm>>) target_semaphore(%arg21 : memref<!tpu.dma_semaphore, #tpu.memory_space<semaphore_mem>>)
    %add3A_251 = arith.constant 80 : i32
    %add3A_252 = arith.addi %mul3A_2, %add3A_251 : i32
    %dma_wait3A_253 = arith.constant 1 : i32
    %dma_wait3A_254 = arith.constant 0 : i32
    %dma_wait3A_255 = arith.constant 0 : i32
    %dma_wait3A_256 = tpu.memref_slice %arg6[%dma_wait3A_253, %dma_wait3A_254, %dma_wait3A_255] : memref<10x80x128xf32, #tpu.memory_space<vmem>> -> memref<1x80x128xf32, #tpu.memory_space<vmem>>
    %dma_wait3A_257 = tpu.memref_squeeze %dma_wait3A_256 : memref<1x80x128xf32, #tpu.memory_space<vmem>> -> memref<80x128xf32, #tpu.memory_space<vmem>>
    %dma_wait3A_258 = arith.constant 0 : i32
    %dma_wait3A_259 = tpu.memref_slice %arg4[%add3A_252, %dma_wait3A_258] : memref<204800x128xf32, #tpu.memory_space<hbm>> -> memref<80x128xf32, #tpu.memory_space<hbm>>
    %dma_wait3A_260 = arith.constant 0 : i32
    %dma_wait3A_261 = tpu.memref_slice %arg4[%add3A_252, %dma_wait3A_260] : memref<204800x128xf32, #tpu.memory_space<hbm>> -> memref<80x128xf32, #tpu.memory_space<hbm>>
    %dma_wait3A_262 = arith.constant 0 : i32
    %dma_wait3A_263 = arith.constant 0 : i32
    %dma_wait3A_264 = tpu.memref_slice %arg6[%dma_wait3A_253, %dma_wait3A_262, %dma_wait3A_263] : memref<10x80x128xf32, #tpu.memory_space<vmem>> -> memref<1x80x128xf32, #tpu.memory_space<vmem>>
    %dma_wait3A_265 = tpu.memref_squeeze %dma_wait3A_264 : memref<1x80x128xf32, #tpu.memory_space<vmem>> -> memref<80x128xf32, #tpu.memory_space<vmem>>
    tpu.wait_dma2 semaphore(%arg18 : memref<!tpu.dma_semaphore, #tpu.memory_space<semaphore_mem>>) src(%dma_wait3A_265 : memref<80x128xf32, #tpu.memory_space<vmem>>) dst(%dma_wait3A_261 : memref<80x128xf32, #tpu.memory_space<hbm>>)
    %dma_start3A_266 = arith.constant 1 : i32
    %dma_start3A_267 = arith.constant 0 : i32
    %dma_start3A_268 = arith.constant 0 : i32
    %dma_start3A_269 = tpu.memref_slice %arg6[%dma_start3A_266, %dma_start3A_267, %dma_start3A_268] : memref<10x80x128xf32, #tpu.memory_space<vmem>> -> memref<1x80x128xf32, #tpu.memory_space<vmem>>
    %dma_start3A_270 = tpu.memref_squeeze %dma_start3A_269 : memref<1x80x128xf32, #tpu.memory_space<vmem>> -> memref<80x128xf32, #tpu.memory_space<vmem>>
    %dma_start3A_271 = arith.constant 880 : i32
    %dma_start3A_272 = tpu.memref_slice %arg5[%dma_start3A_271] : memref<6400xi32, #tpu.memory_space<vmem>> -> memref<80xi32, #tpu.memory_space<vmem>>
    %dma_start3A_273 = arith.constant 0 : i32
    %dma_start3A_274 = arith.constant 0 : i32
    %dma_start3A_275 = tpu.memref_slice %arg2[%dma_start3A_273, %dma_start3A_274] : memref<100000x128xf32, #tpu.memory_space<hbm>> -> memref<100000x128xf32, #tpu.memory_space<hbm>>
    tpu.enqueue_indirect_dma source(%dma_start3A_275 : memref<100000x128xf32, #tpu.memory_space<hbm>>) target(%dma_start3A_270 : memref<80x128xf32, #tpu.memory_space<vmem>>) offsets(%dma_start3A_272 : memref<80xi32, #tpu.memory_space<vmem>>) semaphore(%arg8 : memref<!tpu.dma_semaphore, #tpu.memory_space<semaphore_mem>>)
    %dma_wait3A_276 = arith.constant 5 : i32
    %dma_wait3A_277 = arith.constant 0 : i32
    %dma_wait3A_278 = arith.constant 0 : i32
    %dma_wait3A_279 = tpu.memref_slice %arg6[%dma_wait3A_276, %dma_wait3A_277, %dma_wait3A_278] : memref<10x80x128xf32, #tpu.memory_space<vmem>> -> memref<1x80x128xf32, #tpu.memory_space<vmem>>
    %dma_wait3A_280 = tpu.memref_squeeze %dma_wait3A_279 : memref<1x80x128xf32, #tpu.memory_space<vmem>> -> memref<80x128xf32, #tpu.memory_space<vmem>>
    %dma_wait3A_281 = arith.constant 400 : i32
    %dma_wait3A_282 = tpu.memref_slice %arg5[%dma_wait3A_281] : memref<6400xi32, #tpu.memory_space<vmem>> -> memref<80xi32, #tpu.memory_space<vmem>>
    %dma_wait3A_283 = arith.constant 0 : i32
    %dma_wait3A_284 = arith.constant 0 : i32
    %dma_wait3A_285 = tpu.memref_slice %arg2[%dma_wait3A_283, %dma_wait3A_284] : memref<100000x128xf32, #tpu.memory_space<hbm>> -> memref<100000x128xf32, #tpu.memory_space<hbm>>
    tpu.wait_indirect_dma semaphore(%arg12 : memref<!tpu.dma_semaphore, #tpu.memory_space<semaphore_mem>>) src(%dma_wait3A_285 : memref<100000x128xf32, #tpu.memory_space<hbm>>) dst(%dma_wait3A_280 : memref<80x128xf32, #tpu.memory_space<vmem>>)
    %add3A_286 = arith.constant 400 : i32
    %add3A_287 = arith.addi %mul3A_2, %add3A_286 : i32
    %dma_start3A_288 = arith.constant 5 : i32
    %dma_start3A_289 = arith.constant 0 : i32
    %dma_start3A_290 = arith.constant 0 : i32
    %dma_start3A_291 = tpu.memref_slice %arg6[%dma_start3A_288, %dma_start3A_289, %dma_start3A_290] : memref<10x80x128xf32, #tpu.memory_space<vmem>> -> memref<1x80x128xf32, #tpu.memory_space<vmem>>
    %dma_start3A_292 = tpu.memref_squeeze %dma_start3A_291 : memref<1x80x128xf32, #tpu.memory_space<vmem>> -> memref<80x128xf32, #tpu.memory_space<vmem>>
    %dma_start3A_293 = arith.constant 0 : i32
    %dma_start3A_294 = tpu.memref_slice %arg4[%add3A_287, %dma_start3A_293] : memref<204800x128xf32, #tpu.memory_space<hbm>> -> memref<80x128xf32, #tpu.memory_space<hbm>>
    %dma_start3A_295 = arith.constant 0 : i32
    %dma_start3A_296 = tpu.memref_slice %arg4[%add3A_287, %dma_start3A_295] : memref<204800x128xf32, #tpu.memory_space<hbm>> -> memref<80x128xf32, #tpu.memory_space<hbm>>
    %dma_start3A_297 = arith.constant 0 : i32
    %dma_start3A_298 = arith.constant 0 : i32
    %dma_start3A_299 = tpu.memref_slice %arg6[%dma_start3A_288, %dma_start3A_297, %dma_start3A_298] : memref<10x80x128xf32, #tpu.memory_space<vmem>> -> memref<1x80x128xf32, #tpu.memory_space<vmem>>
    %dma_start3A_300 = tpu.memref_squeeze %dma_start3A_299 : memref<1x80x128xf32, #tpu.memory_space<vmem>> -> memref<80x128xf32, #tpu.memory_space<vmem>>
    tpu.enqueue_dma source(%dma_start3A_300 : memref<80x128xf32, #tpu.memory_space<vmem>>) target(%dma_start3A_296 : memref<80x128xf32, #tpu.memory_space<hbm>>) target_semaphore(%arg22 : memref<!tpu.dma_semaphore, #tpu.memory_space<semaphore_mem>>)
    %add3A_301 = arith.constant 160 : i32
    %add3A_302 = arith.addi %mul3A_2, %add3A_301 : i32
    %dma_wait3A_303 = arith.constant 2 : i32
    %dma_wait3A_304 = arith.constant 0 : i32
    %dma_wait3A_305 = arith.constant 0 : i32
    %dma_wait3A_306 = tpu.memref_slice %arg6[%dma_wait3A_303, %dma_wait3A_304, %dma_wait3A_305] : memref<10x80x128xf32, #tpu.memory_space<vmem>> -> memref<1x80x128xf32, #tpu.memory_space<vmem>>
    %dma_wait3A_307 = tpu.memref_squeeze %dma_wait3A_306 : memref<1x80x128xf32, #tpu.memory_space<vmem>> -> memref<80x128xf32, #tpu.memory_space<vmem>>
    %dma_wait3A_308 = arith.constant 0 : i32
    %dma_wait3A_309 = tpu.memref_slice %arg4[%add3A_302, %dma_wait3A_308] : memref<204800x128xf32, #tpu.memory_space<hbm>> -> memref<80x128xf32, #tpu.memory_space<hbm>>
    %dma_wait3A_310 = arith.constant 0 : i32
    %dma_wait3A_311 = tpu.memref_slice %arg4[%add3A_302, %dma_wait3A_310] : memref<204800x128xf32, #tpu.memory_space<hbm>> -> memref<80x128xf32, #tpu.memory_space<hbm>>
    %dma_wait3A_312 = arith.constant 0 : i32
    %dma_wait3A_313 = arith.constant 0 : i32
    %dma_wait3A_314 = tpu.memref_slice %arg6[%dma_wait3A_303, %dma_wait3A_312, %dma_wait3A_313] : memref<10x80x128xf32, #tpu.memory_space<vmem>> -> memref<1x80x128xf32, #tpu.memory_space<vmem>>
    %dma_wait3A_315 = tpu.memref_squeeze %dma_wait3A_314 : memref<1x80x128xf32, #tpu.memory_space<vmem>> -> memref<80x128xf32, #tpu.memory_space<vmem>>
    tpu.wait_dma2 semaphore(%arg19 : memref<!tpu.dma_semaphore, #tpu.memory_space<semaphore_mem>>) src(%dma_wait3A_315 : memref<80x128xf32, #tpu.memory_space<vmem>>) dst(%dma_wait3A_311 : memref<80x128xf32, #tpu.memory_space<hbm>>)
    %dma_start3A_316 = arith.constant 2 : i32
    %dma_start3A_317 = arith.constant 0 : i32
    %dma_start3A_318 = arith.constant 0 : i32
    %dma_start3A_319 = tpu.memref_slice %arg6[%dma_start3A_316, %dma_start3A_317, %dma_start3A_318] : memref<10x80x128xf32, #tpu.memory_space<vmem>> -> memref<1x80x128xf32, #tpu.memory_space<vmem>>
    %dma_start3A_320 = tpu.memref_squeeze %dma_start3A_319 : memref<1x80x128xf32, #tpu.memory_space<vmem>> -> memref<80x128xf32, #tpu.memory_space<vmem>>
    %dma_start3A_321 = arith.constant 960 : i32
    %dma_start3A_322 = tpu.memref_slice %arg5[%dma_start3A_321] : memref<6400xi32, #tpu.memory_space<vmem>> -> memref<80xi32, #tpu.memory_space<vmem>>
    %dma_start3A_323 = arith.constant 0 : i32
    %dma_start3A_324 = arith.constant 0 : i32
    %dma_start3A_325 = tpu.memref_slice %arg2[%dma_start3A_323, %dma_start3A_324] : memref<100000x128xf32, #tpu.memory_space<hbm>> -> memref<100000x128xf32, #tpu.memory_space<hbm>>
    tpu.enqueue_indirect_dma source(%dma_start3A_325 : memref<100000x128xf32, #tpu.memory_space<hbm>>) target(%dma_start3A_320 : memref<80x128xf32, #tpu.memory_space<vmem>>) offsets(%dma_start3A_322 : memref<80xi32, #tpu.memory_space<vmem>>) semaphore(%arg9 : memref<!tpu.dma_semaphore, #tpu.memory_space<semaphore_mem>>)
    %dma_wait3A_326 = arith.constant 6 : i32
    %dma_wait3A_327 = arith.constant 0 : i32
    %dma_wait3A_328 = arith.constant 0 : i32
    %dma_wait3A_329 = tpu.memref_slice %arg6[%dma_wait3A_326, %dma_wait3A_327, %dma_wait3A_328] : memref<10x80x128xf32, #tpu.memory_space<vmem>> -> memref<1x80x128xf32, #tpu.memory_space<vmem>>
    %dma_wait3A_330 = tpu.memref_squeeze %dma_wait3A_329 : memref<1x80x128xf32, #tpu.memory_space<vmem>> -> memref<80x128xf32, #tpu.memory_space<vmem>>
    %dma_wait3A_331 = arith.constant 480 : i32
    %dma_wait3A_332 = tpu.memref_slice %arg5[%dma_wait3A_331] : memref<6400xi32, #tpu.memory_space<vmem>> -> memref<80xi32, #tpu.memory_space<vmem>>
    %dma_wait3A_333 = arith.constant 0 : i32
    %dma_wait3A_334 = arith.constant 0 : i32
    %dma_wait3A_335 = tpu.memref_slice %arg2[%dma_wait3A_333, %dma_wait3A_334] : memref<100000x128xf32, #tpu.memory_space<hbm>> -> memref<100000x128xf32, #tpu.memory_space<hbm>>
    tpu.wait_indirect_dma semaphore(%arg13 : memref<!tpu.dma_semaphore, #tpu.memory_space<semaphore_mem>>) src(%dma_wait3A_335 : memref<100000x128xf32, #tpu.memory_space<hbm>>) dst(%dma_wait3A_330 : memref<80x128xf32, #tpu.memory_space<vmem>>)
    %add3A_336 = arith.constant 480 : i32
    %add3A_337 = arith.addi %mul3A_2, %add3A_336 : i32
    %dma_start3A_338 = arith.constant 6 : i32
    %dma_start3A_339 = arith.constant 0 : i32
    %dma_start3A_340 = arith.constant 0 : i32
    %dma_start3A_341 = tpu.memref_slice %arg6[%dma_start3A_338, %dma_start3A_339, %dma_start3A_340] : memref<10x80x128xf32, #tpu.memory_space<vmem>> -> memref<1x80x128xf32, #tpu.memory_space<vmem>>
    %dma_start3A_342 = tpu.memref_squeeze %dma_start3A_341 : memref<1x80x128xf32, #tpu.memory_space<vmem>> -> memref<80x128xf32, #tpu.memory_space<vmem>>
    %dma_start3A_343 = arith.constant 0 : i32
    %dma_start3A_344 = tpu.memref_slice %arg4[%add3A_337, %dma_start3A_343] : memref<204800x128xf32, #tpu.memory_space<hbm>> -> memref<80x128xf32, #tpu.memory_space<hbm>>
    %dma_start3A_345 = arith.constant 0 : i32
    %dma_start3A_346 = tpu.memref_slice %arg4[%add3A_337, %dma_start3A_345] : memref<204800x128xf32, #tpu.memory_space<hbm>> -> memref<80x128xf32, #tpu.memory_space<hbm>>
    %dma_start3A_347 = arith.constant 0 : i32
    %dma_start3A_348 = arith.constant 0 : i32
    %dma_start3A_349 = tpu.memref_slice %arg6[%dma_start3A_338, %dma_start3A_347, %dma_start3A_348] : memref<10x80x128xf32, #tpu.memory_space<vmem>> -> memref<1x80x128xf32, #tpu.memory_space<vmem>>
    %dma_start3A_350 = tpu.memref_squeeze %dma_start3A_349 : memref<1x80x128xf32, #tpu.memory_space<vmem>> -> memref<80x128xf32, #tpu.memory_space<vmem>>
    tpu.enqueue_dma source(%dma_start3A_350 : memref<80x128xf32, #tpu.memory_space<vmem>>) target(%dma_start3A_346 : memref<80x128xf32, #tpu.memory_space<hbm>>) target_semaphore(%arg23 : memref<!tpu.dma_semaphore, #tpu.memory_space<semaphore_mem>>)
    %add3A_351 = arith.constant 240 : i32
    %add3A_352 = arith.addi %mul3A_2, %add3A_351 : i32
    %dma_wait3A_353 = arith.constant 3 : i32
    %dma_wait3A_354 = arith.constant 0 : i32
    %dma_wait3A_355 = arith.constant 0 : i32
    %dma_wait3A_356 = tpu.memref_slice %arg6[%dma_wait3A_353, %dma_wait3A_354, %dma_wait3A_355] : memref<10x80x128xf32, #tpu.memory_space<vmem>> -> memref<1x80x128xf32, #tpu.memory_space<vmem>>
    %dma_wait3A_357 = tpu.memref_squeeze %dma_wait3A_356 : memref<1x80x128xf32, #tpu.memory_space<vmem>> -> memref<80x128xf32, #tpu.memory_space<vmem>>
    %dma_wait3A_358 = arith.constant 0 : i32
    %dma_wait3A_359 = tpu.memref_slice %arg4[%add3A_352, %dma_wait3A_358] : memref<204800x128xf32, #tpu.memory_space<hbm>> -> memref<80x128xf32, #tpu.memory_space<hbm>>
    %dma_wait3A_360 = arith.constant 0 : i32
    %dma_wait3A_361 = tpu.memref_slice %arg4[%add3A_352, %dma_wait3A_360] : memref<204800x128xf32, #tpu.memory_space<hbm>> -> memref<80x128xf32, #tpu.memory_space<hbm>>
    %dma_wait3A_362 = arith.constant 0 : i32
    %dma_wait3A_363 = arith.constant 0 : i32
    %dma_wait3A_364 = tpu.memref_slice %arg6[%dma_wait3A_353, %dma_wait3A_362, %dma_wait3A_363] : memref<10x80x128xf32, #tpu.memory_space<vmem>> -> memref<1x80x128xf32, #tpu.memory_space<vmem>>
    %dma_wait3A_365 = tpu.memref_squeeze %dma_wait3A_364 : memref<1x80x128xf32, #tpu.memory_space<vmem>> -> memref<80x128xf32, #tpu.memory_space<vmem>>
    tpu.wait_dma2 semaphore(%arg20 : memref<!tpu.dma_semaphore, #tpu.memory_space<semaphore_mem>>) src(%dma_wait3A_365 : memref<80x128xf32, #tpu.memory_space<vmem>>) dst(%dma_wait3A_361 : memref<80x128xf32, #tpu.memory_space<hbm>>)
    %dma_start3A_366 = arith.constant 3 : i32
    %dma_start3A_367 = arith.constant 0 : i32
    %dma_start3A_368 = arith.constant 0 : i32
    %dma_start3A_369 = tpu.memref_slice %arg6[%dma_start3A_366, %dma_start3A_367, %dma_start3A_368] : memref<10x80x128xf32, #tpu.memory_space<vmem>> -> memref<1x80x128xf32, #tpu.memory_space<vmem>>
    %dma_start3A_370 = tpu.memref_squeeze %dma_start3A_369 : memref<1x80x128xf32, #tpu.memory_space<vmem>> -> memref<80x128xf32, #tpu.memory_space<vmem>>
    %dma_start3A_371 = arith.constant 1040 : i32
    %dma_start3A_372 = tpu.memref_slice %arg5[%dma_start3A_371] : memref<6400xi32, #tpu.memory_space<vmem>> -> memref<80xi32, #tpu.memory_space<vmem>>
    %dma_start3A_373 = arith.constant 0 : i32
    %dma_start3A_374 = arith.constant 0 : i32
    %dma_start3A_375 = tpu.memref_slice %arg2[%dma_start3A_373, %dma_start3A_374] : memref<100000x128xf32, #tpu.memory_space<hbm>> -> memref<100000x128xf32, #tpu.memory_space<hbm>>
    tpu.enqueue_indirect_dma source(%dma_start3A_375 : memref<100000x128xf32, #tpu.memory_space<hbm>>) target(%dma_start3A_370 : memref<80x128xf32, #tpu.memory_space<vmem>>) offsets(%dma_start3A_372 : memref<80xi32, #tpu.memory_space<vmem>>) semaphore(%arg10 : memref<!tpu.dma_semaphore, #tpu.memory_space<semaphore_mem>>)
    %dma_wait3A_376 = arith.constant 7 : i32
    %dma_wait3A_377 = arith.constant 0 : i32
    %dma_wait3A_378 = arith.constant 0 : i32
    %dma_wait3A_379 = tpu.memref_slice %arg6[%dma_wait3A_376, %dma_wait3A_377, %dma_wait3A_378] : memref<10x80x128xf32, #tpu.memory_space<vmem>> -> memref<1x80x128xf32, #tpu.memory_space<vmem>>
    %dma_wait3A_380 = tpu.memref_squeeze %dma_wait3A_379 : memref<1x80x128xf32, #tpu.memory_space<vmem>> -> memref<80x128xf32, #tpu.memory_space<vmem>>
    %dma_wait3A_381 = arith.constant 560 : i32
    %dma_wait3A_382 = tpu.memref_slice %arg5[%dma_wait3A_381] : memref<6400xi32, #tpu.memory_space<vmem>> -> memref<80xi32, #tpu.memory_space<vmem>>
    %dma_wait3A_383 = arith.constant 0 : i32
    %dma_wait3A_384 = arith.constant 0 : i32
    %dma_wait3A_385 = tpu.memref_slice %arg2[%dma_wait3A_383, %dma_wait3A_384] : memref<100000x128xf32, #tpu.memory_space<hbm>> -> memref<100000x128xf32, #tpu.memory_space<hbm>>
    tpu.wait_indirect_dma semaphore(%arg14 : memref<!tpu.dma_semaphore, #tpu.memory_space<semaphore_mem>>) src(%dma_wait3A_385 : memref<100000x128xf32, #tpu.memory_space<hbm>>) dst(%dma_wait3A_380 : memref<80x128xf32, #tpu.memory_space<vmem>>)
    %add3A_386 = arith.constant 560 : i32
    %add3A_387 = arith.addi %mul3A_2, %add3A_386 : i32
    %dma_start3A_388 = arith.constant 7 : i32
    %dma_start3A_389 = arith.constant 0 : i32
    %dma_start3A_390 = arith.constant 0 : i32
    %dma_start3A_391 = tpu.memref_slice %arg6[%dma_start3A_388, %dma_start3A_389, %dma_start3A_390] : memref<10x80x128xf32, #tpu.memory_space<vmem>> -> memref<1x80x128xf32, #tpu.memory_space<vmem>>
    %dma_start3A_392 = tpu.memref_squeeze %dma_start3A_391 : memref<1x80x128xf32, #tpu.memory_space<vmem>> -> memref<80x128xf32, #tpu.memory_space<vmem>>
    %dma_start3A_393 = arith.constant 0 : i32
    %dma_start3A_394 = tpu.memref_slice %arg4[%add3A_387, %dma_start3A_393] : memref<204800x128xf32, #tpu.memory_space<hbm>> -> memref<80x128xf32, #tpu.memory_space<hbm>>
    %dma_start3A_395 = arith.constant 0 : i32
    %dma_start3A_396 = tpu.memref_slice %arg4[%add3A_387, %dma_start3A_395] : memref<204800x128xf32, #tpu.memory_space<hbm>> -> memref<80x128xf32, #tpu.memory_space<hbm>>
    %dma_start3A_397 = arith.constant 0 : i32
    %dma_start3A_398 = arith.constant 0 : i32
    %dma_start3A_399 = tpu.memref_slice %arg6[%dma_start3A_388, %dma_start3A_397, %dma_start3A_398] : memref<10x80x128xf32, #tpu.memory_space<vmem>> -> memref<1x80x128xf32, #tpu.memory_space<vmem>>
    %dma_start3A_400 = tpu.memref_squeeze %dma_start3A_399 : memref<1x80x128xf32, #tpu.memory_space<vmem>> -> memref<80x128xf32, #tpu.memory_space<vmem>>
    tpu.enqueue_dma source(%dma_start3A_400 : memref<80x128xf32, #tpu.memory_space<vmem>>) target(%dma_start3A_396 : memref<80x128xf32, #tpu.memory_space<hbm>>) target_semaphore(%arg24 : memref<!tpu.dma_semaphore, #tpu.memory_space<semaphore_mem>>)
    %add3A_401 = arith.constant 320 : i32
    %add3A_402 = arith.addi %mul3A_2, %add3A_401 : i32
    %dma_wait3A_403 = arith.constant 4 : i32
    %dma_wait3A_404 = arith.constant 0 : i32
    %dma_wait3A_405 = arith.constant 0 : i32
    %dma_wait3A_406 = tpu.memref_slice %arg6[%dma_wait3A_403, %dma_wait3A_404, %dma_wait3A_405] : memref<10x80x128xf32, #tpu.memory_space<vmem>> -> memref<1x80x128xf32, #tpu.memory_space<vmem>>
    %dma_wait3A_407 = tpu.memref_squeeze %dma_wait3A_406 : memref<1x80x128xf32, #tpu.memory_space<vmem>> -> memref<80x128xf32, #tpu.memory_space<vmem>>
    %dma_wait3A_408 = arith.constant 0 : i32
    %dma_wait3A_409 = tpu.memref_slice %arg4[%add3A_402, %dma_wait3A_408] : memref<204800x128xf32, #tpu.memory_space<hbm>> -> memref<80x128xf32, #tpu.memory_space<hbm>>
    %dma_wait3A_410 = arith.constant 0 : i32
    %dma_wait3A_411 = tpu.memref_slice %arg4[%add3A_402, %dma_wait3A_410] : memref<204800x128xf32, #tpu.memory_space<hbm>> -> memref<80x128xf32, #tpu.memory_space<hbm>>
    %dma_wait3A_412 = arith.constant 0 : i32
    %dma_wait3A_413 = arith.constant 0 : i32
    %dma_wait3A_414 = tpu.memref_slice %arg6[%dma_wait3A_403, %dma_wait3A_412, %dma_wait3A_413] : memref<10x80x128xf32, #tpu.memory_space<vmem>> -> memref<1x80x128xf32, #tpu.memory_space<vmem>>
    %dma_wait3A_415 = tpu.memref_squeeze %dma_wait3A_414 : memref<1x80x128xf32, #tpu.memory_space<vmem>> -> memref<80x128xf32, #tpu.memory_space<vmem>>
    tpu.wait_dma2 semaphore(%arg21 : memref<!tpu.dma_semaphore, #tpu.memory_space<semaphore_mem>>) src(%dma_wait3A_415 : memref<80x128xf32, #tpu.memory_space<vmem>>) dst(%dma_wait3A_411 : memref<80x128xf32, #tpu.memory_space<hbm>>)
    %dma_start3A_416 = arith.constant 4 : i32
    %dma_start3A_417 = arith.constant 0 : i32
    %dma_start3A_418 = arith.constant 0 : i32
    %dma_start3A_419 = tpu.memref_slice %arg6[%dma_start3A_416, %dma_start3A_417, %dma_start3A_418] : memref<10x80x128xf32, #tpu.memory_space<vmem>> -> memref<1x80x128xf32, #tpu.memory_space<vmem>>
    %dma_start3A_420 = tpu.memref_squeeze %dma_start3A_419 : memref<1x80x128xf32, #tpu.memory_space<vmem>> -> memref<80x128xf32, #tpu.memory_space<vmem>>
    %dma_start3A_421 = arith.constant 1120 : i32
    %dma_start3A_422 = tpu.memref_slice %arg5[%dma_start3A_421] : memref<6400xi32, #tpu.memory_space<vmem>> -> memref<80xi32, #tpu.memory_space<vmem>>
    %dma_start3A_423 = arith.constant 0 : i32
    %dma_start3A_424 = arith.constant 0 : i32
    %dma_start3A_425 = tpu.memref_slice %arg2[%dma_start3A_423, %dma_start3A_424] : memref<100000x128xf32, #tpu.memory_space<hbm>> -> memref<100000x128xf32, #tpu.memory_space<hbm>>
    tpu.enqueue_indirect_dma source(%dma_start3A_425 : memref<100000x128xf32, #tpu.memory_space<hbm>>) target(%dma_start3A_420 : memref<80x128xf32, #tpu.memory_space<vmem>>) offsets(%dma_start3A_422 : memref<80xi32, #tpu.memory_space<vmem>>) semaphore(%arg11 : memref<!tpu.dma_semaphore, #tpu.memory_space<semaphore_mem>>)
    %dma_wait3A_426 = arith.constant 8 : i32
    %dma_wait3A_427 = arith.constant 0 : i32
    %dma_wait3A_428 = arith.constant 0 : i32
    %dma_wait3A_429 = tpu.memref_slice %arg6[%dma_wait3A_426, %dma_wait3A_427, %dma_wait3A_428] : memref<10x80x128xf32, #tpu.memory_space<vmem>> -> memref<1x80x128xf32, #tpu.memory_space<vmem>>
    %dma_wait3A_430 = tpu.memref_squeeze %dma_wait3A_429 : memref<1x80x128xf32, #tpu.memory_space<vmem>> -> memref<80x128xf32, #tpu.memory_space<vmem>>
    %dma_wait3A_431 = arith.constant 640 : i32
    %dma_wait3A_432 = tpu.memref_slice %arg5[%dma_wait3A_431] : memref<6400xi32, #tpu.memory_space<vmem>> -> memref<80xi32, #tpu.memory_space<vmem>>
    %dma_wait3A_433 = arith.constant 0 : i32
    %dma_wait3A_434 = arith.constant 0 : i32
    %dma_wait3A_435 = tpu.memref_slice %arg2[%dma_wait3A_433, %dma_wait3A_434] : memref<100000x128xf32, #tpu.memory_space<hbm>> -> memref<100000x128xf32, #tpu.memory_space<hbm>>
    tpu.wait_indirect_dma semaphore(%arg15 : memref<!tpu.dma_semaphore, #tpu.memory_space<semaphore_mem>>) src(%dma_wait3A_435 : memref<100000x128xf32, #tpu.memory_space<hbm>>) dst(%dma_wait3A_430 : memref<80x128xf32, #tpu.memory_space<vmem>>)
    %add3A_436 = arith.constant 640 : i32
    %add3A_437 = arith.addi %mul3A_2, %add3A_436 : i32
    %dma_start3A_438 = arith.constant 8 : i32
    %dma_start3A_439 = arith.constant 0 : i32
    %dma_start3A_440 = arith.constant 0 : i32
    %dma_start3A_441 = tpu.memref_slice %arg6[%dma_start3A_438, %dma_start3A_439, %dma_start3A_440] : memref<10x80x128xf32, #tpu.memory_space<vmem>> -> memref<1x80x128xf32, #tpu.memory_space<vmem>>
    %dma_start3A_442 = tpu.memref_squeeze %dma_start3A_441 : memref<1x80x128xf32, #tpu.memory_space<vmem>> -> memref<80x128xf32, #tpu.memory_space<vmem>>
    %dma_start3A_443 = arith.constant 0 : i32
    %dma_start3A_444 = tpu.memref_slice %arg4[%add3A_437, %dma_start3A_443] : memref<204800x128xf32, #tpu.memory_space<hbm>> -> memref<80x128xf32, #tpu.memory_space<hbm>>
    %dma_start3A_445 = arith.constant 0 : i32
    %dma_start3A_446 = tpu.memref_slice %arg4[%add3A_437, %dma_start3A_445] : memref<204800x128xf32, #tpu.memory_space<hbm>> -> memref<80x128xf32, #tpu.memory_space<hbm>>
    %dma_start3A_447 = arith.constant 0 : i32
    %dma_start3A_448 = arith.constant 0 : i32
    %dma_start3A_449 = tpu.memref_slice %arg6[%dma_start3A_438, %dma_start3A_447, %dma_start3A_448] : memref<10x80x128xf32, #tpu.memory_space<vmem>> -> memref<1x80x128xf32, #tpu.memory_space<vmem>>
    %dma_start3A_450 = tpu.memref_squeeze %dma_start3A_449 : memref<1x80x128xf32, #tpu.memory_space<vmem>> -> memref<80x128xf32, #tpu.memory_space<vmem>>
    tpu.enqueue_dma source(%dma_start3A_450 : memref<80x128xf32, #tpu.memory_space<vmem>>) target(%dma_start3A_446 : memref<80x128xf32, #tpu.memory_space<hbm>>) target_semaphore(%arg25 : memref<!tpu.dma_semaphore, #tpu.memory_space<semaphore_mem>>)
    %add3A_451 = arith.constant 400 : i32
    %add3A_452 = arith.addi %mul3A_2, %add3A_451 : i32
    %dma_wait3A_453 = arith.constant 5 : i32
    %dma_wait3A_454 = arith.constant 0 : i32
    %dma_wait3A_455 = arith.constant 0 : i32
    %dma_wait3A_456 = tpu.memref_slice %arg6[%dma_wait3A_453, %dma_wait3A_454, %dma_wait3A_455] : memref<10x80x128xf32, #tpu.memory_space<vmem>> -> memref<1x80x128xf32, #tpu.memory_space<vmem>>
    %dma_wait3A_457 = tpu.memref_squeeze %dma_wait3A_456 : memref<1x80x128xf32, #tpu.memory_space<vmem>> -> memref<80x128xf32, #tpu.memory_space<vmem>>
    %dma_wait3A_458 = arith.constant 0 : i32
    %dma_wait3A_459 = tpu.memref_slice %arg4[%add3A_452, %dma_wait3A_458] : memref<204800x128xf32, #tpu.memory_space<hbm>> -> memref<80x128xf32, #tpu.memory_space<hbm>>
    %dma_wait3A_460 = arith.constant 0 : i32
    %dma_wait3A_461 = tpu.memref_slice %arg4[%add3A_452, %dma_wait3A_460] : memref<204800x128xf32, #tpu.memory_space<hbm>> -> memref<80x128xf32, #tpu.memory_space<hbm>>
    %dma_wait3A_462 = arith.constant 0 : i32
    %dma_wait3A_463 = arith.constant 0 : i32
    %dma_wait3A_464 = tpu.memref_slice %arg6[%dma_wait3A_453, %dma_wait3A_462, %dma_wait3A_463] : memref<10x80x128xf32, #tpu.memory_space<vmem>> -> memref<1x80x128xf32, #tpu.memory_space<vmem>>
    %dma_wait3A_465 = tpu.memref_squeeze %dma_wait3A_464 : memref<1x80x128xf32, #tpu.memory_space<vmem>> -> memref<80x128xf32, #tpu.memory_space<vmem>>
    tpu.wait_dma2 semaphore(%arg22 : memref<!tpu.dma_semaphore, #tpu.memory_space<semaphore_mem>>) src(%dma_wait3A_465 : memref<80x128xf32, #tpu.memory_space<vmem>>) dst(%dma_wait3A_461 : memref<80x128xf32, #tpu.memory_space<hbm>>)
    %dma_start3A_466 = arith.constant 5 : i32
    %dma_start3A_467 = arith.constant 0 : i32
    %dma_start3A_468 = arith.constant 0 : i32
    %dma_start3A_469 = tpu.memref_slice %arg6[%dma_start3A_466, %dma_start3A_467, %dma_start3A_468] : memref<10x80x128xf32, #tpu.memory_space<vmem>> -> memref<1x80x128xf32, #tpu.memory_space<vmem>>
    %dma_start3A_470 = tpu.memref_squeeze %dma_start3A_469 : memref<1x80x128xf32, #tpu.memory_space<vmem>> -> memref<80x128xf32, #tpu.memory_space<vmem>>
    %dma_start3A_471 = arith.constant 1200 : i32
    %dma_start3A_472 = tpu.memref_slice %arg5[%dma_start3A_471] : memref<6400xi32, #tpu.memory_space<vmem>> -> memref<80xi32, #tpu.memory_space<vmem>>
    %dma_start3A_473 = arith.constant 0 : i32
    %dma_start3A_474 = arith.constant 0 : i32
    %dma_start3A_475 = tpu.memref_slice %arg2[%dma_start3A_473, %dma_start3A_474] : memref<100000x128xf32, #tpu.memory_space<hbm>> -> memref<100000x128xf32, #tpu.memory_space<hbm>>
    tpu.enqueue_indirect_dma source(%dma_start3A_475 : memref<100000x128xf32, #tpu.memory_space<hbm>>) target(%dma_start3A_470 : memref<80x128xf32, #tpu.memory_space<vmem>>) offsets(%dma_start3A_472 : memref<80xi32, #tpu.memory_space<vmem>>) semaphore(%arg12 : memref<!tpu.dma_semaphore, #tpu.memory_space<semaphore_mem>>)
    %dma_wait3A_476 = arith.constant 9 : i32
    %dma_wait3A_477 = arith.constant 0 : i32
    %dma_wait3A_478 = arith.constant 0 : i32
    %dma_wait3A_479 = tpu.memref_slice %arg6[%dma_wait3A_476, %dma_wait3A_477, %dma_wait3A_478] : memref<10x80x128xf32, #tpu.memory_space<vmem>> -> memref<1x80x128xf32, #tpu.memory_space<vmem>>
    %dma_wait3A_480 = tpu.memref_squeeze %dma_wait3A_479 : memref<1x80x128xf32, #tpu.memory_space<vmem>> -> memref<80x128xf32, #tpu.memory_space<vmem>>
    %dma_wait3A_481 = arith.constant 720 : i32
    %dma_wait3A_482 = tpu.memref_slice %arg5[%dma_wait3A_481] : memref<6400xi32, #tpu.memory_space<vmem>> -> memref<80xi32, #tpu.memory_space<vmem>>
    %dma_wait3A_483 = arith.constant 0 : i32
    %dma_wait3A_484 = arith.constant 0 : i32
    %dma_wait3A_485 = tpu.memref_slice %arg2[%dma_wait3A_483, %dma_wait3A_484] : memref<100000x128xf32, #tpu.memory_space<hbm>> -> memref<100000x128xf32, #tpu.memory_space<hbm>>
    tpu.wait_indirect_dma semaphore(%arg16 : memref<!tpu.dma_semaphore, #tpu.memory_space<semaphore_mem>>) src(%dma_wait3A_485 : memref<100000x128xf32, #tpu.memory_space<hbm>>) dst(%dma_wait3A_480 : memref<80x128xf32, #tpu.memory_space<vmem>>)
    %add3A_486 = arith.constant 720 : i32
    %add3A_487 = arith.addi %mul3A_2, %add3A_486 : i32
    %dma_start3A_488 = arith.constant 9 : i32
    %dma_start3A_489 = arith.constant 0 : i32
    %dma_start3A_490 = arith.constant 0 : i32
    %dma_start3A_491 = tpu.memref_slice %arg6[%dma_start3A_488, %dma_start3A_489, %dma_start3A_490] : memref<10x80x128xf32, #tpu.memory_space<vmem>> -> memref<1x80x128xf32, #tpu.memory_space<vmem>>
    %dma_start3A_492 = tpu.memref_squeeze %dma_start3A_491 : memref<1x80x128xf32, #tpu.memory_space<vmem>> -> memref<80x128xf32, #tpu.memory_space<vmem>>
    %dma_start3A_493 = arith.constant 0 : i32
    %dma_start3A_494 = tpu.memref_slice %arg4[%add3A_487, %dma_start3A_493] : memref<204800x128xf32, #tpu.memory_space<hbm>> -> memref<80x128xf32, #tpu.memory_space<hbm>>
    %dma_start3A_495 = arith.constant 0 : i32
    %dma_start3A_496 = tpu.memref_slice %arg4[%add3A_487, %dma_start3A_495] : memref<204800x128xf32, #tpu.memory_space<hbm>> -> memref<80x128xf32, #tpu.memory_space<hbm>>
    %dma_start3A_497 = arith.constant 0 : i32
    %dma_start3A_498 = arith.constant 0 : i32
    %dma_start3A_499 = tpu.memref_slice %arg6[%dma_start3A_488, %dma_start3A_497, %dma_start3A_498] : memref<10x80x128xf32, #tpu.memory_space<vmem>> -> memref<1x80x128xf32, #tpu.memory_space<vmem>>
    %dma_start3A_500 = tpu.memref_squeeze %dma_start3A_499 : memref<1x80x128xf32, #tpu.memory_space<vmem>> -> memref<80x128xf32, #tpu.memory_space<vmem>>
    tpu.enqueue_dma source(%dma_start3A_500 : memref<80x128xf32, #tpu.memory_space<vmem>>) target(%dma_start3A_496 : memref<80x128xf32, #tpu.memory_space<hbm>>) target_semaphore(%arg26 : memref<!tpu.dma_semaphore, #tpu.memory_space<semaphore_mem>>)
    %add3A_501 = arith.constant 480 : i32
    %add3A_502 = arith.addi %mul3A_2, %add3A_501 : i32
    %dma_wait3A_503 = arith.constant 6 : i32
    %dma_wait3A_504 = arith.constant 0 : i32
    %dma_wait3A_505 = arith.constant 0 : i32
    %dma_wait3A_506 = tpu.memref_slice %arg6[%dma_wait3A_503, %dma_wait3A_504, %dma_wait3A_505] : memref<10x80x128xf32, #tpu.memory_space<vmem>> -> memref<1x80x128xf32, #tpu.memory_space<vmem>>
    %dma_wait3A_507 = tpu.memref_squeeze %dma_wait3A_506 : memref<1x80x128xf32, #tpu.memory_space<vmem>> -> memref<80x128xf32, #tpu.memory_space<vmem>>
    %dma_wait3A_508 = arith.constant 0 : i32
    %dma_wait3A_509 = tpu.memref_slice %arg4[%add3A_502, %dma_wait3A_508] : memref<204800x128xf32, #tpu.memory_space<hbm>> -> memref<80x128xf32, #tpu.memory_space<hbm>>
    %dma_wait3A_510 = arith.constant 0 : i32
    %dma_wait3A_511 = tpu.memref_slice %arg4[%add3A_502, %dma_wait3A_510] : memref<204800x128xf32, #tpu.memory_space<hbm>> -> memref<80x128xf32, #tpu.memory_space<hbm>>
    %dma_wait3A_512 = arith.constant 0 : i32
    %dma_wait3A_513 = arith.constant 0 : i32
    %dma_wait3A_514 = tpu.memref_slice %arg6[%dma_wait3A_503, %dma_wait3A_512, %dma_wait3A_513] : memref<10x80x128xf32, #tpu.memory_space<vmem>> -> memref<1x80x128xf32, #tpu.memory_space<vmem>>
    %dma_wait3A_515 = tpu.memref_squeeze %dma_wait3A_514 : memref<1x80x128xf32, #tpu.memory_space<vmem>> -> memref<80x128xf32, #tpu.memory_space<vmem>>
    tpu.wait_dma2 semaphore(%arg23 : memref<!tpu.dma_semaphore, #tpu.memory_space<semaphore_mem>>) src(%dma_wait3A_515 : memref<80x128xf32, #tpu.memory_space<vmem>>) dst(%dma_wait3A_511 : memref<80x128xf32, #tpu.memory_space<hbm>>)
    %dma_start3A_516 = arith.constant 6 : i32
    %dma_start3A_517 = arith.constant 0 : i32
    %dma_start3A_518 = arith.constant 0 : i32
    %dma_start3A_519 = tpu.memref_slice %arg6[%dma_start3A_516, %dma_start3A_517, %dma_start3A_518] : memref<10x80x128xf32, #tpu.memory_space<vmem>> -> memref<1x80x128xf32, #tpu.memory_space<vmem>>
    %dma_start3A_520 = tpu.memref_squeeze %dma_start3A_519 : memref<1x80x128xf32, #tpu.memory_space<vmem>> -> memref<80x128xf32, #tpu.memory_space<vmem>>
    %dma_start3A_521 = arith.constant 1280 : i32
    %dma_start3A_522 = tpu.memref_slice %arg5[%dma_start3A_521] : memref<6400xi32, #tpu.memory_space<vmem>> -> memref<80xi32, #tpu.memory_space<vmem>>
    %dma_start3A_523 = arith.constant 0 : i32
    %dma_start3A_524 = arith.constant 0 : i32
    %dma_start3A_525 = tpu.memref_slice %arg2[%dma_start3A_523, %dma_start3A_524] : memref<100000x128xf32, #tpu.memory_space<hbm>> -> memref<100000x128xf32, #tpu.memory_space<hbm>>
    tpu.enqueue_indirect_dma source(%dma_start3A_525 : memref<100000x128xf32, #tpu.memory_space<hbm>>) target(%dma_start3A_520 : memref<80x128xf32, #tpu.memory_space<vmem>>) offsets(%dma_start3A_522 : memref<80xi32, #tpu.memory_space<vmem>>) semaphore(%arg13 : memref<!tpu.dma_semaphore, #tpu.memory_space<semaphore_mem>>)
    %scan3A = arith.constant 0 : i32
    %scan3A_526 = arith.constant 6 : i32
    %scan3A_527 = arith.addi %scan3A, %scan3A_526 : i32
    %scan3A_528 = arith.constant 1 : i32
    scf.for %scan3A_1005 = %scan3A to %scan3A_527 step %scan3A_528  : i32 {
      %mul3A_1006 = arith.constant 1 : i32
      %mul3A_1007 = arith.muli %scan3A_1005, %mul3A_1006 : i32
      %add3A_1008 = arith.constant 1 : i32
      %add3A_1009 = arith.addi %add3A_1008, %mul3A_1007 : i32
      %mul3A_1010 = arith.constant 10 : i32
      %mul3A_1011 = arith.muli %add3A_1009, %mul3A_1010 : i32
      %add3A_1012 = arith.constant 0 : i32
      %add3A_1013 = arith.addi %mul3A_1011, %add3A_1012 : i32
      %mul3A_1014 = arith.constant 80 : i32
      %mul3A_1015 = arith.muli %add3A_1013, %mul3A_1014 : i32
      %dma_wait3A_1016 = arith.constant 0 : i32
      %dma_wait3A_1017 = arith.constant 0 : i32
      %dma_wait3A_1018 = arith.constant 0 : i32
      %dma_wait3A_1019 = tpu.memref_slice %arg6[%dma_wait3A_1016, %dma_wait3A_1017, %dma_wait3A_1018] : memref<10x80x128xf32, #tpu.memory_space<vmem>> -> memref<1x80x128xf32, #tpu.memory_space<vmem>>
      %dma_wait3A_1020 = tpu.memref_squeeze %dma_wait3A_1019 : memref<1x80x128xf32, #tpu.memory_space<vmem>> -> memref<80x128xf32, #tpu.memory_space<vmem>>
      %dma_wait3A_1021 = tpu.memref_slice %arg5[%mul3A_1015] : memref<6400xi32, #tpu.memory_space<vmem>> -> memref<80xi32, #tpu.memory_space<vmem>>
      %dma_wait3A_1022 = arith.constant 0 : i32
      %dma_wait3A_1023 = arith.constant 0 : i32
      %dma_wait3A_1024 = tpu.memref_slice %arg2[%dma_wait3A_1022, %dma_wait3A_1023] : memref<100000x128xf32, #tpu.memory_space<hbm>> -> memref<100000x128xf32, #tpu.memory_space<hbm>>
      tpu.wait_indirect_dma semaphore(%arg7 : memref<!tpu.dma_semaphore, #tpu.memory_space<semaphore_mem>>) src(%dma_wait3A_1024 : memref<100000x128xf32, #tpu.memory_space<hbm>>) dst(%dma_wait3A_1020 : memref<80x128xf32, #tpu.memory_space<vmem>>)
      %mul3A_1025 = arith.constant 80 : i32
      %mul3A_1026 = arith.muli %add3A_1013, %mul3A_1025 : i32
      %add3A_1027 = arith.addi %mul3A_2, %mul3A_1026 : i32
      %dma_start3A_1028 = arith.constant 0 : i32
      %dma_start3A_1029 = arith.constant 0 : i32
      %dma_start3A_1030 = arith.constant 0 : i32
      %dma_start3A_1031 = tpu.memref_slice %arg6[%dma_start3A_1028, %dma_start3A_1029, %dma_start3A_1030] : memref<10x80x128xf32, #tpu.memory_space<vmem>> -> memref<1x80x128xf32, #tpu.memory_space<vmem>>
      %dma_start3A_1032 = tpu.memref_squeeze %dma_start3A_1031 : memref<1x80x128xf32, #tpu.memory_space<vmem>> -> memref<80x128xf32, #tpu.memory_space<vmem>>
      %dma_start3A_1033 = arith.constant 0 : i32
      %dma_start3A_1034 = tpu.memref_slice %arg4[%add3A_1027, %dma_start3A_1033] : memref<204800x128xf32, #tpu.memory_space<hbm>> -> memref<80x128xf32, #tpu.memory_space<hbm>>
      %dma_start3A_1035 = arith.constant 0 : i32
      %dma_start3A_1036 = tpu.memref_slice %arg4[%add3A_1027, %dma_start3A_1035] : memref<204800x128xf32, #tpu.memory_space<hbm>> -> memref<80x128xf32, #tpu.memory_space<hbm>>
      %dma_start3A_1037 = arith.constant 0 : i32
      %dma_start3A_1038 = arith.constant 0 : i32
      %dma_start3A_1039 = tpu.memref_slice %arg6[%dma_start3A_1028, %dma_start3A_1037, %dma_start3A_1038] : memref<10x80x128xf32, #tpu.memory_space<vmem>> -> memref<1x80x128xf32, #tpu.memory_space<vmem>>
      %dma_start3A_1040 = tpu.memref_squeeze %dma_start3A_1039 : memref<1x80x128xf32, #tpu.memory_space<vmem>> -> memref<80x128xf32, #tpu.memory_space<vmem>>
      tpu.enqueue_dma source(%dma_start3A_1040 : memref<80x128xf32, #tpu.memory_space<vmem>>) target(%dma_start3A_1036 : memref<80x128xf32, #tpu.memory_space<hbm>>) target_semaphore(%arg17 : memref<!tpu.dma_semaphore, #tpu.memory_space<semaphore_mem>>)
      %sub3A = arith.constant 3 : i32
      %sub3A_1041 = arith.subi %add3A_1013, %sub3A : i32
      %mul3A_1042 = arith.constant 80 : i32
      %mul3A_1043 = arith.muli %sub3A_1041, %mul3A_1042 : i32
      %add3A_1044 = arith.addi %mul3A_2, %mul3A_1043 : i32
      %dma_wait3A_1045 = arith.constant 7 : i32
      %dma_wait3A_1046 = arith.constant 0 : i32
      %dma_wait3A_1047 = arith.constant 0 : i32
      %dma_wait3A_1048 = tpu.memref_slice %arg6[%dma_wait3A_1045, %dma_wait3A_1046, %dma_wait3A_1047] : memref<10x80x128xf32, #tpu.memory_space<vmem>> -> memref<1x80x128xf32, #tpu.memory_space<vmem>>
      %dma_wait3A_1049 = tpu.memref_squeeze %dma_wait3A_1048 : memref<1x80x128xf32, #tpu.memory_space<vmem>> -> memref<80x128xf32, #tpu.memory_space<vmem>>
      %dma_wait3A_1050 = arith.constant 0 : i32
      %dma_wait3A_1051 = tpu.memref_slice %arg4[%add3A_1044, %dma_wait3A_1050] : memref<204800x128xf32, #tpu.memory_space<hbm>> -> memref<80x128xf32, #tpu.memory_space<hbm>>
      %dma_wait3A_1052 = arith.constant 0 : i32
      %dma_wait3A_1053 = tpu.memref_slice %arg4[%add3A_1044, %dma_wait3A_1052] : memref<204800x128xf32, #tpu.memory_space<hbm>> -> memref<80x128xf32, #tpu.memory_space<hbm>>
      %dma_wait3A_1054 = arith.constant 0 : i32
      %dma_wait3A_1055 = arith.constant 0 : i32
      %dma_wait3A_1056 = tpu.memref_slice %arg6[%dma_wait3A_1045, %dma_wait3A_1054, %dma_wait3A_1055] : memref<10x80x128xf32, #tpu.memory_space<vmem>> -> memref<1x80x128xf32, #tpu.memory_space<vmem>>
      %dma_wait3A_1057 = tpu.memref_squeeze %dma_wait3A_1056 : memref<1x80x128xf32, #tpu.memory_space<vmem>> -> memref<80x128xf32, #tpu.memory_space<vmem>>
      tpu.wait_dma2 semaphore(%arg24 : memref<!tpu.dma_semaphore, #tpu.memory_space<semaphore_mem>>) src(%dma_wait3A_1057 : memref<80x128xf32, #tpu.memory_space<vmem>>) dst(%dma_wait3A_1053 : memref<80x128xf32, #tpu.memory_space<hbm>>)
      %sub3A_1058 = arith.constant 3 : i32
      %sub3A_1059 = arith.subi %add3A_1013, %sub3A_1058 : i32
      %add3A_1060 = arith.constant 10 : i32
      %add3A_1061 = arith.addi %sub3A_1059, %add3A_1060 : i32
      %mul3A_1062 = arith.constant 80 : i32
      %mul3A_1063 = arith.muli %add3A_1061, %mul3A_1062 : i32
      %dma_start3A_1064 = arith.constant 7 : i32
      %dma_start3A_1065 = arith.constant 0 : i32
      %dma_start3A_1066 = arith.constant 0 : i32
      %dma_start3A_1067 = tpu.memref_slice %arg6[%dma_start3A_1064, %dma_start3A_1065, %dma_start3A_1066] : memref<10x80x128xf32, #tpu.memory_space<vmem>> -> memref<1x80x128xf32, #tpu.memory_space<vmem>>
      %dma_start3A_1068 = tpu.memref_squeeze %dma_start3A_1067 : memref<1x80x128xf32, #tpu.memory_space<vmem>> -> memref<80x128xf32, #tpu.memory_space<vmem>>
      %dma_start3A_1069 = tpu.memref_slice %arg5[%mul3A_1063] : memref<6400xi32, #tpu.memory_space<vmem>> -> memref<80xi32, #tpu.memory_space<vmem>>
      %dma_start3A_1070 = arith.constant 0 : i32
      %dma_start3A_1071 = arith.constant 0 : i32
      %dma_start3A_1072 = tpu.memref_slice %arg2[%dma_start3A_1070, %dma_start3A_1071] : memref<100000x128xf32, #tpu.memory_space<hbm>> -> memref<100000x128xf32, #tpu.memory_space<hbm>>
      tpu.enqueue_indirect_dma source(%dma_start3A_1072 : memref<100000x128xf32, #tpu.memory_space<hbm>>) target(%dma_start3A_1068 : memref<80x128xf32, #tpu.memory_space<vmem>>) offsets(%dma_start3A_1069 : memref<80xi32, #tpu.memory_space<vmem>>) semaphore(%arg14 : memref<!tpu.dma_semaphore, #tpu.memory_space<semaphore_mem>>)
      %mul3A_1073 = arith.constant 10 : i32
      %mul3A_1074 = arith.muli %add3A_1009, %mul3A_1073 : i32
      %add3A_1075 = arith.constant 1 : i32
      %add3A_1076 = arith.addi %mul3A_1074, %add3A_1075 : i32
      %mul3A_1077 = arith.constant 80 : i32
      %mul3A_1078 = arith.muli %add3A_1076, %mul3A_1077 : i32
      %dma_wait3A_1079 = arith.constant 1 : i32
      %dma_wait3A_1080 = arith.constant 0 : i32
      %dma_wait3A_1081 = arith.constant 0 : i32
      %dma_wait3A_1082 = tpu.memref_slice %arg6[%dma_wait3A_1079, %dma_wait3A_1080, %dma_wait3A_1081] : memref<10x80x128xf32, #tpu.memory_space<vmem>> -> memref<1x80x128xf32, #tpu.memory_space<vmem>>
      %dma_wait3A_1083 = tpu.memref_squeeze %dma_wait3A_1082 : memref<1x80x128xf32, #tpu.memory_space<vmem>> -> memref<80x128xf32, #tpu.memory_space<vmem>>
      %dma_wait3A_1084 = tpu.memref_slice %arg5[%mul3A_1078] : memref<6400xi32, #tpu.memory_space<vmem>> -> memref<80xi32, #tpu.memory_space<vmem>>
      %dma_wait3A_1085 = arith.constant 0 : i32
      %dma_wait3A_1086 = arith.constant 0 : i32
      %dma_wait3A_1087 = tpu.memref_slice %arg2[%dma_wait3A_1085, %dma_wait3A_1086] : memref<100000x128xf32, #tpu.memory_space<hbm>> -> memref<100000x128xf32, #tpu.memory_space<hbm>>
      tpu.wait_indirect_dma semaphore(%arg8 : memref<!tpu.dma_semaphore, #tpu.memory_space<semaphore_mem>>) src(%dma_wait3A_1087 : memref<100000x128xf32, #tpu.memory_space<hbm>>) dst(%dma_wait3A_1083 : memref<80x128xf32, #tpu.memory_space<vmem>>)
      %mul3A_1088 = arith.constant 80 : i32
      %mul3A_1089 = arith.muli %add3A_1076, %mul3A_1088 : i32
      %add3A_1090 = arith.addi %mul3A_2, %mul3A_1089 : i32
      %dma_start3A_1091 = arith.constant 1 : i32
      %dma_start3A_1092 = arith.constant 0 : i32
      %dma_start3A_1093 = arith.constant 0 : i32
      %dma_start3A_1094 = tpu.memref_slice %arg6[%dma_start3A_1091, %dma_start3A_1092, %dma_start3A_1093] : memref<10x80x128xf32, #tpu.memory_space<vmem>> -> memref<1x80x128xf32, #tpu.memory_space<vmem>>
      %dma_start3A_1095 = tpu.memref_squeeze %dma_start3A_1094 : memref<1x80x128xf32, #tpu.memory_space<vmem>> -> memref<80x128xf32, #tpu.memory_space<vmem>>
      %dma_start3A_1096 = arith.constant 0 : i32
      %dma_start3A_1097 = tpu.memref_slice %arg4[%add3A_1090, %dma_start3A_1096] : memref<204800x128xf32, #tpu.memory_space<hbm>> -> memref<80x128xf32, #tpu.memory_space<hbm>>
      %dma_start3A_1098 = arith.constant 0 : i32
      %dma_start3A_1099 = tpu.memref_slice %arg4[%add3A_1090, %dma_start3A_1098] : memref<204800x128xf32, #tpu.memory_space<hbm>> -> memref<80x128xf32, #tpu.memory_space<hbm>>
      %dma_start3A_1100 = arith.constant 0 : i32
      %dma_start3A_1101 = arith.constant 0 : i32
      %dma_start3A_1102 = tpu.memref_slice %arg6[%dma_start3A_1091, %dma_start3A_1100, %dma_start3A_1101] : memref<10x80x128xf32, #tpu.memory_space<vmem>> -> memref<1x80x128xf32, #tpu.memory_space<vmem>>
      %dma_start3A_1103 = tpu.memref_squeeze %dma_start3A_1102 : memref<1x80x128xf32, #tpu.memory_space<vmem>> -> memref<80x128xf32, #tpu.memory_space<vmem>>
      tpu.enqueue_dma source(%dma_start3A_1103 : memref<80x128xf32, #tpu.memory_space<vmem>>) target(%dma_start3A_1099 : memref<80x128xf32, #tpu.memory_space<hbm>>) target_semaphore(%arg18 : memref<!tpu.dma_semaphore, #tpu.memory_space<semaphore_mem>>)
      %sub3A_1104 = arith.constant 3 : i32
      %sub3A_1105 = arith.subi %add3A_1076, %sub3A_1104 : i32
      %mul3A_1106 = arith.constant 80 : i32
      %mul3A_1107 = arith.muli %sub3A_1105, %mul3A_1106 : i32
      %add3A_1108 = arith.addi %mul3A_2, %mul3A_1107 : i32
      %dma_wait3A_1109 = arith.constant 8 : i32
      %dma_wait3A_1110 = arith.constant 0 : i32
      %dma_wait3A_1111 = arith.constant 0 : i32
      %dma_wait3A_1112 = tpu.memref_slice %arg6[%dma_wait3A_1109, %dma_wait3A_1110, %dma_wait3A_1111] : memref<10x80x128xf32, #tpu.memory_space<vmem>> -> memref<1x80x128xf32, #tpu.memory_space<vmem>>
      %dma_wait3A_1113 = tpu.memref_squeeze %dma_wait3A_1112 : memref<1x80x128xf32, #tpu.memory_space<vmem>> -> memref<80x128xf32, #tpu.memory_space<vmem>>
      %dma_wait3A_1114 = arith.constant 0 : i32
      %dma_wait3A_1115 = tpu.memref_slice %arg4[%add3A_1108, %dma_wait3A_1114] : memref<204800x128xf32, #tpu.memory_space<hbm>> -> memref<80x128xf32, #tpu.memory_space<hbm>>
      %dma_wait3A_1116 = arith.constant 0 : i32
      %dma_wait3A_1117 = tpu.memref_slice %arg4[%add3A_1108, %dma_wait3A_1116] : memref<204800x128xf32, #tpu.memory_space<hbm>> -> memref<80x128xf32, #tpu.memory_space<hbm>>
      %dma_wait3A_1118 = arith.constant 0 : i32
      %dma_wait3A_1119 = arith.constant 0 : i32
      %dma_wait3A_1120 = tpu.memref_slice %arg6[%dma_wait3A_1109, %dma_wait3A_1118, %dma_wait3A_1119] : memref<10x80x128xf32, #tpu.memory_space<vmem>> -> memref<1x80x128xf32, #tpu.memory_space<vmem>>
      %dma_wait3A_1121 = tpu.memref_squeeze %dma_wait3A_1120 : memref<1x80x128xf32, #tpu.memory_space<vmem>> -> memref<80x128xf32, #tpu.memory_space<vmem>>
      tpu.wait_dma2 semaphore(%arg25 : memref<!tpu.dma_semaphore, #tpu.memory_space<semaphore_mem>>) src(%dma_wait3A_1121 : memref<80x128xf32, #tpu.memory_space<vmem>>) dst(%dma_wait3A_1117 : memref<80x128xf32, #tpu.memory_space<hbm>>)
      %sub3A_1122 = arith.constant 3 : i32
      %sub3A_1123 = arith.subi %add3A_1076, %sub3A_1122 : i32
      %add3A_1124 = arith.constant 10 : i32
      %add3A_1125 = arith.addi %sub3A_1123, %add3A_1124 : i32
      %mul3A_1126 = arith.constant 80 : i32
      %mul3A_1127 = arith.muli %add3A_1125, %mul3A_1126 : i32
      %dma_start3A_1128 = arith.constant 8 : i32
      %dma_start3A_1129 = arith.constant 0 : i32
      %dma_start3A_1130 = arith.constant 0 : i32
      %dma_start3A_1131 = tpu.memref_slice %arg6[%dma_start3A_1128, %dma_start3A_1129, %dma_start3A_1130] : memref<10x80x128xf32, #tpu.memory_space<vmem>> -> memref<1x80x128xf32, #tpu.memory_space<vmem>>
      %dma_start3A_1132 = tpu.memref_squeeze %dma_start3A_1131 : memref<1x80x128xf32, #tpu.memory_space<vmem>> -> memref<80x128xf32, #tpu.memory_space<vmem>>
      %dma_start3A_1133 = tpu.memref_slice %arg5[%mul3A_1127] : memref<6400xi32, #tpu.memory_space<vmem>> -> memref<80xi32, #tpu.memory_space<vmem>>
      %dma_start3A_1134 = arith.constant 0 : i32
      %dma_start3A_1135 = arith.constant 0 : i32
      %dma_start3A_1136 = tpu.memref_slice %arg2[%dma_start3A_1134, %dma_start3A_1135] : memref<100000x128xf32, #tpu.memory_space<hbm>> -> memref<100000x128xf32, #tpu.memory_space<hbm>>
      tpu.enqueue_indirect_dma source(%dma_start3A_1136 : memref<100000x128xf32, #tpu.memory_space<hbm>>) target(%dma_start3A_1132 : memref<80x128xf32, #tpu.memory_space<vmem>>) offsets(%dma_start3A_1133 : memref<80xi32, #tpu.memory_space<vmem>>) semaphore(%arg15 : memref<!tpu.dma_semaphore, #tpu.memory_space<semaphore_mem>>)
      %mul3A_1137 = arith.constant 10 : i32
      %mul3A_1138 = arith.muli %add3A_1009, %mul3A_1137 : i32
      %add3A_1139 = arith.constant 2 : i32
      %add3A_1140 = arith.addi %mul3A_1138, %add3A_1139 : i32
      %mul3A_1141 = arith.constant 80 : i32
      %mul3A_1142 = arith.muli %add3A_1140, %mul3A_1141 : i32
      %dma_wait3A_1143 = arith.constant 2 : i32
      %dma_wait3A_1144 = arith.constant 0 : i32
      %dma_wait3A_1145 = arith.constant 0 : i32
      %dma_wait3A_1146 = tpu.memref_slice %arg6[%dma_wait3A_1143, %dma_wait3A_1144, %dma_wait3A_1145] : memref<10x80x128xf32, #tpu.memory_space<vmem>> -> memref<1x80x128xf32, #tpu.memory_space<vmem>>
      %dma_wait3A_1147 = tpu.memref_squeeze %dma_wait3A_1146 : memref<1x80x128xf32, #tpu.memory_space<vmem>> -> memref<80x128xf32, #tpu.memory_space<vmem>>
      %dma_wait3A_1148 = tpu.memref_slice %arg5[%mul3A_1142] : memref<6400xi32, #tpu.memory_space<vmem>> -> memref<80xi32, #tpu.memory_space<vmem>>
      %dma_wait3A_1149 = arith.constant 0 : i32
      %dma_wait3A_1150 = arith.constant 0 : i32
      %dma_wait3A_1151 = tpu.memref_slice %arg2[%dma_wait3A_1149, %dma_wait3A_1150] : memref<100000x128xf32, #tpu.memory_space<hbm>> -> memref<100000x128xf32, #tpu.memory_space<hbm>>
      tpu.wait_indirect_dma semaphore(%arg9 : memref<!tpu.dma_semaphore, #tpu.memory_space<semaphore_mem>>) src(%dma_wait3A_1151 : memref<100000x128xf32, #tpu.memory_space<hbm>>) dst(%dma_wait3A_1147 : memref<80x128xf32, #tpu.memory_space<vmem>>)
      %mul3A_1152 = arith.constant 80 : i32
      %mul3A_1153 = arith.muli %add3A_1140, %mul3A_1152 : i32
      %add3A_1154 = arith.addi %mul3A_2, %mul3A_1153 : i32
      %dma_start3A_1155 = arith.constant 2 : i32
      %dma_start3A_1156 = arith.constant 0 : i32
      %dma_start3A_1157 = arith.constant 0 : i32
      %dma_start3A_1158 = tpu.memref_slice %arg6[%dma_start3A_1155, %dma_start3A_1156, %dma_start3A_1157] : memref<10x80x128xf32, #tpu.memory_space<vmem>> -> memref<1x80x128xf32, #tpu.memory_space<vmem>>
      %dma_start3A_1159 = tpu.memref_squeeze %dma_start3A_1158 : memref<1x80x128xf32, #tpu.memory_space<vmem>> -> memref<80x128xf32, #tpu.memory_space<vmem>>
      %dma_start3A_1160 = arith.constant 0 : i32
      %dma_start3A_1161 = tpu.memref_slice %arg4[%add3A_1154, %dma_start3A_1160] : memref<204800x128xf32, #tpu.memory_space<hbm>> -> memref<80x128xf32, #tpu.memory_space<hbm>>
      %dma_start3A_1162 = arith.constant 0 : i32
      %dma_start3A_1163 = tpu.memref_slice %arg4[%add3A_1154, %dma_start3A_1162] : memref<204800x128xf32, #tpu.memory_space<hbm>> -> memref<80x128xf32, #tpu.memory_space<hbm>>
      %dma_start3A_1164 = arith.constant 0 : i32
      %dma_start3A_1165 = arith.constant 0 : i32
      %dma_start3A_1166 = tpu.memref_slice %arg6[%dma_start3A_1155, %dma_start3A_1164, %dma_start3A_1165] : memref<10x80x128xf32, #tpu.memory_space<vmem>> -> memref<1x80x128xf32, #tpu.memory_space<vmem>>
      %dma_start3A_1167 = tpu.memref_squeeze %dma_start3A_1166 : memref<1x80x128xf32, #tpu.memory_space<vmem>> -> memref<80x128xf32, #tpu.memory_space<vmem>>
      tpu.enqueue_dma source(%dma_start3A_1167 : memref<80x128xf32, #tpu.memory_space<vmem>>) target(%dma_start3A_1163 : memref<80x128xf32, #tpu.memory_space<hbm>>) target_semaphore(%arg19 : memref<!tpu.dma_semaphore, #tpu.memory_space<semaphore_mem>>)
      %sub3A_1168 = arith.constant 3 : i32
      %sub3A_1169 = arith.subi %add3A_1140, %sub3A_1168 : i32
      %mul3A_1170 = arith.constant 80 : i32
      %mul3A_1171 = arith.muli %sub3A_1169, %mul3A_1170 : i32
      %add3A_1172 = arith.addi %mul3A_2, %mul3A_1171 : i32
      %dma_wait3A_1173 = arith.constant 9 : i32
      %dma_wait3A_1174 = arith.constant 0 : i32
      %dma_wait3A_1175 = arith.constant 0 : i32
      %dma_wait3A_1176 = tpu.memref_slice %arg6[%dma_wait3A_1173, %dma_wait3A_1174, %dma_wait3A_1175] : memref<10x80x128xf32, #tpu.memory_space<vmem>> -> memref<1x80x128xf32, #tpu.memory_space<vmem>>
      %dma_wait3A_1177 = tpu.memref_squeeze %dma_wait3A_1176 : memref<1x80x128xf32, #tpu.memory_space<vmem>> -> memref<80x128xf32, #tpu.memory_space<vmem>>
      %dma_wait3A_1178 = arith.constant 0 : i32
      %dma_wait3A_1179 = tpu.memref_slice %arg4[%add3A_1172, %dma_wait3A_1178] : memref<204800x128xf32, #tpu.memory_space<hbm>> -> memref<80x128xf32, #tpu.memory_space<hbm>>
      %dma_wait3A_1180 = arith.constant 0 : i32
      %dma_wait3A_1181 = tpu.memref_slice %arg4[%add3A_1172, %dma_wait3A_1180] : memref<204800x128xf32, #tpu.memory_space<hbm>> -> memref<80x128xf32, #tpu.memory_space<hbm>>
      %dma_wait3A_1182 = arith.constant 0 : i32
      %dma_wait3A_1183 = arith.constant 0 : i32
      %dma_wait3A_1184 = tpu.memref_slice %arg6[%dma_wait3A_1173, %dma_wait3A_1182, %dma_wait3A_1183] : memref<10x80x128xf32, #tpu.memory_space<vmem>> -> memref<1x80x128xf32, #tpu.memory_space<vmem>>
      %dma_wait3A_1185 = tpu.memref_squeeze %dma_wait3A_1184 : memref<1x80x128xf32, #tpu.memory_space<vmem>> -> memref<80x128xf32, #tpu.memory_space<vmem>>
      tpu.wait_dma2 semaphore(%arg26 : memref<!tpu.dma_semaphore, #tpu.memory_space<semaphore_mem>>) src(%dma_wait3A_1185 : memref<80x128xf32, #tpu.memory_space<vmem>>) dst(%dma_wait3A_1181 : memref<80x128xf32, #tpu.memory_space<hbm>>)
      %sub3A_1186 = arith.constant 3 : i32
      %sub3A_1187 = arith.subi %add3A_1140, %sub3A_1186 : i32
      %add3A_1188 = arith.constant 10 : i32
      %add3A_1189 = arith.addi %sub3A_1187, %add3A_1188 : i32
      %mul3A_1190 = arith.constant 80 : i32
      %mul3A_1191 = arith.muli %add3A_1189, %mul3A_1190 : i32
      %dma_start3A_1192 = arith.constant 9 : i32
      %dma_start3A_1193 = arith.constant 0 : i32
      %dma_start3A_1194 = arith.constant 0 : i32
      %dma_start3A_1195 = tpu.memref_slice %arg6[%dma_start3A_1192, %dma_start3A_1193, %dma_start3A_1194] : memref<10x80x128xf32, #tpu.memory_space<vmem>> -> memref<1x80x128xf32, #tpu.memory_space<vmem>>
      %dma_start3A_1196 = tpu.memref_squeeze %dma_start3A_1195 : memref<1x80x128xf32, #tpu.memory_space<vmem>> -> memref<80x128xf32, #tpu.memory_space<vmem>>
      %dma_start3A_1197 = tpu.memref_slice %arg5[%mul3A_1191] : memref<6400xi32, #tpu.memory_space<vmem>> -> memref<80xi32, #tpu.memory_space<vmem>>
      %dma_start3A_1198 = arith.constant 0 : i32
      %dma_start3A_1199 = arith.constant 0 : i32
      %dma_start3A_1200 = tpu.memref_slice %arg2[%dma_start3A_1198, %dma_start3A_1199] : memref<100000x128xf32, #tpu.memory_space<hbm>> -> memref<100000x128xf32, #tpu.memory_space<hbm>>
      tpu.enqueue_indirect_dma source(%dma_start3A_1200 : memref<100000x128xf32, #tpu.memory_space<hbm>>) target(%dma_start3A_1196 : memref<80x128xf32, #tpu.memory_space<vmem>>) offsets(%dma_start3A_1197 : memref<80xi32, #tpu.memory_space<vmem>>) semaphore(%arg16 : memref<!tpu.dma_semaphore, #tpu.memory_space<semaphore_mem>>)
      %mul3A_1201 = arith.constant 10 : i32
      %mul3A_1202 = arith.muli %add3A_1009, %mul3A_1201 : i32
      %add3A_1203 = arith.constant 3 : i32
      %add3A_1204 = arith.addi %mul3A_1202, %add3A_1203 : i32
      %mul3A_1205 = arith.constant 80 : i32
      %mul3A_1206 = arith.muli %add3A_1204, %mul3A_1205 : i32
      %dma_wait3A_1207 = arith.constant 3 : i32
      %dma_wait3A_1208 = arith.constant 0 : i32
      %dma_wait3A_1209 = arith.constant 0 : i32
      %dma_wait3A_1210 = tpu.memref_slice %arg6[%dma_wait3A_1207, %dma_wait3A_1208, %dma_wait3A_1209] : memref<10x80x128xf32, #tpu.memory_space<vmem>> -> memref<1x80x128xf32, #tpu.memory_space<vmem>>
      %dma_wait3A_1211 = tpu.memref_squeeze %dma_wait3A_1210 : memref<1x80x128xf32, #tpu.memory_space<vmem>> -> memref<80x128xf32, #tpu.memory_space<vmem>>
      %dma_wait3A_1212 = tpu.memref_slice %arg5[%mul3A_1206] : memref<6400xi32, #tpu.memory_space<vmem>> -> memref<80xi32, #tpu.memory_space<vmem>>
      %dma_wait3A_1213 = arith.constant 0 : i32
      %dma_wait3A_1214 = arith.constant 0 : i32
      %dma_wait3A_1215 = tpu.memref_slice %arg2[%dma_wait3A_1213, %dma_wait3A_1214] : memref<100000x128xf32, #tpu.memory_space<hbm>> -> memref<100000x128xf32, #tpu.memory_space<hbm>>
      tpu.wait_indirect_dma semaphore(%arg10 : memref<!tpu.dma_semaphore, #tpu.memory_space<semaphore_mem>>) src(%dma_wait3A_1215 : memref<100000x128xf32, #tpu.memory_space<hbm>>) dst(%dma_wait3A_1211 : memref<80x128xf32, #tpu.memory_space<vmem>>)
      %mul3A_1216 = arith.constant 80 : i32
      %mul3A_1217 = arith.muli %add3A_1204, %mul3A_1216 : i32
      %add3A_1218 = arith.addi %mul3A_2, %mul3A_1217 : i32
      %dma_start3A_1219 = arith.constant 3 : i32
      %dma_start3A_1220 = arith.constant 0 : i32
      %dma_start3A_1221 = arith.constant 0 : i32
      %dma_start3A_1222 = tpu.memref_slice %arg6[%dma_start3A_1219, %dma_start3A_1220, %dma_start3A_1221] : memref<10x80x128xf32, #tpu.memory_space<vmem>> -> memref<1x80x128xf32, #tpu.memory_space<vmem>>
      %dma_start3A_1223 = tpu.memref_squeeze %dma_start3A_1222 : memref<1x80x128xf32, #tpu.memory_space<vmem>> -> memref<80x128xf32, #tpu.memory_space<vmem>>
      %dma_start3A_1224 = arith.constant 0 : i32
      %dma_start3A_1225 = tpu.memref_slice %arg4[%add3A_1218, %dma_start3A_1224] : memref<204800x128xf32, #tpu.memory_space<hbm>> -> memref<80x128xf32, #tpu.memory_space<hbm>>
      %dma_start3A_1226 = arith.constant 0 : i32
      %dma_start3A_1227 = tpu.memref_slice %arg4[%add3A_1218, %dma_start3A_1226] : memref<204800x128xf32, #tpu.memory_space<hbm>> -> memref<80x128xf32, #tpu.memory_space<hbm>>
      %dma_start3A_1228 = arith.constant 0 : i32
      %dma_start3A_1229 = arith.constant 0 : i32
      %dma_start3A_1230 = tpu.memref_slice %arg6[%dma_start3A_1219, %dma_start3A_1228, %dma_start3A_1229] : memref<10x80x128xf32, #tpu.memory_space<vmem>> -> memref<1x80x128xf32, #tpu.memory_space<vmem>>
      %dma_start3A_1231 = tpu.memref_squeeze %dma_start3A_1230 : memref<1x80x128xf32, #tpu.memory_space<vmem>> -> memref<80x128xf32, #tpu.memory_space<vmem>>
      tpu.enqueue_dma source(%dma_start3A_1231 : memref<80x128xf32, #tpu.memory_space<vmem>>) target(%dma_start3A_1227 : memref<80x128xf32, #tpu.memory_space<hbm>>) target_semaphore(%arg20 : memref<!tpu.dma_semaphore, #tpu.memory_space<semaphore_mem>>)
      %sub3A_1232 = arith.constant 3 : i32
      %sub3A_1233 = arith.subi %add3A_1204, %sub3A_1232 : i32
      %mul3A_1234 = arith.constant 80 : i32
      %mul3A_1235 = arith.muli %sub3A_1233, %mul3A_1234 : i32
      %add3A_1236 = arith.addi %mul3A_2, %mul3A_1235 : i32
      %dma_wait3A_1237 = arith.constant 0 : i32
      %dma_wait3A_1238 = arith.constant 0 : i32
      %dma_wait3A_1239 = arith.constant 0 : i32
      %dma_wait3A_1240 = tpu.memref_slice %arg6[%dma_wait3A_1237, %dma_wait3A_1238, %dma_wait3A_1239] : memref<10x80x128xf32, #tpu.memory_space<vmem>> -> memref<1x80x128xf32, #tpu.memory_space<vmem>>
      %dma_wait3A_1241 = tpu.memref_squeeze %dma_wait3A_1240 : memref<1x80x128xf32, #tpu.memory_space<vmem>> -> memref<80x128xf32, #tpu.memory_space<vmem>>
      %dma_wait3A_1242 = arith.constant 0 : i32
      %dma_wait3A_1243 = tpu.memref_slice %arg4[%add3A_1236, %dma_wait3A_1242] : memref<204800x128xf32, #tpu.memory_space<hbm>> -> memref<80x128xf32, #tpu.memory_space<hbm>>
      %dma_wait3A_1244 = arith.constant 0 : i32
      %dma_wait3A_1245 = tpu.memref_slice %arg4[%add3A_1236, %dma_wait3A_1244] : memref<204800x128xf32, #tpu.memory_space<hbm>> -> memref<80x128xf32, #tpu.memory_space<hbm>>
      %dma_wait3A_1246 = arith.constant 0 : i32
      %dma_wait3A_1247 = arith.constant 0 : i32
      %dma_wait3A_1248 = tpu.memref_slice %arg6[%dma_wait3A_1237, %dma_wait3A_1246, %dma_wait3A_1247] : memref<10x80x128xf32, #tpu.memory_space<vmem>> -> memref<1x80x128xf32, #tpu.memory_space<vmem>>
      %dma_wait3A_1249 = tpu.memref_squeeze %dma_wait3A_1248 : memref<1x80x128xf32, #tpu.memory_space<vmem>> -> memref<80x128xf32, #tpu.memory_space<vmem>>
      tpu.wait_dma2 semaphore(%arg17 : memref<!tpu.dma_semaphore, #tpu.memory_space<semaphore_mem>>) src(%dma_wait3A_1249 : memref<80x128xf32, #tpu.memory_space<vmem>>) dst(%dma_wait3A_1245 : memref<80x128xf32, #tpu.memory_space<hbm>>)
      %sub3A_1250 = arith.constant 3 : i32
      %sub3A_1251 = arith.subi %add3A_1204, %sub3A_1250 : i32
      %add3A_1252 = arith.constant 10 : i32
      %add3A_1253 = arith.addi %sub3A_1251, %add3A_1252 : i32
      %mul3A_1254 = arith.constant 80 : i32
      %mul3A_1255 = arith.muli %add3A_1253, %mul3A_1254 : i32
      %dma_start3A_1256 = arith.constant 0 : i32
      %dma_start3A_1257 = arith.constant 0 : i32
      %dma_start3A_1258 = arith.constant 0 : i32
      %dma_start3A_1259 = tpu.memref_slice %arg6[%dma_start3A_1256, %dma_start3A_1257, %dma_start3A_1258] : memref<10x80x128xf32, #tpu.memory_space<vmem>> -> memref<1x80x128xf32, #tpu.memory_space<vmem>>
      %dma_start3A_1260 = tpu.memref_squeeze %dma_start3A_1259 : memref<1x80x128xf32, #tpu.memory_space<vmem>> -> memref<80x128xf32, #tpu.memory_space<vmem>>
      %dma_start3A_1261 = tpu.memref_slice %arg5[%mul3A_1255] : memref<6400xi32, #tpu.memory_space<vmem>> -> memref<80xi32, #tpu.memory_space<vmem>>
      %dma_start3A_1262 = arith.constant 0 : i32
      %dma_start3A_1263 = arith.constant 0 : i32
      %dma_start3A_1264 = tpu.memref_slice %arg2[%dma_start3A_1262, %dma_start3A_1263] : memref<100000x128xf32, #tpu.memory_space<hbm>> -> memref<100000x128xf32, #tpu.memory_space<hbm>>
      tpu.enqueue_indirect_dma source(%dma_start3A_1264 : memref<100000x128xf32, #tpu.memory_space<hbm>>) target(%dma_start3A_1260 : memref<80x128xf32, #tpu.memory_space<vmem>>) offsets(%dma_start3A_1261 : memref<80xi32, #tpu.memory_space<vmem>>) semaphore(%arg7 : memref<!tpu.dma_semaphore, #tpu.memory_space<semaphore_mem>>)
      %mul3A_1265 = arith.constant 10 : i32
      %mul3A_1266 = arith.muli %add3A_1009, %mul3A_1265 : i32
      %add3A_1267 = arith.constant 4 : i32
      %add3A_1268 = arith.addi %mul3A_1266, %add3A_1267 : i32
      %mul3A_1269 = arith.constant 80 : i32
      %mul3A_1270 = arith.muli %add3A_1268, %mul3A_1269 : i32
      %dma_wait3A_1271 = arith.constant 4 : i32
      %dma_wait3A_1272 = arith.constant 0 : i32
      %dma_wait3A_1273 = arith.constant 0 : i32
      %dma_wait3A_1274 = tpu.memref_slice %arg6[%dma_wait3A_1271, %dma_wait3A_1272, %dma_wait3A_1273] : memref<10x80x128xf32, #tpu.memory_space<vmem>> -> memref<1x80x128xf32, #tpu.memory_space<vmem>>
      %dma_wait3A_1275 = tpu.memref_squeeze %dma_wait3A_1274 : memref<1x80x128xf32, #tpu.memory_space<vmem>> -> memref<80x128xf32, #tpu.memory_space<vmem>>
      %dma_wait3A_1276 = tpu.memref_slice %arg5[%mul3A_1270] : memref<6400xi32, #tpu.memory_space<vmem>> -> memref<80xi32, #tpu.memory_space<vmem>>
      %dma_wait3A_1277 = arith.constant 0 : i32
      %dma_wait3A_1278 = arith.constant 0 : i32
      %dma_wait3A_1279 = tpu.memref_slice %arg2[%dma_wait3A_1277, %dma_wait3A_1278] : memref<100000x128xf32, #tpu.memory_space<hbm>> -> memref<100000x128xf32, #tpu.memory_space<hbm>>
      tpu.wait_indirect_dma semaphore(%arg11 : memref<!tpu.dma_semaphore, #tpu.memory_space<semaphore_mem>>) src(%dma_wait3A_1279 : memref<100000x128xf32, #tpu.memory_space<hbm>>) dst(%dma_wait3A_1275 : memref<80x128xf32, #tpu.memory_space<vmem>>)
      %mul3A_1280 = arith.constant 80 : i32
      %mul3A_1281 = arith.muli %add3A_1268, %mul3A_1280 : i32
      %add3A_1282 = arith.addi %mul3A_2, %mul3A_1281 : i32
      %dma_start3A_1283 = arith.constant 4 : i32
      %dma_start3A_1284 = arith.constant 0 : i32
      %dma_start3A_1285 = arith.constant 0 : i32
      %dma_start3A_1286 = tpu.memref_slice %arg6[%dma_start3A_1283, %dma_start3A_1284, %dma_start3A_1285] : memref<10x80x128xf32, #tpu.memory_space<vmem>> -> memref<1x80x128xf32, #tpu.memory_space<vmem>>
      %dma_start3A_1287 = tpu.memref_squeeze %dma_start3A_1286 : memref<1x80x128xf32, #tpu.memory_space<vmem>> -> memref<80x128xf32, #tpu.memory_space<vmem>>
      %dma_start3A_1288 = arith.constant 0 : i32
      %dma_start3A_1289 = tpu.memref_slice %arg4[%add3A_1282, %dma_start3A_1288] : memref<204800x128xf32, #tpu.memory_space<hbm>> -> memref<80x128xf32, #tpu.memory_space<hbm>>
      %dma_start3A_1290 = arith.constant 0 : i32
      %dma_start3A_1291 = tpu.memref_slice %arg4[%add3A_1282, %dma_start3A_1290] : memref<204800x128xf32, #tpu.memory_space<hbm>> -> memref<80x128xf32, #tpu.memory_space<hbm>>
      %dma_start3A_1292 = arith.constant 0 : i32
      %dma_start3A_1293 = arith.constant 0 : i32
      %dma_start3A_1294 = tpu.memref_slice %arg6[%dma_start3A_1283, %dma_start3A_1292, %dma_start3A_1293] : memref<10x80x128xf32, #tpu.memory_space<vmem>> -> memref<1x80x128xf32, #tpu.memory_space<vmem>>
      %dma_start3A_1295 = tpu.memref_squeeze %dma_start3A_1294 : memref<1x80x128xf32, #tpu.memory_space<vmem>> -> memref<80x128xf32, #tpu.memory_space<vmem>>
      tpu.enqueue_dma source(%dma_start3A_1295 : memref<80x128xf32, #tpu.memory_space<vmem>>) target(%dma_start3A_1291 : memref<80x128xf32, #tpu.memory_space<hbm>>) target_semaphore(%arg21 : memref<!tpu.dma_semaphore, #tpu.memory_space<semaphore_mem>>)
      %sub3A_1296 = arith.constant 3 : i32
      %sub3A_1297 = arith.subi %add3A_1268, %sub3A_1296 : i32
      %mul3A_1298 = arith.constant 80 : i32
      %mul3A_1299 = arith.muli %sub3A_1297, %mul3A_1298 : i32
      %add3A_1300 = arith.addi %mul3A_2, %mul3A_1299 : i32
      %dma_wait3A_1301 = arith.constant 1 : i32
      %dma_wait3A_1302 = arith.constant 0 : i32
      %dma_wait3A_1303 = arith.constant 0 : i32
      %dma_wait3A_1304 = tpu.memref_slice %arg6[%dma_wait3A_1301, %dma_wait3A_1302, %dma_wait3A_1303] : memref<10x80x128xf32, #tpu.memory_space<vmem>> -> memref<1x80x128xf32, #tpu.memory_space<vmem>>
      %dma_wait3A_1305 = tpu.memref_squeeze %dma_wait3A_1304 : memref<1x80x128xf32, #tpu.memory_space<vmem>> -> memref<80x128xf32, #tpu.memory_space<vmem>>
      %dma_wait3A_1306 = arith.constant 0 : i32
      %dma_wait3A_1307 = tpu.memref_slice %arg4[%add3A_1300, %dma_wait3A_1306] : memref<204800x128xf32, #tpu.memory_space<hbm>> -> memref<80x128xf32, #tpu.memory_space<hbm>>
      %dma_wait3A_1308 = arith.constant 0 : i32
      %dma_wait3A_1309 = tpu.memref_slice %arg4[%add3A_1300, %dma_wait3A_1308] : memref<204800x128xf32, #tpu.memory_space<hbm>> -> memref<80x128xf32, #tpu.memory_space<hbm>>
      %dma_wait3A_1310 = arith.constant 0 : i32
      %dma_wait3A_1311 = arith.constant 0 : i32
      %dma_wait3A_1312 = tpu.memref_slice %arg6[%dma_wait3A_1301, %dma_wait3A_1310, %dma_wait3A_1311] : memref<10x80x128xf32, #tpu.memory_space<vmem>> -> memref<1x80x128xf32, #tpu.memory_space<vmem>>
      %dma_wait3A_1313 = tpu.memref_squeeze %dma_wait3A_1312 : memref<1x80x128xf32, #tpu.memory_space<vmem>> -> memref<80x128xf32, #tpu.memory_space<vmem>>
      tpu.wait_dma2 semaphore(%arg18 : memref<!tpu.dma_semaphore, #tpu.memory_space<semaphore_mem>>) src(%dma_wait3A_1313 : memref<80x128xf32, #tpu.memory_space<vmem>>) dst(%dma_wait3A_1309 : memref<80x128xf32, #tpu.memory_space<hbm>>)
      %sub3A_1314 = arith.constant 3 : i32
      %sub3A_1315 = arith.subi %add3A_1268, %sub3A_1314 : i32
      %add3A_1316 = arith.constant 10 : i32
      %add3A_1317 = arith.addi %sub3A_1315, %add3A_1316 : i32
      %mul3A_1318 = arith.constant 80 : i32
      %mul3A_1319 = arith.muli %add3A_1317, %mul3A_1318 : i32
      %dma_start3A_1320 = arith.constant 1 : i32
      %dma_start3A_1321 = arith.constant 0 : i32
      %dma_start3A_1322 = arith.constant 0 : i32
      %dma_start3A_1323 = tpu.memref_slice %arg6[%dma_start3A_1320, %dma_start3A_1321, %dma_start3A_1322] : memref<10x80x128xf32, #tpu.memory_space<vmem>> -> memref<1x80x128xf32, #tpu.memory_space<vmem>>
      %dma_start3A_1324 = tpu.memref_squeeze %dma_start3A_1323 : memref<1x80x128xf32, #tpu.memory_space<vmem>> -> memref<80x128xf32, #tpu.memory_space<vmem>>
      %dma_start3A_1325 = tpu.memref_slice %arg5[%mul3A_1319] : memref<6400xi32, #tpu.memory_space<vmem>> -> memref<80xi32, #tpu.memory_space<vmem>>
      %dma_start3A_1326 = arith.constant 0 : i32
      %dma_start3A_1327 = arith.constant 0 : i32
      %dma_start3A_1328 = tpu.memref_slice %arg2[%dma_start3A_1326, %dma_start3A_1327] : memref<100000x128xf32, #tpu.memory_space<hbm>> -> memref<100000x128xf32, #tpu.memory_space<hbm>>
      tpu.enqueue_indirect_dma source(%dma_start3A_1328 : memref<100000x128xf32, #tpu.memory_space<hbm>>) target(%dma_start3A_1324 : memref<80x128xf32, #tpu.memory_space<vmem>>) offsets(%dma_start3A_1325 : memref<80xi32, #tpu.memory_space<vmem>>) semaphore(%arg8 : memref<!tpu.dma_semaphore, #tpu.memory_space<semaphore_mem>>)
      %mul3A_1329 = arith.constant 10 : i32
      %mul3A_1330 = arith.muli %add3A_1009, %mul3A_1329 : i32
      %add3A_1331 = arith.constant 5 : i32
      %add3A_1332 = arith.addi %mul3A_1330, %add3A_1331 : i32
      %mul3A_1333 = arith.constant 80 : i32
      %mul3A_1334 = arith.muli %add3A_1332, %mul3A_1333 : i32
      %dma_wait3A_1335 = arith.constant 5 : i32
      %dma_wait3A_1336 = arith.constant 0 : i32
      %dma_wait3A_1337 = arith.constant 0 : i32
      %dma_wait3A_1338 = tpu.memref_slice %arg6[%dma_wait3A_1335, %dma_wait3A_1336, %dma_wait3A_1337] : memref<10x80x128xf32, #tpu.memory_space<vmem>> -> memref<1x80x128xf32, #tpu.memory_space<vmem>>
      %dma_wait3A_1339 = tpu.memref_squeeze %dma_wait3A_1338 : memref<1x80x128xf32, #tpu.memory_space<vmem>> -> memref<80x128xf32, #tpu.memory_space<vmem>>
      %dma_wait3A_1340 = tpu.memref_slice %arg5[%mul3A_1334] : memref<6400xi32, #tpu.memory_space<vmem>> -> memref<80xi32, #tpu.memory_space<vmem>>
      %dma_wait3A_1341 = arith.constant 0 : i32
      %dma_wait3A_1342 = arith.constant 0 : i32
      %dma_wait3A_1343 = tpu.memref_slice %arg2[%dma_wait3A_1341, %dma_wait3A_1342] : memref<100000x128xf32, #tpu.memory_space<hbm>> -> memref<100000x128xf32, #tpu.memory_space<hbm>>
      tpu.wait_indirect_dma semaphore(%arg12 : memref<!tpu.dma_semaphore, #tpu.memory_space<semaphore_mem>>) src(%dma_wait3A_1343 : memref<100000x128xf32, #tpu.memory_space<hbm>>) dst(%dma_wait3A_1339 : memref<80x128xf32, #tpu.memory_space<vmem>>)
      %mul3A_1344 = arith.constant 80 : i32
      %mul3A_1345 = arith.muli %add3A_1332, %mul3A_1344 : i32
      %add3A_1346 = arith.addi %mul3A_2, %mul3A_1345 : i32
      %dma_start3A_1347 = arith.constant 5 : i32
      %dma_start3A_1348 = arith.constant 0 : i32
      %dma_start3A_1349 = arith.constant 0 : i32
      %dma_start3A_1350 = tpu.memref_slice %arg6[%dma_start3A_1347, %dma_start3A_1348, %dma_start3A_1349] : memref<10x80x128xf32, #tpu.memory_space<vmem>> -> memref<1x80x128xf32, #tpu.memory_space<vmem>>
      %dma_start3A_1351 = tpu.memref_squeeze %dma_start3A_1350 : memref<1x80x128xf32, #tpu.memory_space<vmem>> -> memref<80x128xf32, #tpu.memory_space<vmem>>
      %dma_start3A_1352 = arith.constant 0 : i32
      %dma_start3A_1353 = tpu.memref_slice %arg4[%add3A_1346, %dma_start3A_1352] : memref<204800x128xf32, #tpu.memory_space<hbm>> -> memref<80x128xf32, #tpu.memory_space<hbm>>
      %dma_start3A_1354 = arith.constant 0 : i32
      %dma_start3A_1355 = tpu.memref_slice %arg4[%add3A_1346, %dma_start3A_1354] : memref<204800x128xf32, #tpu.memory_space<hbm>> -> memref<80x128xf32, #tpu.memory_space<hbm>>
      %dma_start3A_1356 = arith.constant 0 : i32
      %dma_start3A_1357 = arith.constant 0 : i32
      %dma_start3A_1358 = tpu.memref_slice %arg6[%dma_start3A_1347, %dma_start3A_1356, %dma_start3A_1357] : memref<10x80x128xf32, #tpu.memory_space<vmem>> -> memref<1x80x128xf32, #tpu.memory_space<vmem>>
      %dma_start3A_1359 = tpu.memref_squeeze %dma_start3A_1358 : memref<1x80x128xf32, #tpu.memory_space<vmem>> -> memref<80x128xf32, #tpu.memory_space<vmem>>
      tpu.enqueue_dma source(%dma_start3A_1359 : memref<80x128xf32, #tpu.memory_space<vmem>>) target(%dma_start3A_1355 : memref<80x128xf32, #tpu.memory_space<hbm>>) target_semaphore(%arg22 : memref<!tpu.dma_semaphore, #tpu.memory_space<semaphore_mem>>)
      %sub3A_1360 = arith.constant 3 : i32
      %sub3A_1361 = arith.subi %add3A_1332, %sub3A_1360 : i32
      %mul3A_1362 = arith.constant 80 : i32
      %mul3A_1363 = arith.muli %sub3A_1361, %mul3A_1362 : i32
      %add3A_1364 = arith.addi %mul3A_2, %mul3A_1363 : i32
      %dma_wait3A_1365 = arith.constant 2 : i32
      %dma_wait3A_1366 = arith.constant 0 : i32
      %dma_wait3A_1367 = arith.constant 0 : i32
      %dma_wait3A_1368 = tpu.memref_slice %arg6[%dma_wait3A_1365, %dma_wait3A_1366, %dma_wait3A_1367] : memref<10x80x128xf32, #tpu.memory_space<vmem>> -> memref<1x80x128xf32, #tpu.memory_space<vmem>>
      %dma_wait3A_1369 = tpu.memref_squeeze %dma_wait3A_1368 : memref<1x80x128xf32, #tpu.memory_space<vmem>> -> memref<80x128xf32, #tpu.memory_space<vmem>>
      %dma_wait3A_1370 = arith.constant 0 : i32
      %dma_wait3A_1371 = tpu.memref_slice %arg4[%add3A_1364, %dma_wait3A_1370] : memref<204800x128xf32, #tpu.memory_space<hbm>> -> memref<80x128xf32, #tpu.memory_space<hbm>>
      %dma_wait3A_1372 = arith.constant 0 : i32
      %dma_wait3A_1373 = tpu.memref_slice %arg4[%add3A_1364, %dma_wait3A_1372] : memref<204800x128xf32, #tpu.memory_space<hbm>> -> memref<80x128xf32, #tpu.memory_space<hbm>>
      %dma_wait3A_1374 = arith.constant 0 : i32
      %dma_wait3A_1375 = arith.constant 0 : i32
      %dma_wait3A_1376 = tpu.memref_slice %arg6[%dma_wait3A_1365, %dma_wait3A_1374, %dma_wait3A_1375] : memref<10x80x128xf32, #tpu.memory_space<vmem>> -> memref<1x80x128xf32, #tpu.memory_space<vmem>>
      %dma_wait3A_1377 = tpu.memref_squeeze %dma_wait3A_1376 : memref<1x80x128xf32, #tpu.memory_space<vmem>> -> memref<80x128xf32, #tpu.memory_space<vmem>>
      tpu.wait_dma2 semaphore(%arg19 : memref<!tpu.dma_semaphore, #tpu.memory_space<semaphore_mem>>) src(%dma_wait3A_1377 : memref<80x128xf32, #tpu.memory_space<vmem>>) dst(%dma_wait3A_1373 : memref<80x128xf32, #tpu.memory_space<hbm>>)
      %sub3A_1378 = arith.constant 3 : i32
      %sub3A_1379 = arith.subi %add3A_1332, %sub3A_1378 : i32
      %add3A_1380 = arith.constant 10 : i32
      %add3A_1381 = arith.addi %sub3A_1379, %add3A_1380 : i32
      %mul3A_1382 = arith.constant 80 : i32
      %mul3A_1383 = arith.muli %add3A_1381, %mul3A_1382 : i32
      %dma_start3A_1384 = arith.constant 2 : i32
      %dma_start3A_1385 = arith.constant 0 : i32
      %dma_start3A_1386 = arith.constant 0 : i32
      %dma_start3A_1387 = tpu.memref_slice %arg6[%dma_start3A_1384, %dma_start3A_1385, %dma_start3A_1386] : memref<10x80x128xf32, #tpu.memory_space<vmem>> -> memref<1x80x128xf32, #tpu.memory_space<vmem>>
      %dma_start3A_1388 = tpu.memref_squeeze %dma_start3A_1387 : memref<1x80x128xf32, #tpu.memory_space<vmem>> -> memref<80x128xf32, #tpu.memory_space<vmem>>
      %dma_start3A_1389 = tpu.memref_slice %arg5[%mul3A_1383] : memref<6400xi32, #tpu.memory_space<vmem>> -> memref<80xi32, #tpu.memory_space<vmem>>
      %dma_start3A_1390 = arith.constant 0 : i32
      %dma_start3A_1391 = arith.constant 0 : i32
      %dma_start3A_1392 = tpu.memref_slice %arg2[%dma_start3A_1390, %dma_start3A_1391] : memref<100000x128xf32, #tpu.memory_space<hbm>> -> memref<100000x128xf32, #tpu.memory_space<hbm>>
      tpu.enqueue_indirect_dma source(%dma_start3A_1392 : memref<100000x128xf32, #tpu.memory_space<hbm>>) target(%dma_start3A_1388 : memref<80x128xf32, #tpu.memory_space<vmem>>) offsets(%dma_start3A_1389 : memref<80xi32, #tpu.memory_space<vmem>>) semaphore(%arg9 : memref<!tpu.dma_semaphore, #tpu.memory_space<semaphore_mem>>)
      %mul3A_1393 = arith.constant 10 : i32
      %mul3A_1394 = arith.muli %add3A_1009, %mul3A_1393 : i32
      %add3A_1395 = arith.constant 6 : i32
      %add3A_1396 = arith.addi %mul3A_1394, %add3A_1395 : i32
      %mul3A_1397 = arith.constant 80 : i32
      %mul3A_1398 = arith.muli %add3A_1396, %mul3A_1397 : i32
      %dma_wait3A_1399 = arith.constant 6 : i32
      %dma_wait3A_1400 = arith.constant 0 : i32
      %dma_wait3A_1401 = arith.constant 0 : i32
      %dma_wait3A_1402 = tpu.memref_slice %arg6[%dma_wait3A_1399, %dma_wait3A_1400, %dma_wait3A_1401] : memref<10x80x128xf32, #tpu.memory_space<vmem>> -> memref<1x80x128xf32, #tpu.memory_space<vmem>>
      %dma_wait3A_1403 = tpu.memref_squeeze %dma_wait3A_1402 : memref<1x80x128xf32, #tpu.memory_space<vmem>> -> memref<80x128xf32, #tpu.memory_space<vmem>>
      %dma_wait3A_1404 = tpu.memref_slice %arg5[%mul3A_1398] : memref<6400xi32, #tpu.memory_space<vmem>> -> memref<80xi32, #tpu.memory_space<vmem>>
      %dma_wait3A_1405 = arith.constant 0 : i32
      %dma_wait3A_1406 = arith.constant 0 : i32
      %dma_wait3A_1407 = tpu.memref_slice %arg2[%dma_wait3A_1405, %dma_wait3A_1406] : memref<100000x128xf32, #tpu.memory_space<hbm>> -> memref<100000x128xf32, #tpu.memory_space<hbm>>
      tpu.wait_indirect_dma semaphore(%arg13 : memref<!tpu.dma_semaphore, #tpu.memory_space<semaphore_mem>>) src(%dma_wait3A_1407 : memref<100000x128xf32, #tpu.memory_space<hbm>>) dst(%dma_wait3A_1403 : memref<80x128xf32, #tpu.memory_space<vmem>>)
      %mul3A_1408 = arith.constant 80 : i32
      %mul3A_1409 = arith.muli %add3A_1396, %mul3A_1408 : i32
      %add3A_1410 = arith.addi %mul3A_2, %mul3A_1409 : i32
      %dma_start3A_1411 = arith.constant 6 : i32
      %dma_start3A_1412 = arith.constant 0 : i32
      %dma_start3A_1413 = arith.constant 0 : i32
      %dma_start3A_1414 = tpu.memref_slice %arg6[%dma_start3A_1411, %dma_start3A_1412, %dma_start3A_1413] : memref<10x80x128xf32, #tpu.memory_space<vmem>> -> memref<1x80x128xf32, #tpu.memory_space<vmem>>
      %dma_start3A_1415 = tpu.memref_squeeze %dma_start3A_1414 : memref<1x80x128xf32, #tpu.memory_space<vmem>> -> memref<80x128xf32, #tpu.memory_space<vmem>>
      %dma_start3A_1416 = arith.constant 0 : i32
      %dma_start3A_1417 = tpu.memref_slice %arg4[%add3A_1410, %dma_start3A_1416] : memref<204800x128xf32, #tpu.memory_space<hbm>> -> memref<80x128xf32, #tpu.memory_space<hbm>>
      %dma_start3A_1418 = arith.constant 0 : i32
      %dma_start3A_1419 = tpu.memref_slice %arg4[%add3A_1410, %dma_start3A_1418] : memref<204800x128xf32, #tpu.memory_space<hbm>> -> memref<80x128xf32, #tpu.memory_space<hbm>>
      %dma_start3A_1420 = arith.constant 0 : i32
      %dma_start3A_1421 = arith.constant 0 : i32
      %dma_start3A_1422 = tpu.memref_slice %arg6[%dma_start3A_1411, %dma_start3A_1420, %dma_start3A_1421] : memref<10x80x128xf32, #tpu.memory_space<vmem>> -> memref<1x80x128xf32, #tpu.memory_space<vmem>>
      %dma_start3A_1423 = tpu.memref_squeeze %dma_start3A_1422 : memref<1x80x128xf32, #tpu.memory_space<vmem>> -> memref<80x128xf32, #tpu.memory_space<vmem>>
      tpu.enqueue_dma source(%dma_start3A_1423 : memref<80x128xf32, #tpu.memory_space<vmem>>) target(%dma_start3A_1419 : memref<80x128xf32, #tpu.memory_space<hbm>>) target_semaphore(%arg23 : memref<!tpu.dma_semaphore, #tpu.memory_space<semaphore_mem>>)
      %sub3A_1424 = arith.constant 3 : i32
      %sub3A_1425 = arith.subi %add3A_1396, %sub3A_1424 : i32
      %mul3A_1426 = arith.constant 80 : i32
      %mul3A_1427 = arith.muli %sub3A_1425, %mul3A_1426 : i32
      %add3A_1428 = arith.addi %mul3A_2, %mul3A_1427 : i32
      %dma_wait3A_1429 = arith.constant 3 : i32
      %dma_wait3A_1430 = arith.constant 0 : i32
      %dma_wait3A_1431 = arith.constant 0 : i32
      %dma_wait3A_1432 = tpu.memref_slice %arg6[%dma_wait3A_1429, %dma_wait3A_1430, %dma_wait3A_1431] : memref<10x80x128xf32, #tpu.memory_space<vmem>> -> memref<1x80x128xf32, #tpu.memory_space<vmem>>
      %dma_wait3A_1433 = tpu.memref_squeeze %dma_wait3A_1432 : memref<1x80x128xf32, #tpu.memory_space<vmem>> -> memref<80x128xf32, #tpu.memory_space<vmem>>
      %dma_wait3A_1434 = arith.constant 0 : i32
      %dma_wait3A_1435 = tpu.memref_slice %arg4[%add3A_1428, %dma_wait3A_1434] : memref<204800x128xf32, #tpu.memory_space<hbm>> -> memref<80x128xf32, #tpu.memory_space<hbm>>
      %dma_wait3A_1436 = arith.constant 0 : i32
      %dma_wait3A_1437 = tpu.memref_slice %arg4[%add3A_1428, %dma_wait3A_1436] : memref<204800x128xf32, #tpu.memory_space<hbm>> -> memref<80x128xf32, #tpu.memory_space<hbm>>
      %dma_wait3A_1438 = arith.constant 0 : i32
      %dma_wait3A_1439 = arith.constant 0 : i32
      %dma_wait3A_1440 = tpu.memref_slice %arg6[%dma_wait3A_1429, %dma_wait3A_1438, %dma_wait3A_1439] : memref<10x80x128xf32, #tpu.memory_space<vmem>> -> memref<1x80x128xf32, #tpu.memory_space<vmem>>
      %dma_wait3A_1441 = tpu.memref_squeeze %dma_wait3A_1440 : memref<1x80x128xf32, #tpu.memory_space<vmem>> -> memref<80x128xf32, #tpu.memory_space<vmem>>
      tpu.wait_dma2 semaphore(%arg20 : memref<!tpu.dma_semaphore, #tpu.memory_space<semaphore_mem>>) src(%dma_wait3A_1441 : memref<80x128xf32, #tpu.memory_space<vmem>>) dst(%dma_wait3A_1437 : memref<80x128xf32, #tpu.memory_space<hbm>>)
      %sub3A_1442 = arith.constant 3 : i32
      %sub3A_1443 = arith.subi %add3A_1396, %sub3A_1442 : i32
      %add3A_1444 = arith.constant 10 : i32
      %add3A_1445 = arith.addi %sub3A_1443, %add3A_1444 : i32
      %mul3A_1446 = arith.constant 80 : i32
      %mul3A_1447 = arith.muli %add3A_1445, %mul3A_1446 : i32
      %dma_start3A_1448 = arith.constant 3 : i32
      %dma_start3A_1449 = arith.constant 0 : i32
      %dma_start3A_1450 = arith.constant 0 : i32
      %dma_start3A_1451 = tpu.memref_slice %arg6[%dma_start3A_1448, %dma_start3A_1449, %dma_start3A_1450] : memref<10x80x128xf32, #tpu.memory_space<vmem>> -> memref<1x80x128xf32, #tpu.memory_space<vmem>>
      %dma_start3A_1452 = tpu.memref_squeeze %dma_start3A_1451 : memref<1x80x128xf32, #tpu.memory_space<vmem>> -> memref<80x128xf32, #tpu.memory_space<vmem>>
      %dma_start3A_1453 = tpu.memref_slice %arg5[%mul3A_1447] : memref<6400xi32, #tpu.memory_space<vmem>> -> memref<80xi32, #tpu.memory_space<vmem>>
      %dma_start3A_1454 = arith.constant 0 : i32
      %dma_start3A_1455 = arith.constant 0 : i32
      %dma_start3A_1456 = tpu.memref_slice %arg2[%dma_start3A_1454, %dma_start3A_1455] : memref<100000x128xf32, #tpu.memory_space<hbm>> -> memref<100000x128xf32, #tpu.memory_space<hbm>>
      tpu.enqueue_indirect_dma source(%dma_start3A_1456 : memref<100000x128xf32, #tpu.memory_space<hbm>>) target(%dma_start3A_1452 : memref<80x128xf32, #tpu.memory_space<vmem>>) offsets(%dma_start3A_1453 : memref<80xi32, #tpu.memory_space<vmem>>) semaphore(%arg10 : memref<!tpu.dma_semaphore, #tpu.memory_space<semaphore_mem>>)
      %mul3A_1457 = arith.constant 10 : i32
      %mul3A_1458 = arith.muli %add3A_1009, %mul3A_1457 : i32
      %add3A_1459 = arith.constant 7 : i32
      %add3A_1460 = arith.addi %mul3A_1458, %add3A_1459 : i32
      %mul3A_1461 = arith.constant 80 : i32
      %mul3A_1462 = arith.muli %add3A_1460, %mul3A_1461 : i32
      %dma_wait3A_1463 = arith.constant 7 : i32
      %dma_wait3A_1464 = arith.constant 0 : i32
      %dma_wait3A_1465 = arith.constant 0 : i32
      %dma_wait3A_1466 = tpu.memref_slice %arg6[%dma_wait3A_1463, %dma_wait3A_1464, %dma_wait3A_1465] : memref<10x80x128xf32, #tpu.memory_space<vmem>> -> memref<1x80x128xf32, #tpu.memory_space<vmem>>
      %dma_wait3A_1467 = tpu.memref_squeeze %dma_wait3A_1466 : memref<1x80x128xf32, #tpu.memory_space<vmem>> -> memref<80x128xf32, #tpu.memory_space<vmem>>
      %dma_wait3A_1468 = tpu.memref_slice %arg5[%mul3A_1462] : memref<6400xi32, #tpu.memory_space<vmem>> -> memref<80xi32, #tpu.memory_space<vmem>>
      %dma_wait3A_1469 = arith.constant 0 : i32
      %dma_wait3A_1470 = arith.constant 0 : i32
      %dma_wait3A_1471 = tpu.memref_slice %arg2[%dma_wait3A_1469, %dma_wait3A_1470] : memref<100000x128xf32, #tpu.memory_space<hbm>> -> memref<100000x128xf32, #tpu.memory_space<hbm>>
      tpu.wait_indirect_dma semaphore(%arg14 : memref<!tpu.dma_semaphore, #tpu.memory_space<semaphore_mem>>) src(%dma_wait3A_1471 : memref<100000x128xf32, #tpu.memory_space<hbm>>) dst(%dma_wait3A_1467 : memref<80x128xf32, #tpu.memory_space<vmem>>)
      %mul3A_1472 = arith.constant 80 : i32
      %mul3A_1473 = arith.muli %add3A_1460, %mul3A_1472 : i32
      %add3A_1474 = arith.addi %mul3A_2, %mul3A_1473 : i32
      %dma_start3A_1475 = arith.constant 7 : i32
      %dma_start3A_1476 = arith.constant 0 : i32
      %dma_start3A_1477 = arith.constant 0 : i32
      %dma_start3A_1478 = tpu.memref_slice %arg6[%dma_start3A_1475, %dma_start3A_1476, %dma_start3A_1477] : memref<10x80x128xf32, #tpu.memory_space<vmem>> -> memref<1x80x128xf32, #tpu.memory_space<vmem>>
      %dma_start3A_1479 = tpu.memref_squeeze %dma_start3A_1478 : memref<1x80x128xf32, #tpu.memory_space<vmem>> -> memref<80x128xf32, #tpu.memory_space<vmem>>
      %dma_start3A_1480 = arith.constant 0 : i32
      %dma_start3A_1481 = tpu.memref_slice %arg4[%add3A_1474, %dma_start3A_1480] : memref<204800x128xf32, #tpu.memory_space<hbm>> -> memref<80x128xf32, #tpu.memory_space<hbm>>
      %dma_start3A_1482 = arith.constant 0 : i32
      %dma_start3A_1483 = tpu.memref_slice %arg4[%add3A_1474, %dma_start3A_1482] : memref<204800x128xf32, #tpu.memory_space<hbm>> -> memref<80x128xf32, #tpu.memory_space<hbm>>
      %dma_start3A_1484 = arith.constant 0 : i32
      %dma_start3A_1485 = arith.constant 0 : i32
      %dma_start3A_1486 = tpu.memref_slice %arg6[%dma_start3A_1475, %dma_start3A_1484, %dma_start3A_1485] : memref<10x80x128xf32, #tpu.memory_space<vmem>> -> memref<1x80x128xf32, #tpu.memory_space<vmem>>
      %dma_start3A_1487 = tpu.memref_squeeze %dma_start3A_1486 : memref<1x80x128xf32, #tpu.memory_space<vmem>> -> memref<80x128xf32, #tpu.memory_space<vmem>>
      tpu.enqueue_dma source(%dma_start3A_1487 : memref<80x128xf32, #tpu.memory_space<vmem>>) target(%dma_start3A_1483 : memref<80x128xf32, #tpu.memory_space<hbm>>) target_semaphore(%arg24 : memref<!tpu.dma_semaphore, #tpu.memory_space<semaphore_mem>>)
      %sub3A_1488 = arith.constant 3 : i32
      %sub3A_1489 = arith.subi %add3A_1460, %sub3A_1488 : i32
      %mul3A_1490 = arith.constant 80 : i32
      %mul3A_1491 = arith.muli %sub3A_1489, %mul3A_1490 : i32
      %add3A_1492 = arith.addi %mul3A_2, %mul3A_1491 : i32
      %dma_wait3A_1493 = arith.constant 4 : i32
      %dma_wait3A_1494 = arith.constant 0 : i32
      %dma_wait3A_1495 = arith.constant 0 : i32
      %dma_wait3A_1496 = tpu.memref_slice %arg6[%dma_wait3A_1493, %dma_wait3A_1494, %dma_wait3A_1495] : memref<10x80x128xf32, #tpu.memory_space<vmem>> -> memref<1x80x128xf32, #tpu.memory_space<vmem>>
      %dma_wait3A_1497 = tpu.memref_squeeze %dma_wait3A_1496 : memref<1x80x128xf32, #tpu.memory_space<vmem>> -> memref<80x128xf32, #tpu.memory_space<vmem>>
      %dma_wait3A_1498 = arith.constant 0 : i32
      %dma_wait3A_1499 = tpu.memref_slice %arg4[%add3A_1492, %dma_wait3A_1498] : memref<204800x128xf32, #tpu.memory_space<hbm>> -> memref<80x128xf32, #tpu.memory_space<hbm>>
      %dma_wait3A_1500 = arith.constant 0 : i32
      %dma_wait3A_1501 = tpu.memref_slice %arg4[%add3A_1492, %dma_wait3A_1500] : memref<204800x128xf32, #tpu.memory_space<hbm>> -> memref<80x128xf32, #tpu.memory_space<hbm>>
      %dma_wait3A_1502 = arith.constant 0 : i32
      %dma_wait3A_1503 = arith.constant 0 : i32
      %dma_wait3A_1504 = tpu.memref_slice %arg6[%dma_wait3A_1493, %dma_wait3A_1502, %dma_wait3A_1503] : memref<10x80x128xf32, #tpu.memory_space<vmem>> -> memref<1x80x128xf32, #tpu.memory_space<vmem>>
      %dma_wait3A_1505 = tpu.memref_squeeze %dma_wait3A_1504 : memref<1x80x128xf32, #tpu.memory_space<vmem>> -> memref<80x128xf32, #tpu.memory_space<vmem>>
      tpu.wait_dma2 semaphore(%arg21 : memref<!tpu.dma_semaphore, #tpu.memory_space<semaphore_mem>>) src(%dma_wait3A_1505 : memref<80x128xf32, #tpu.memory_space<vmem>>) dst(%dma_wait3A_1501 : memref<80x128xf32, #tpu.memory_space<hbm>>)
      %sub3A_1506 = arith.constant 3 : i32
      %sub3A_1507 = arith.subi %add3A_1460, %sub3A_1506 : i32
      %add3A_1508 = arith.constant 10 : i32
      %add3A_1509 = arith.addi %sub3A_1507, %add3A_1508 : i32
      %mul3A_1510 = arith.constant 80 : i32
      %mul3A_1511 = arith.muli %add3A_1509, %mul3A_1510 : i32
      %dma_start3A_1512 = arith.constant 4 : i32
      %dma_start3A_1513 = arith.constant 0 : i32
      %dma_start3A_1514 = arith.constant 0 : i32
      %dma_start3A_1515 = tpu.memref_slice %arg6[%dma_start3A_1512, %dma_start3A_1513, %dma_start3A_1514] : memref<10x80x128xf32, #tpu.memory_space<vmem>> -> memref<1x80x128xf32, #tpu.memory_space<vmem>>
      %dma_start3A_1516 = tpu.memref_squeeze %dma_start3A_1515 : memref<1x80x128xf32, #tpu.memory_space<vmem>> -> memref<80x128xf32, #tpu.memory_space<vmem>>
      %dma_start3A_1517 = tpu.memref_slice %arg5[%mul3A_1511] : memref<6400xi32, #tpu.memory_space<vmem>> -> memref<80xi32, #tpu.memory_space<vmem>>
      %dma_start3A_1518 = arith.constant 0 : i32
      %dma_start3A_1519 = arith.constant 0 : i32
      %dma_start3A_1520 = tpu.memref_slice %arg2[%dma_start3A_1518, %dma_start3A_1519] : memref<100000x128xf32, #tpu.memory_space<hbm>> -> memref<100000x128xf32, #tpu.memory_space<hbm>>
      tpu.enqueue_indirect_dma source(%dma_start3A_1520 : memref<100000x128xf32, #tpu.memory_space<hbm>>) target(%dma_start3A_1516 : memref<80x128xf32, #tpu.memory_space<vmem>>) offsets(%dma_start3A_1517 : memref<80xi32, #tpu.memory_space<vmem>>) semaphore(%arg11 : memref<!tpu.dma_semaphore, #tpu.memory_space<semaphore_mem>>)
      %mul3A_1521 = arith.constant 10 : i32
      %mul3A_1522 = arith.muli %add3A_1009, %mul3A_1521 : i32
      %add3A_1523 = arith.constant 8 : i32
      %add3A_1524 = arith.addi %mul3A_1522, %add3A_1523 : i32
      %mul3A_1525 = arith.constant 80 : i32
      %mul3A_1526 = arith.muli %add3A_1524, %mul3A_1525 : i32
      %dma_wait3A_1527 = arith.constant 8 : i32
      %dma_wait3A_1528 = arith.constant 0 : i32
      %dma_wait3A_1529 = arith.constant 0 : i32
      %dma_wait3A_1530 = tpu.memref_slice %arg6[%dma_wait3A_1527, %dma_wait3A_1528, %dma_wait3A_1529] : memref<10x80x128xf32, #tpu.memory_space<vmem>> -> memref<1x80x128xf32, #tpu.memory_space<vmem>>
      %dma_wait3A_1531 = tpu.memref_squeeze %dma_wait3A_1530 : memref<1x80x128xf32, #tpu.memory_space<vmem>> -> memref<80x128xf32, #tpu.memory_space<vmem>>
      %dma_wait3A_1532 = tpu.memref_slice %arg5[%mul3A_1526] : memref<6400xi32, #tpu.memory_space<vmem>> -> memref<80xi32, #tpu.memory_space<vmem>>
      %dma_wait3A_1533 = arith.constant 0 : i32
      %dma_wait3A_1534 = arith.constant 0 : i32
      %dma_wait3A_1535 = tpu.memref_slice %arg2[%dma_wait3A_1533, %dma_wait3A_1534] : memref<100000x128xf32, #tpu.memory_space<hbm>> -> memref<100000x128xf32, #tpu.memory_space<hbm>>
      tpu.wait_indirect_dma semaphore(%arg15 : memref<!tpu.dma_semaphore, #tpu.memory_space<semaphore_mem>>) src(%dma_wait3A_1535 : memref<100000x128xf32, #tpu.memory_space<hbm>>) dst(%dma_wait3A_1531 : memref<80x128xf32, #tpu.memory_space<vmem>>)
      %mul3A_1536 = arith.constant 80 : i32
      %mul3A_1537 = arith.muli %add3A_1524, %mul3A_1536 : i32
      %add3A_1538 = arith.addi %mul3A_2, %mul3A_1537 : i32
      %dma_start3A_1539 = arith.constant 8 : i32
      %dma_start3A_1540 = arith.constant 0 : i32
      %dma_start3A_1541 = arith.constant 0 : i32
      %dma_start3A_1542 = tpu.memref_slice %arg6[%dma_start3A_1539, %dma_start3A_1540, %dma_start3A_1541] : memref<10x80x128xf32, #tpu.memory_space<vmem>> -> memref<1x80x128xf32, #tpu.memory_space<vmem>>
      %dma_start3A_1543 = tpu.memref_squeeze %dma_start3A_1542 : memref<1x80x128xf32, #tpu.memory_space<vmem>> -> memref<80x128xf32, #tpu.memory_space<vmem>>
      %dma_start3A_1544 = arith.constant 0 : i32
      %dma_start3A_1545 = tpu.memref_slice %arg4[%add3A_1538, %dma_start3A_1544] : memref<204800x128xf32, #tpu.memory_space<hbm>> -> memref<80x128xf32, #tpu.memory_space<hbm>>
      %dma_start3A_1546 = arith.constant 0 : i32
      %dma_start3A_1547 = tpu.memref_slice %arg4[%add3A_1538, %dma_start3A_1546] : memref<204800x128xf32, #tpu.memory_space<hbm>> -> memref<80x128xf32, #tpu.memory_space<hbm>>
      %dma_start3A_1548 = arith.constant 0 : i32
      %dma_start3A_1549 = arith.constant 0 : i32
      %dma_start3A_1550 = tpu.memref_slice %arg6[%dma_start3A_1539, %dma_start3A_1548, %dma_start3A_1549] : memref<10x80x128xf32, #tpu.memory_space<vmem>> -> memref<1x80x128xf32, #tpu.memory_space<vmem>>
      %dma_start3A_1551 = tpu.memref_squeeze %dma_start3A_1550 : memref<1x80x128xf32, #tpu.memory_space<vmem>> -> memref<80x128xf32, #tpu.memory_space<vmem>>
      tpu.enqueue_dma source(%dma_start3A_1551 : memref<80x128xf32, #tpu.memory_space<vmem>>) target(%dma_start3A_1547 : memref<80x128xf32, #tpu.memory_space<hbm>>) target_semaphore(%arg25 : memref<!tpu.dma_semaphore, #tpu.memory_space<semaphore_mem>>)
      %sub3A_1552 = arith.constant 3 : i32
      %sub3A_1553 = arith.subi %add3A_1524, %sub3A_1552 : i32
      %mul3A_1554 = arith.constant 80 : i32
      %mul3A_1555 = arith.muli %sub3A_1553, %mul3A_1554 : i32
      %add3A_1556 = arith.addi %mul3A_2, %mul3A_1555 : i32
      %dma_wait3A_1557 = arith.constant 5 : i32
      %dma_wait3A_1558 = arith.constant 0 : i32
      %dma_wait3A_1559 = arith.constant 0 : i32
      %dma_wait3A_1560 = tpu.memref_slice %arg6[%dma_wait3A_1557, %dma_wait3A_1558, %dma_wait3A_1559] : memref<10x80x128xf32, #tpu.memory_space<vmem>> -> memref<1x80x128xf32, #tpu.memory_space<vmem>>
      %dma_wait3A_1561 = tpu.memref_squeeze %dma_wait3A_1560 : memref<1x80x128xf32, #tpu.memory_space<vmem>> -> memref<80x128xf32, #tpu.memory_space<vmem>>
      %dma_wait3A_1562 = arith.constant 0 : i32
      %dma_wait3A_1563 = tpu.memref_slice %arg4[%add3A_1556, %dma_wait3A_1562] : memref<204800x128xf32, #tpu.memory_space<hbm>> -> memref<80x128xf32, #tpu.memory_space<hbm>>
      %dma_wait3A_1564 = arith.constant 0 : i32
      %dma_wait3A_1565 = tpu.memref_slice %arg4[%add3A_1556, %dma_wait3A_1564] : memref<204800x128xf32, #tpu.memory_space<hbm>> -> memref<80x128xf32, #tpu.memory_space<hbm>>
      %dma_wait3A_1566 = arith.constant 0 : i32
      %dma_wait3A_1567 = arith.constant 0 : i32
      %dma_wait3A_1568 = tpu.memref_slice %arg6[%dma_wait3A_1557, %dma_wait3A_1566, %dma_wait3A_1567] : memref<10x80x128xf32, #tpu.memory_space<vmem>> -> memref<1x80x128xf32, #tpu.memory_space<vmem>>
      %dma_wait3A_1569 = tpu.memref_squeeze %dma_wait3A_1568 : memref<1x80x128xf32, #tpu.memory_space<vmem>> -> memref<80x128xf32, #tpu.memory_space<vmem>>
      tpu.wait_dma2 semaphore(%arg22 : memref<!tpu.dma_semaphore, #tpu.memory_space<semaphore_mem>>) src(%dma_wait3A_1569 : memref<80x128xf32, #tpu.memory_space<vmem>>) dst(%dma_wait3A_1565 : memref<80x128xf32, #tpu.memory_space<hbm>>)
      %sub3A_1570 = arith.constant 3 : i32
      %sub3A_1571 = arith.subi %add3A_1524, %sub3A_1570 : i32
      %add3A_1572 = arith.constant 10 : i32
      %add3A_1573 = arith.addi %sub3A_1571, %add3A_1572 : i32
      %mul3A_1574 = arith.constant 80 : i32
      %mul3A_1575 = arith.muli %add3A_1573, %mul3A_1574 : i32
      %dma_start3A_1576 = arith.constant 5 : i32
      %dma_start3A_1577 = arith.constant 0 : i32
      %dma_start3A_1578 = arith.constant 0 : i32
      %dma_start3A_1579 = tpu.memref_slice %arg6[%dma_start3A_1576, %dma_start3A_1577, %dma_start3A_1578] : memref<10x80x128xf32, #tpu.memory_space<vmem>> -> memref<1x80x128xf32, #tpu.memory_space<vmem>>
      %dma_start3A_1580 = tpu.memref_squeeze %dma_start3A_1579 : memref<1x80x128xf32, #tpu.memory_space<vmem>> -> memref<80x128xf32, #tpu.memory_space<vmem>>
      %dma_start3A_1581 = tpu.memref_slice %arg5[%mul3A_1575] : memref<6400xi32, #tpu.memory_space<vmem>> -> memref<80xi32, #tpu.memory_space<vmem>>
      %dma_start3A_1582 = arith.constant 0 : i32
      %dma_start3A_1583 = arith.constant 0 : i32
      %dma_start3A_1584 = tpu.memref_slice %arg2[%dma_start3A_1582, %dma_start3A_1583] : memref<100000x128xf32, #tpu.memory_space<hbm>> -> memref<100000x128xf32, #tpu.memory_space<hbm>>
      tpu.enqueue_indirect_dma source(%dma_start3A_1584 : memref<100000x128xf32, #tpu.memory_space<hbm>>) target(%dma_start3A_1580 : memref<80x128xf32, #tpu.memory_space<vmem>>) offsets(%dma_start3A_1581 : memref<80xi32, #tpu.memory_space<vmem>>) semaphore(%arg12 : memref<!tpu.dma_semaphore, #tpu.memory_space<semaphore_mem>>)
      %mul3A_1585 = arith.constant 10 : i32
      %mul3A_1586 = arith.muli %add3A_1009, %mul3A_1585 : i32
      %add3A_1587 = arith.constant 9 : i32
      %add3A_1588 = arith.addi %mul3A_1586, %add3A_1587 : i32
      %mul3A_1589 = arith.constant 80 : i32
      %mul3A_1590 = arith.muli %add3A_1588, %mul3A_1589 : i32
      %dma_wait3A_1591 = arith.constant 9 : i32
      %dma_wait3A_1592 = arith.constant 0 : i32
      %dma_wait3A_1593 = arith.constant 0 : i32
      %dma_wait3A_1594 = tpu.memref_slice %arg6[%dma_wait3A_1591, %dma_wait3A_1592, %dma_wait3A_1593] : memref<10x80x128xf32, #tpu.memory_space<vmem>> -> memref<1x80x128xf32, #tpu.memory_space<vmem>>
      %dma_wait3A_1595 = tpu.memref_squeeze %dma_wait3A_1594 : memref<1x80x128xf32, #tpu.memory_space<vmem>> -> memref<80x128xf32, #tpu.memory_space<vmem>>
      %dma_wait3A_1596 = tpu.memref_slice %arg5[%mul3A_1590] : memref<6400xi32, #tpu.memory_space<vmem>> -> memref<80xi32, #tpu.memory_space<vmem>>
      %dma_wait3A_1597 = arith.constant 0 : i32
      %dma_wait3A_1598 = arith.constant 0 : i32
      %dma_wait3A_1599 = tpu.memref_slice %arg2[%dma_wait3A_1597, %dma_wait3A_1598] : memref<100000x128xf32, #tpu.memory_space<hbm>> -> memref<100000x128xf32, #tpu.memory_space<hbm>>
      tpu.wait_indirect_dma semaphore(%arg16 : memref<!tpu.dma_semaphore, #tpu.memory_space<semaphore_mem>>) src(%dma_wait3A_1599 : memref<100000x128xf32, #tpu.memory_space<hbm>>) dst(%dma_wait3A_1595 : memref<80x128xf32, #tpu.memory_space<vmem>>)
      %mul3A_1600 = arith.constant 80 : i32
      %mul3A_1601 = arith.muli %add3A_1588, %mul3A_1600 : i32
      %add3A_1602 = arith.addi %mul3A_2, %mul3A_1601 : i32
      %dma_start3A_1603 = arith.constant 9 : i32
      %dma_start3A_1604 = arith.constant 0 : i32
      %dma_start3A_1605 = arith.constant 0 : i32
      %dma_start3A_1606 = tpu.memref_slice %arg6[%dma_start3A_1603, %dma_start3A_1604, %dma_start3A_1605] : memref<10x80x128xf32, #tpu.memory_space<vmem>> -> memref<1x80x128xf32, #tpu.memory_space<vmem>>
      %dma_start3A_1607 = tpu.memref_squeeze %dma_start3A_1606 : memref<1x80x128xf32, #tpu.memory_space<vmem>> -> memref<80x128xf32, #tpu.memory_space<vmem>>
      %dma_start3A_1608 = arith.constant 0 : i32
      %dma_start3A_1609 = tpu.memref_slice %arg4[%add3A_1602, %dma_start3A_1608] : memref<204800x128xf32, #tpu.memory_space<hbm>> -> memref<80x128xf32, #tpu.memory_space<hbm>>
      %dma_start3A_1610 = arith.constant 0 : i32
      %dma_start3A_1611 = tpu.memref_slice %arg4[%add3A_1602, %dma_start3A_1610] : memref<204800x128xf32, #tpu.memory_space<hbm>> -> memref<80x128xf32, #tpu.memory_space<hbm>>
      %dma_start3A_1612 = arith.constant 0 : i32
      %dma_start3A_1613 = arith.constant 0 : i32
      %dma_start3A_1614 = tpu.memref_slice %arg6[%dma_start3A_1603, %dma_start3A_1612, %dma_start3A_1613] : memref<10x80x128xf32, #tpu.memory_space<vmem>> -> memref<1x80x128xf32, #tpu.memory_space<vmem>>
      %dma_start3A_1615 = tpu.memref_squeeze %dma_start3A_1614 : memref<1x80x128xf32, #tpu.memory_space<vmem>> -> memref<80x128xf32, #tpu.memory_space<vmem>>
      tpu.enqueue_dma source(%dma_start3A_1615 : memref<80x128xf32, #tpu.memory_space<vmem>>) target(%dma_start3A_1611 : memref<80x128xf32, #tpu.memory_space<hbm>>) target_semaphore(%arg26 : memref<!tpu.dma_semaphore, #tpu.memory_space<semaphore_mem>>)
      %sub3A_1616 = arith.constant 3 : i32
      %sub3A_1617 = arith.subi %add3A_1588, %sub3A_1616 : i32
      %mul3A_1618 = arith.constant 80 : i32
      %mul3A_1619 = arith.muli %sub3A_1617, %mul3A_1618 : i32
      %add3A_1620 = arith.addi %mul3A_2, %mul3A_1619 : i32
      %dma_wait3A_1621 = arith.constant 6 : i32
      %dma_wait3A_1622 = arith.constant 0 : i32
      %dma_wait3A_1623 = arith.constant 0 : i32
      %dma_wait3A_1624 = tpu.memref_slice %arg6[%dma_wait3A_1621, %dma_wait3A_1622, %dma_wait3A_1623] : memref<10x80x128xf32, #tpu.memory_space<vmem>> -> memref<1x80x128xf32, #tpu.memory_space<vmem>>
      %dma_wait3A_1625 = tpu.memref_squeeze %dma_wait3A_1624 : memref<1x80x128xf32, #tpu.memory_space<vmem>> -> memref<80x128xf32, #tpu.memory_space<vmem>>
      %dma_wait3A_1626 = arith.constant 0 : i32
      %dma_wait3A_1627 = tpu.memref_slice %arg4[%add3A_1620, %dma_wait3A_1626] : memref<204800x128xf32, #tpu.memory_space<hbm>> -> memref<80x128xf32, #tpu.memory_space<hbm>>
      %dma_wait3A_1628 = arith.constant 0 : i32
      %dma_wait3A_1629 = tpu.memref_slice %arg4[%add3A_1620, %dma_wait3A_1628] : memref<204800x128xf32, #tpu.memory_space<hbm>> -> memref<80x128xf32, #tpu.memory_space<hbm>>
      %dma_wait3A_1630 = arith.constant 0 : i32
      %dma_wait3A_1631 = arith.constant 0 : i32
      %dma_wait3A_1632 = tpu.memref_slice %arg6[%dma_wait3A_1621, %dma_wait3A_1630, %dma_wait3A_1631] : memref<10x80x128xf32, #tpu.memory_space<vmem>> -> memref<1x80x128xf32, #tpu.memory_space<vmem>>
      %dma_wait3A_1633 = tpu.memref_squeeze %dma_wait3A_1632 : memref<1x80x128xf32, #tpu.memory_space<vmem>> -> memref<80x128xf32, #tpu.memory_space<vmem>>
      tpu.wait_dma2 semaphore(%arg23 : memref<!tpu.dma_semaphore, #tpu.memory_space<semaphore_mem>>) src(%dma_wait3A_1633 : memref<80x128xf32, #tpu.memory_space<vmem>>) dst(%dma_wait3A_1629 : memref<80x128xf32, #tpu.memory_space<hbm>>)
      %sub3A_1634 = arith.constant 3 : i32
      %sub3A_1635 = arith.subi %add3A_1588, %sub3A_1634 : i32
      %add3A_1636 = arith.constant 10 : i32
      %add3A_1637 = arith.addi %sub3A_1635, %add3A_1636 : i32
      %mul3A_1638 = arith.constant 80 : i32
      %mul3A_1639 = arith.muli %add3A_1637, %mul3A_1638 : i32
      %dma_start3A_1640 = arith.constant 6 : i32
      %dma_start3A_1641 = arith.constant 0 : i32
      %dma_start3A_1642 = arith.constant 0 : i32
      %dma_start3A_1643 = tpu.memref_slice %arg6[%dma_start3A_1640, %dma_start3A_1641, %dma_start3A_1642] : memref<10x80x128xf32, #tpu.memory_space<vmem>> -> memref<1x80x128xf32, #tpu.memory_space<vmem>>
      %dma_start3A_1644 = tpu.memref_squeeze %dma_start3A_1643 : memref<1x80x128xf32, #tpu.memory_space<vmem>> -> memref<80x128xf32, #tpu.memory_space<vmem>>
      %dma_start3A_1645 = tpu.memref_slice %arg5[%mul3A_1639] : memref<6400xi32, #tpu.memory_space<vmem>> -> memref<80xi32, #tpu.memory_space<vmem>>
      %dma_start3A_1646 = arith.constant 0 : i32
      %dma_start3A_1647 = arith.constant 0 : i32
      %dma_start3A_1648 = tpu.memref_slice %arg2[%dma_start3A_1646, %dma_start3A_1647] : memref<100000x128xf32, #tpu.memory_space<hbm>> -> memref<100000x128xf32, #tpu.memory_space<hbm>>
      tpu.enqueue_indirect_dma source(%dma_start3A_1648 : memref<100000x128xf32, #tpu.memory_space<hbm>>) target(%dma_start3A_1644 : memref<80x128xf32, #tpu.memory_space<vmem>>) offsets(%dma_start3A_1645 : memref<80xi32, #tpu.memory_space<vmem>>) semaphore(%arg13 : memref<!tpu.dma_semaphore, #tpu.memory_space<semaphore_mem>>)
    }
    %scan3A_529 = arith.constant 6 : i32
    %dma_wait3A_530 = arith.constant 0 : i32
    %dma_wait3A_531 = arith.constant 0 : i32
    %dma_wait3A_532 = arith.constant 0 : i32
    %dma_wait3A_533 = tpu.memref_slice %arg6[%dma_wait3A_530, %dma_wait3A_531, %dma_wait3A_532] : memref<10x80x128xf32, #tpu.memory_space<vmem>> -> memref<1x80x128xf32, #tpu.memory_space<vmem>>
    %dma_wait3A_534 = tpu.memref_squeeze %dma_wait3A_533 : memref<1x80x128xf32, #tpu.memory_space<vmem>> -> memref<80x128xf32, #tpu.memory_space<vmem>>
    %dma_wait3A_535 = arith.constant 5600 : i32
    %dma_wait3A_536 = tpu.memref_slice %arg5[%dma_wait3A_535] : memref<6400xi32, #tpu.memory_space<vmem>> -> memref<80xi32, #tpu.memory_space<vmem>>
    %dma_wait3A_537 = arith.constant 0 : i32
    %dma_wait3A_538 = arith.constant 0 : i32
    %dma_wait3A_539 = tpu.memref_slice %arg2[%dma_wait3A_537, %dma_wait3A_538] : memref<100000x128xf32, #tpu.memory_space<hbm>> -> memref<100000x128xf32, #tpu.memory_space<hbm>>
    tpu.wait_indirect_dma semaphore(%arg7 : memref<!tpu.dma_semaphore, #tpu.memory_space<semaphore_mem>>) src(%dma_wait3A_539 : memref<100000x128xf32, #tpu.memory_space<hbm>>) dst(%dma_wait3A_534 : memref<80x128xf32, #tpu.memory_space<vmem>>)
    %add3A_540 = arith.constant 5600 : i32
    %add3A_541 = arith.addi %mul3A_2, %add3A_540 : i32
    %dma_start3A_542 = arith.constant 0 : i32
    %dma_start3A_543 = arith.constant 0 : i32
    %dma_start3A_544 = arith.constant 0 : i32
    %dma_start3A_545 = tpu.memref_slice %arg6[%dma_start3A_542, %dma_start3A_543, %dma_start3A_544] : memref<10x80x128xf32, #tpu.memory_space<vmem>> -> memref<1x80x128xf32, #tpu.memory_space<vmem>>
    %dma_start3A_546 = tpu.memref_squeeze %dma_start3A_545 : memref<1x80x128xf32, #tpu.memory_space<vmem>> -> memref<80x128xf32, #tpu.memory_space<vmem>>
    %dma_start3A_547 = arith.constant 0 : i32
    %dma_start3A_548 = tpu.memref_slice %arg4[%add3A_541, %dma_start3A_547] : memref<204800x128xf32, #tpu.memory_space<hbm>> -> memref<80x128xf32, #tpu.memory_space<hbm>>
    %dma_start3A_549 = arith.constant 0 : i32
    %dma_start3A_550 = tpu.memref_slice %arg4[%add3A_541, %dma_start3A_549] : memref<204800x128xf32, #tpu.memory_space<hbm>> -> memref<80x128xf32, #tpu.memory_space<hbm>>
    %dma_start3A_551 = arith.constant 0 : i32
    %dma_start3A_552 = arith.constant 0 : i32
    %dma_start3A_553 = tpu.memref_slice %arg6[%dma_start3A_542, %dma_start3A_551, %dma_start3A_552] : memref<10x80x128xf32, #tpu.memory_space<vmem>> -> memref<1x80x128xf32, #tpu.memory_space<vmem>>
    %dma_start3A_554 = tpu.memref_squeeze %dma_start3A_553 : memref<1x80x128xf32, #tpu.memory_space<vmem>> -> memref<80x128xf32, #tpu.memory_space<vmem>>
    tpu.enqueue_dma source(%dma_start3A_554 : memref<80x128xf32, #tpu.memory_space<vmem>>) target(%dma_start3A_550 : memref<80x128xf32, #tpu.memory_space<hbm>>) target_semaphore(%arg17 : memref<!tpu.dma_semaphore, #tpu.memory_space<semaphore_mem>>)
    %add3A_555 = arith.constant 5360 : i32
    %add3A_556 = arith.addi %mul3A_2, %add3A_555 : i32
    %dma_wait3A_557 = arith.constant 7 : i32
    %dma_wait3A_558 = arith.constant 0 : i32
    %dma_wait3A_559 = arith.constant 0 : i32
    %dma_wait3A_560 = tpu.memref_slice %arg6[%dma_wait3A_557, %dma_wait3A_558, %dma_wait3A_559] : memref<10x80x128xf32, #tpu.memory_space<vmem>> -> memref<1x80x128xf32, #tpu.memory_space<vmem>>
    %dma_wait3A_561 = tpu.memref_squeeze %dma_wait3A_560 : memref<1x80x128xf32, #tpu.memory_space<vmem>> -> memref<80x128xf32, #tpu.memory_space<vmem>>
    %dma_wait3A_562 = arith.constant 0 : i32
    %dma_wait3A_563 = tpu.memref_slice %arg4[%add3A_556, %dma_wait3A_562] : memref<204800x128xf32, #tpu.memory_space<hbm>> -> memref<80x128xf32, #tpu.memory_space<hbm>>
    %dma_wait3A_564 = arith.constant 0 : i32
    %dma_wait3A_565 = tpu.memref_slice %arg4[%add3A_556, %dma_wait3A_564] : memref<204800x128xf32, #tpu.memory_space<hbm>> -> memref<80x128xf32, #tpu.memory_space<hbm>>
    %dma_wait3A_566 = arith.constant 0 : i32
    %dma_wait3A_567 = arith.constant 0 : i32
    %dma_wait3A_568 = tpu.memref_slice %arg6[%dma_wait3A_557, %dma_wait3A_566, %dma_wait3A_567] : memref<10x80x128xf32, #tpu.memory_space<vmem>> -> memref<1x80x128xf32, #tpu.memory_space<vmem>>
    %dma_wait3A_569 = tpu.memref_squeeze %dma_wait3A_568 : memref<1x80x128xf32, #tpu.memory_space<vmem>> -> memref<80x128xf32, #tpu.memory_space<vmem>>
    tpu.wait_dma2 semaphore(%arg24 : memref<!tpu.dma_semaphore, #tpu.memory_space<semaphore_mem>>) src(%dma_wait3A_569 : memref<80x128xf32, #tpu.memory_space<vmem>>) dst(%dma_wait3A_565 : memref<80x128xf32, #tpu.memory_space<hbm>>)
    %dma_start3A_570 = arith.constant 7 : i32
    %dma_start3A_571 = arith.constant 0 : i32
    %dma_start3A_572 = arith.constant 0 : i32
    %dma_start3A_573 = tpu.memref_slice %arg6[%dma_start3A_570, %dma_start3A_571, %dma_start3A_572] : memref<10x80x128xf32, #tpu.memory_space<vmem>> -> memref<1x80x128xf32, #tpu.memory_space<vmem>>
    %dma_start3A_574 = tpu.memref_squeeze %dma_start3A_573 : memref<1x80x128xf32, #tpu.memory_space<vmem>> -> memref<80x128xf32, #tpu.memory_space<vmem>>
    %dma_start3A_575 = arith.constant 6160 : i32
    %dma_start3A_576 = tpu.memref_slice %arg5[%dma_start3A_575] : memref<6400xi32, #tpu.memory_space<vmem>> -> memref<80xi32, #tpu.memory_space<vmem>>
    %dma_start3A_577 = arith.constant 0 : i32
    %dma_start3A_578 = arith.constant 0 : i32
    %dma_start3A_579 = tpu.memref_slice %arg2[%dma_start3A_577, %dma_start3A_578] : memref<100000x128xf32, #tpu.memory_space<hbm>> -> memref<100000x128xf32, #tpu.memory_space<hbm>>
    tpu.enqueue_indirect_dma source(%dma_start3A_579 : memref<100000x128xf32, #tpu.memory_space<hbm>>) target(%dma_start3A_574 : memref<80x128xf32, #tpu.memory_space<vmem>>) offsets(%dma_start3A_576 : memref<80xi32, #tpu.memory_space<vmem>>) semaphore(%arg14 : memref<!tpu.dma_semaphore, #tpu.memory_space<semaphore_mem>>)
    %dma_wait3A_580 = arith.constant 1 : i32
    %dma_wait3A_581 = arith.constant 0 : i32
    %dma_wait3A_582 = arith.constant 0 : i32
    %dma_wait3A_583 = tpu.memref_slice %arg6[%dma_wait3A_580, %dma_wait3A_581, %dma_wait3A_582] : memref<10x80x128xf32, #tpu.memory_space<vmem>> -> memref<1x80x128xf32, #tpu.memory_space<vmem>>
    %dma_wait3A_584 = tpu.memref_squeeze %dma_wait3A_583 : memref<1x80x128xf32, #tpu.memory_space<vmem>> -> memref<80x128xf32, #tpu.memory_space<vmem>>
    %dma_wait3A_585 = arith.constant 5680 : i32
    %dma_wait3A_586 = tpu.memref_slice %arg5[%dma_wait3A_585] : memref<6400xi32, #tpu.memory_space<vmem>> -> memref<80xi32, #tpu.memory_space<vmem>>
    %dma_wait3A_587 = arith.constant 0 : i32
    %dma_wait3A_588 = arith.constant 0 : i32
    %dma_wait3A_589 = tpu.memref_slice %arg2[%dma_wait3A_587, %dma_wait3A_588] : memref<100000x128xf32, #tpu.memory_space<hbm>> -> memref<100000x128xf32, #tpu.memory_space<hbm>>
    tpu.wait_indirect_dma semaphore(%arg8 : memref<!tpu.dma_semaphore, #tpu.memory_space<semaphore_mem>>) src(%dma_wait3A_589 : memref<100000x128xf32, #tpu.memory_space<hbm>>) dst(%dma_wait3A_584 : memref<80x128xf32, #tpu.memory_space<vmem>>)
    %add3A_590 = arith.constant 5680 : i32
    %add3A_591 = arith.addi %mul3A_2, %add3A_590 : i32
    %dma_start3A_592 = arith.constant 1 : i32
    %dma_start3A_593 = arith.constant 0 : i32
    %dma_start3A_594 = arith.constant 0 : i32
    %dma_start3A_595 = tpu.memref_slice %arg6[%dma_start3A_592, %dma_start3A_593, %dma_start3A_594] : memref<10x80x128xf32, #tpu.memory_space<vmem>> -> memref<1x80x128xf32, #tpu.memory_space<vmem>>
    %dma_start3A_596 = tpu.memref_squeeze %dma_start3A_595 : memref<1x80x128xf32, #tpu.memory_space<vmem>> -> memref<80x128xf32, #tpu.memory_space<vmem>>
    %dma_start3A_597 = arith.constant 0 : i32
    %dma_start3A_598 = tpu.memref_slice %arg4[%add3A_591, %dma_start3A_597] : memref<204800x128xf32, #tpu.memory_space<hbm>> -> memref<80x128xf32, #tpu.memory_space<hbm>>
    %dma_start3A_599 = arith.constant 0 : i32
    %dma_start3A_600 = tpu.memref_slice %arg4[%add3A_591, %dma_start3A_599] : memref<204800x128xf32, #tpu.memory_space<hbm>> -> memref<80x128xf32, #tpu.memory_space<hbm>>
    %dma_start3A_601 = arith.constant 0 : i32
    %dma_start3A_602 = arith.constant 0 : i32
    %dma_start3A_603 = tpu.memref_slice %arg6[%dma_start3A_592, %dma_start3A_601, %dma_start3A_602] : memref<10x80x128xf32, #tpu.memory_space<vmem>> -> memref<1x80x128xf32, #tpu.memory_space<vmem>>
    %dma_start3A_604 = tpu.memref_squeeze %dma_start3A_603 : memref<1x80x128xf32, #tpu.memory_space<vmem>> -> memref<80x128xf32, #tpu.memory_space<vmem>>
    tpu.enqueue_dma source(%dma_start3A_604 : memref<80x128xf32, #tpu.memory_space<vmem>>) target(%dma_start3A_600 : memref<80x128xf32, #tpu.memory_space<hbm>>) target_semaphore(%arg18 : memref<!tpu.dma_semaphore, #tpu.memory_space<semaphore_mem>>)
    %add3A_605 = arith.constant 5440 : i32
    %add3A_606 = arith.addi %mul3A_2, %add3A_605 : i32
    %dma_wait3A_607 = arith.constant 8 : i32
    %dma_wait3A_608 = arith.constant 0 : i32
    %dma_wait3A_609 = arith.constant 0 : i32
    %dma_wait3A_610 = tpu.memref_slice %arg6[%dma_wait3A_607, %dma_wait3A_608, %dma_wait3A_609] : memref<10x80x128xf32, #tpu.memory_space<vmem>> -> memref<1x80x128xf32, #tpu.memory_space<vmem>>
    %dma_wait3A_611 = tpu.memref_squeeze %dma_wait3A_610 : memref<1x80x128xf32, #tpu.memory_space<vmem>> -> memref<80x128xf32, #tpu.memory_space<vmem>>
    %dma_wait3A_612 = arith.constant 0 : i32
    %dma_wait3A_613 = tpu.memref_slice %arg4[%add3A_606, %dma_wait3A_612] : memref<204800x128xf32, #tpu.memory_space<hbm>> -> memref<80x128xf32, #tpu.memory_space<hbm>>
    %dma_wait3A_614 = arith.constant 0 : i32
    %dma_wait3A_615 = tpu.memref_slice %arg4[%add3A_606, %dma_wait3A_614] : memref<204800x128xf32, #tpu.memory_space<hbm>> -> memref<80x128xf32, #tpu.memory_space<hbm>>
    %dma_wait3A_616 = arith.constant 0 : i32
    %dma_wait3A_617 = arith.constant 0 : i32
    %dma_wait3A_618 = tpu.memref_slice %arg6[%dma_wait3A_607, %dma_wait3A_616, %dma_wait3A_617] : memref<10x80x128xf32, #tpu.memory_space<vmem>> -> memref<1x80x128xf32, #tpu.memory_space<vmem>>
    %dma_wait3A_619 = tpu.memref_squeeze %dma_wait3A_618 : memref<1x80x128xf32, #tpu.memory_space<vmem>> -> memref<80x128xf32, #tpu.memory_space<vmem>>
    tpu.wait_dma2 semaphore(%arg25 : memref<!tpu.dma_semaphore, #tpu.memory_space<semaphore_mem>>) src(%dma_wait3A_619 : memref<80x128xf32, #tpu.memory_space<vmem>>) dst(%dma_wait3A_615 : memref<80x128xf32, #tpu.memory_space<hbm>>)
    %dma_start3A_620 = arith.constant 8 : i32
    %dma_start3A_621 = arith.constant 0 : i32
    %dma_start3A_622 = arith.constant 0 : i32
    %dma_start3A_623 = tpu.memref_slice %arg6[%dma_start3A_620, %dma_start3A_621, %dma_start3A_622] : memref<10x80x128xf32, #tpu.memory_space<vmem>> -> memref<1x80x128xf32, #tpu.memory_space<vmem>>
    %dma_start3A_624 = tpu.memref_squeeze %dma_start3A_623 : memref<1x80x128xf32, #tpu.memory_space<vmem>> -> memref<80x128xf32, #tpu.memory_space<vmem>>
    %dma_start3A_625 = arith.constant 6240 : i32
    %dma_start3A_626 = tpu.memref_slice %arg5[%dma_start3A_625] : memref<6400xi32, #tpu.memory_space<vmem>> -> memref<80xi32, #tpu.memory_space<vmem>>
    %dma_start3A_627 = arith.constant 0 : i32
    %dma_start3A_628 = arith.constant 0 : i32
    %dma_start3A_629 = tpu.memref_slice %arg2[%dma_start3A_627, %dma_start3A_628] : memref<100000x128xf32, #tpu.memory_space<hbm>> -> memref<100000x128xf32, #tpu.memory_space<hbm>>
    tpu.enqueue_indirect_dma source(%dma_start3A_629 : memref<100000x128xf32, #tpu.memory_space<hbm>>) target(%dma_start3A_624 : memref<80x128xf32, #tpu.memory_space<vmem>>) offsets(%dma_start3A_626 : memref<80xi32, #tpu.memory_space<vmem>>) semaphore(%arg15 : memref<!tpu.dma_semaphore, #tpu.memory_space<semaphore_mem>>)
    %dma_wait3A_630 = arith.constant 2 : i32
    %dma_wait3A_631 = arith.constant 0 : i32
    %dma_wait3A_632 = arith.constant 0 : i32
    %dma_wait3A_633 = tpu.memref_slice %arg6[%dma_wait3A_630, %dma_wait3A_631, %dma_wait3A_632] : memref<10x80x128xf32, #tpu.memory_space<vmem>> -> memref<1x80x128xf32, #tpu.memory_space<vmem>>
    %dma_wait3A_634 = tpu.memref_squeeze %dma_wait3A_633 : memref<1x80x128xf32, #tpu.memory_space<vmem>> -> memref<80x128xf32, #tpu.memory_space<vmem>>
    %dma_wait3A_635 = arith.constant 5760 : i32
    %dma_wait3A_636 = tpu.memref_slice %arg5[%dma_wait3A_635] : memref<6400xi32, #tpu.memory_space<vmem>> -> memref<80xi32, #tpu.memory_space<vmem>>
    %dma_wait3A_637 = arith.constant 0 : i32
    %dma_wait3A_638 = arith.constant 0 : i32
    %dma_wait3A_639 = tpu.memref_slice %arg2[%dma_wait3A_637, %dma_wait3A_638] : memref<100000x128xf32, #tpu.memory_space<hbm>> -> memref<100000x128xf32, #tpu.memory_space<hbm>>
    tpu.wait_indirect_dma semaphore(%arg9 : memref<!tpu.dma_semaphore, #tpu.memory_space<semaphore_mem>>) src(%dma_wait3A_639 : memref<100000x128xf32, #tpu.memory_space<hbm>>) dst(%dma_wait3A_634 : memref<80x128xf32, #tpu.memory_space<vmem>>)
    %add3A_640 = arith.constant 5760 : i32
    %add3A_641 = arith.addi %mul3A_2, %add3A_640 : i32
    %dma_start3A_642 = arith.constant 2 : i32
    %dma_start3A_643 = arith.constant 0 : i32
    %dma_start3A_644 = arith.constant 0 : i32
    %dma_start3A_645 = tpu.memref_slice %arg6[%dma_start3A_642, %dma_start3A_643, %dma_start3A_644] : memref<10x80x128xf32, #tpu.memory_space<vmem>> -> memref<1x80x128xf32, #tpu.memory_space<vmem>>
    %dma_start3A_646 = tpu.memref_squeeze %dma_start3A_645 : memref<1x80x128xf32, #tpu.memory_space<vmem>> -> memref<80x128xf32, #tpu.memory_space<vmem>>
    %dma_start3A_647 = arith.constant 0 : i32
    %dma_start3A_648 = tpu.memref_slice %arg4[%add3A_641, %dma_start3A_647] : memref<204800x128xf32, #tpu.memory_space<hbm>> -> memref<80x128xf32, #tpu.memory_space<hbm>>
    %dma_start3A_649 = arith.constant 0 : i32
    %dma_start3A_650 = tpu.memref_slice %arg4[%add3A_641, %dma_start3A_649] : memref<204800x128xf32, #tpu.memory_space<hbm>> -> memref<80x128xf32, #tpu.memory_space<hbm>>
    %dma_start3A_651 = arith.constant 0 : i32
    %dma_start3A_652 = arith.constant 0 : i32
    %dma_start3A_653 = tpu.memref_slice %arg6[%dma_start3A_642, %dma_start3A_651, %dma_start3A_652] : memref<10x80x128xf32, #tpu.memory_space<vmem>> -> memref<1x80x128xf32, #tpu.memory_space<vmem>>
    %dma_start3A_654 = tpu.memref_squeeze %dma_start3A_653 : memref<1x80x128xf32, #tpu.memory_space<vmem>> -> memref<80x128xf32, #tpu.memory_space<vmem>>
    tpu.enqueue_dma source(%dma_start3A_654 : memref<80x128xf32, #tpu.memory_space<vmem>>) target(%dma_start3A_650 : memref<80x128xf32, #tpu.memory_space<hbm>>) target_semaphore(%arg19 : memref<!tpu.dma_semaphore, #tpu.memory_space<semaphore_mem>>)
    %add3A_655 = arith.constant 5520 : i32
    %add3A_656 = arith.addi %mul3A_2, %add3A_655 : i32
    %dma_wait3A_657 = arith.constant 9 : i32
    %dma_wait3A_658 = arith.constant 0 : i32
    %dma_wait3A_659 = arith.constant 0 : i32
    %dma_wait3A_660 = tpu.memref_slice %arg6[%dma_wait3A_657, %dma_wait3A_658, %dma_wait3A_659] : memref<10x80x128xf32, #tpu.memory_space<vmem>> -> memref<1x80x128xf32, #tpu.memory_space<vmem>>
    %dma_wait3A_661 = tpu.memref_squeeze %dma_wait3A_660 : memref<1x80x128xf32, #tpu.memory_space<vmem>> -> memref<80x128xf32, #tpu.memory_space<vmem>>
    %dma_wait3A_662 = arith.constant 0 : i32
    %dma_wait3A_663 = tpu.memref_slice %arg4[%add3A_656, %dma_wait3A_662] : memref<204800x128xf32, #tpu.memory_space<hbm>> -> memref<80x128xf32, #tpu.memory_space<hbm>>
    %dma_wait3A_664 = arith.constant 0 : i32
    %dma_wait3A_665 = tpu.memref_slice %arg4[%add3A_656, %dma_wait3A_664] : memref<204800x128xf32, #tpu.memory_space<hbm>> -> memref<80x128xf32, #tpu.memory_space<hbm>>
    %dma_wait3A_666 = arith.constant 0 : i32
    %dma_wait3A_667 = arith.constant 0 : i32
    %dma_wait3A_668 = tpu.memref_slice %arg6[%dma_wait3A_657, %dma_wait3A_666, %dma_wait3A_667] : memref<10x80x128xf32, #tpu.memory_space<vmem>> -> memref<1x80x128xf32, #tpu.memory_space<vmem>>
    %dma_wait3A_669 = tpu.memref_squeeze %dma_wait3A_668 : memref<1x80x128xf32, #tpu.memory_space<vmem>> -> memref<80x128xf32, #tpu.memory_space<vmem>>
    tpu.wait_dma2 semaphore(%arg26 : memref<!tpu.dma_semaphore, #tpu.memory_space<semaphore_mem>>) src(%dma_wait3A_669 : memref<80x128xf32, #tpu.memory_space<vmem>>) dst(%dma_wait3A_665 : memref<80x128xf32, #tpu.memory_space<hbm>>)
    %dma_start3A_670 = arith.constant 9 : i32
    %dma_start3A_671 = arith.constant 0 : i32
    %dma_start3A_672 = arith.constant 0 : i32
    %dma_start3A_673 = tpu.memref_slice %arg6[%dma_start3A_670, %dma_start3A_671, %dma_start3A_672] : memref<10x80x128xf32, #tpu.memory_space<vmem>> -> memref<1x80x128xf32, #tpu.memory_space<vmem>>
    %dma_start3A_674 = tpu.memref_squeeze %dma_start3A_673 : memref<1x80x128xf32, #tpu.memory_space<vmem>> -> memref<80x128xf32, #tpu.memory_space<vmem>>
    %dma_start3A_675 = arith.constant 6320 : i32
    %dma_start3A_676 = tpu.memref_slice %arg5[%dma_start3A_675] : memref<6400xi32, #tpu.memory_space<vmem>> -> memref<80xi32, #tpu.memory_space<vmem>>
    %dma_start3A_677 = arith.constant 0 : i32
    %dma_start3A_678 = arith.constant 0 : i32
    %dma_start3A_679 = tpu.memref_slice %arg2[%dma_start3A_677, %dma_start3A_678] : memref<100000x128xf32, #tpu.memory_space<hbm>> -> memref<100000x128xf32, #tpu.memory_space<hbm>>
    tpu.enqueue_indirect_dma source(%dma_start3A_679 : memref<100000x128xf32, #tpu.memory_space<hbm>>) target(%dma_start3A_674 : memref<80x128xf32, #tpu.memory_space<vmem>>) offsets(%dma_start3A_676 : memref<80xi32, #tpu.memory_space<vmem>>) semaphore(%arg16 : memref<!tpu.dma_semaphore, #tpu.memory_space<semaphore_mem>>)
    %dma_wait3A_680 = arith.constant 3 : i32
    %dma_wait3A_681 = arith.constant 0 : i32
    %dma_wait3A_682 = arith.constant 0 : i32
    %dma_wait3A_683 = tpu.memref_slice %arg6[%dma_wait3A_680, %dma_wait3A_681, %dma_wait3A_682] : memref<10x80x128xf32, #tpu.memory_space<vmem>> -> memref<1x80x128xf32, #tpu.memory_space<vmem>>
    %dma_wait3A_684 = tpu.memref_squeeze %dma_wait3A_683 : memref<1x80x128xf32, #tpu.memory_space<vmem>> -> memref<80x128xf32, #tpu.memory_space<vmem>>
    %dma_wait3A_685 = arith.constant 5840 : i32
    %dma_wait3A_686 = tpu.memref_slice %arg5[%dma_wait3A_685] : memref<6400xi32, #tpu.memory_space<vmem>> -> memref<80xi32, #tpu.memory_space<vmem>>
    %dma_wait3A_687 = arith.constant 0 : i32
    %dma_wait3A_688 = arith.constant 0 : i32
    %dma_wait3A_689 = tpu.memref_slice %arg2[%dma_wait3A_687, %dma_wait3A_688] : memref<100000x128xf32, #tpu.memory_space<hbm>> -> memref<100000x128xf32, #tpu.memory_space<hbm>>
    tpu.wait_indirect_dma semaphore(%arg10 : memref<!tpu.dma_semaphore, #tpu.memory_space<semaphore_mem>>) src(%dma_wait3A_689 : memref<100000x128xf32, #tpu.memory_space<hbm>>) dst(%dma_wait3A_684 : memref<80x128xf32, #tpu.memory_space<vmem>>)
    %add3A_690 = arith.constant 5840 : i32
    %add3A_691 = arith.addi %mul3A_2, %add3A_690 : i32
    %dma_start3A_692 = arith.constant 3 : i32
    %dma_start3A_693 = arith.constant 0 : i32
    %dma_start3A_694 = arith.constant 0 : i32
    %dma_start3A_695 = tpu.memref_slice %arg6[%dma_start3A_692, %dma_start3A_693, %dma_start3A_694] : memref<10x80x128xf32, #tpu.memory_space<vmem>> -> memref<1x80x128xf32, #tpu.memory_space<vmem>>
    %dma_start3A_696 = tpu.memref_squeeze %dma_start3A_695 : memref<1x80x128xf32, #tpu.memory_space<vmem>> -> memref<80x128xf32, #tpu.memory_space<vmem>>
    %dma_start3A_697 = arith.constant 0 : i32
    %dma_start3A_698 = tpu.memref_slice %arg4[%add3A_691, %dma_start3A_697] : memref<204800x128xf32, #tpu.memory_space<hbm>> -> memref<80x128xf32, #tpu.memory_space<hbm>>
    %dma_start3A_699 = arith.constant 0 : i32
    %dma_start3A_700 = tpu.memref_slice %arg4[%add3A_691, %dma_start3A_699] : memref<204800x128xf32, #tpu.memory_space<hbm>> -> memref<80x128xf32, #tpu.memory_space<hbm>>
    %dma_start3A_701 = arith.constant 0 : i32
    %dma_start3A_702 = arith.constant 0 : i32
    %dma_start3A_703 = tpu.memref_slice %arg6[%dma_start3A_692, %dma_start3A_701, %dma_start3A_702] : memref<10x80x128xf32, #tpu.memory_space<vmem>> -> memref<1x80x128xf32, #tpu.memory_space<vmem>>
    %dma_start3A_704 = tpu.memref_squeeze %dma_start3A_703 : memref<1x80x128xf32, #tpu.memory_space<vmem>> -> memref<80x128xf32, #tpu.memory_space<vmem>>
    tpu.enqueue_dma source(%dma_start3A_704 : memref<80x128xf32, #tpu.memory_space<vmem>>) target(%dma_start3A_700 : memref<80x128xf32, #tpu.memory_space<hbm>>) target_semaphore(%arg20 : memref<!tpu.dma_semaphore, #tpu.memory_space<semaphore_mem>>)
    %dma_wait3A_705 = arith.constant 4 : i32
    %dma_wait3A_706 = arith.constant 0 : i32
    %dma_wait3A_707 = arith.constant 0 : i32
    %dma_wait3A_708 = tpu.memref_slice %arg6[%dma_wait3A_705, %dma_wait3A_706, %dma_wait3A_707] : memref<10x80x128xf32, #tpu.memory_space<vmem>> -> memref<1x80x128xf32, #tpu.memory_space<vmem>>
    %dma_wait3A_709 = tpu.memref_squeeze %dma_wait3A_708 : memref<1x80x128xf32, #tpu.memory_space<vmem>> -> memref<80x128xf32, #tpu.memory_space<vmem>>
    %dma_wait3A_710 = arith.constant 5920 : i32
    %dma_wait3A_711 = tpu.memref_slice %arg5[%dma_wait3A_710] : memref<6400xi32, #tpu.memory_space<vmem>> -> memref<80xi32, #tpu.memory_space<vmem>>
    %dma_wait3A_712 = arith.constant 0 : i32
    %dma_wait3A_713 = arith.constant 0 : i32
    %dma_wait3A_714 = tpu.memref_slice %arg2[%dma_wait3A_712, %dma_wait3A_713] : memref<100000x128xf32, #tpu.memory_space<hbm>> -> memref<100000x128xf32, #tpu.memory_space<hbm>>
    tpu.wait_indirect_dma semaphore(%arg11 : memref<!tpu.dma_semaphore, #tpu.memory_space<semaphore_mem>>) src(%dma_wait3A_714 : memref<100000x128xf32, #tpu.memory_space<hbm>>) dst(%dma_wait3A_709 : memref<80x128xf32, #tpu.memory_space<vmem>>)
    %add3A_715 = arith.constant 5920 : i32
    %add3A_716 = arith.addi %mul3A_2, %add3A_715 : i32
    %dma_start3A_717 = arith.constant 4 : i32
    %dma_start3A_718 = arith.constant 0 : i32
    %dma_start3A_719 = arith.constant 0 : i32
    %dma_start3A_720 = tpu.memref_slice %arg6[%dma_start3A_717, %dma_start3A_718, %dma_start3A_719] : memref<10x80x128xf32, #tpu.memory_space<vmem>> -> memref<1x80x128xf32, #tpu.memory_space<vmem>>
    %dma_start3A_721 = tpu.memref_squeeze %dma_start3A_720 : memref<1x80x128xf32, #tpu.memory_space<vmem>> -> memref<80x128xf32, #tpu.memory_space<vmem>>
    %dma_start3A_722 = arith.constant 0 : i32
    %dma_start3A_723 = tpu.memref_slice %arg4[%add3A_716, %dma_start3A_722] : memref<204800x128xf32, #tpu.memory_space<hbm>> -> memref<80x128xf32, #tpu.memory_space<hbm>>
    %dma_start3A_724 = arith.constant 0 : i32
    %dma_start3A_725 = tpu.memref_slice %arg4[%add3A_716, %dma_start3A_724] : memref<204800x128xf32, #tpu.memory_space<hbm>> -> memref<80x128xf32, #tpu.memory_space<hbm>>
    %dma_start3A_726 = arith.constant 0 : i32
    %dma_start3A_727 = arith.constant 0 : i32
    %dma_start3A_728 = tpu.memref_slice %arg6[%dma_start3A_717, %dma_start3A_726, %dma_start3A_727] : memref<10x80x128xf32, #tpu.memory_space<vmem>> -> memref<1x80x128xf32, #tpu.memory_space<vmem>>
    %dma_start3A_729 = tpu.memref_squeeze %dma_start3A_728 : memref<1x80x128xf32, #tpu.memory_space<vmem>> -> memref<80x128xf32, #tpu.memory_space<vmem>>
    tpu.enqueue_dma source(%dma_start3A_729 : memref<80x128xf32, #tpu.memory_space<vmem>>) target(%dma_start3A_725 : memref<80x128xf32, #tpu.memory_space<hbm>>) target_semaphore(%arg21 : memref<!tpu.dma_semaphore, #tpu.memory_space<semaphore_mem>>)
    %dma_wait3A_730 = arith.constant 5 : i32
    %dma_wait3A_731 = arith.constant 0 : i32
    %dma_wait3A_732 = arith.constant 0 : i32
    %dma_wait3A_733 = tpu.memref_slice %arg6[%dma_wait3A_730, %dma_wait3A_731, %dma_wait3A_732] : memref<10x80x128xf32, #tpu.memory_space<vmem>> -> memref<1x80x128xf32, #tpu.memory_space<vmem>>
    %dma_wait3A_734 = tpu.memref_squeeze %dma_wait3A_733 : memref<1x80x128xf32, #tpu.memory_space<vmem>> -> memref<80x128xf32, #tpu.memory_space<vmem>>
    %dma_wait3A_735 = arith.constant 6000 : i32
    %dma_wait3A_736 = tpu.memref_slice %arg5[%dma_wait3A_735] : memref<6400xi32, #tpu.memory_space<vmem>> -> memref<80xi32, #tpu.memory_space<vmem>>
    %dma_wait3A_737 = arith.constant 0 : i32
    %dma_wait3A_738 = arith.constant 0 : i32
    %dma_wait3A_739 = tpu.memref_slice %arg2[%dma_wait3A_737, %dma_wait3A_738] : memref<100000x128xf32, #tpu.memory_space<hbm>> -> memref<100000x128xf32, #tpu.memory_space<hbm>>
    tpu.wait_indirect_dma semaphore(%arg12 : memref<!tpu.dma_semaphore, #tpu.memory_space<semaphore_mem>>) src(%dma_wait3A_739 : memref<100000x128xf32, #tpu.memory_space<hbm>>) dst(%dma_wait3A_734 : memref<80x128xf32, #tpu.memory_space<vmem>>)
    %add3A_740 = arith.constant 6000 : i32
    %add3A_741 = arith.addi %mul3A_2, %add3A_740 : i32
    %dma_start3A_742 = arith.constant 5 : i32
    %dma_start3A_743 = arith.constant 0 : i32
    %dma_start3A_744 = arith.constant 0 : i32
    %dma_start3A_745 = tpu.memref_slice %arg6[%dma_start3A_742, %dma_start3A_743, %dma_start3A_744] : memref<10x80x128xf32, #tpu.memory_space<vmem>> -> memref<1x80x128xf32, #tpu.memory_space<vmem>>
    %dma_start3A_746 = tpu.memref_squeeze %dma_start3A_745 : memref<1x80x128xf32, #tpu.memory_space<vmem>> -> memref<80x128xf32, #tpu.memory_space<vmem>>
    %dma_start3A_747 = arith.constant 0 : i32
    %dma_start3A_748 = tpu.memref_slice %arg4[%add3A_741, %dma_start3A_747] : memref<204800x128xf32, #tpu.memory_space<hbm>> -> memref<80x128xf32, #tpu.memory_space<hbm>>
    %dma_start3A_749 = arith.constant 0 : i32
    %dma_start3A_750 = tpu.memref_slice %arg4[%add3A_741, %dma_start3A_749] : memref<204800x128xf32, #tpu.memory_space<hbm>> -> memref<80x128xf32, #tpu.memory_space<hbm>>
    %dma_start3A_751 = arith.constant 0 : i32
    %dma_start3A_752 = arith.constant 0 : i32
    %dma_start3A_753 = tpu.memref_slice %arg6[%dma_start3A_742, %dma_start3A_751, %dma_start3A_752] : memref<10x80x128xf32, #tpu.memory_space<vmem>> -> memref<1x80x128xf32, #tpu.memory_space<vmem>>
    %dma_start3A_754 = tpu.memref_squeeze %dma_start3A_753 : memref<1x80x128xf32, #tpu.memory_space<vmem>> -> memref<80x128xf32, #tpu.memory_space<vmem>>
    tpu.enqueue_dma source(%dma_start3A_754 : memref<80x128xf32, #tpu.memory_space<vmem>>) target(%dma_start3A_750 : memref<80x128xf32, #tpu.memory_space<hbm>>) target_semaphore(%arg22 : memref<!tpu.dma_semaphore, #tpu.memory_space<semaphore_mem>>)
    %dma_wait3A_755 = arith.constant 6 : i32
    %dma_wait3A_756 = arith.constant 0 : i32
    %dma_wait3A_757 = arith.constant 0 : i32
    %dma_wait3A_758 = tpu.memref_slice %arg6[%dma_wait3A_755, %dma_wait3A_756, %dma_wait3A_757] : memref<10x80x128xf32, #tpu.memory_space<vmem>> -> memref<1x80x128xf32, #tpu.memory_space<vmem>>
    %dma_wait3A_759 = tpu.memref_squeeze %dma_wait3A_758 : memref<1x80x128xf32, #tpu.memory_space<vmem>> -> memref<80x128xf32, #tpu.memory_space<vmem>>
    %dma_wait3A_760 = arith.constant 6080 : i32
    %dma_wait3A_761 = tpu.memref_slice %arg5[%dma_wait3A_760] : memref<6400xi32, #tpu.memory_space<vmem>> -> memref<80xi32, #tpu.memory_space<vmem>>
    %dma_wait3A_762 = arith.constant 0 : i32
    %dma_wait3A_763 = arith.constant 0 : i32
    %dma_wait3A_764 = tpu.memref_slice %arg2[%dma_wait3A_762, %dma_wait3A_763] : memref<100000x128xf32, #tpu.memory_space<hbm>> -> memref<100000x128xf32, #tpu.memory_space<hbm>>
    tpu.wait_indirect_dma semaphore(%arg13 : memref<!tpu.dma_semaphore, #tpu.memory_space<semaphore_mem>>) src(%dma_wait3A_764 : memref<100000x128xf32, #tpu.memory_space<hbm>>) dst(%dma_wait3A_759 : memref<80x128xf32, #tpu.memory_space<vmem>>)
    %add3A_765 = arith.constant 6080 : i32
    %add3A_766 = arith.addi %mul3A_2, %add3A_765 : i32
    %dma_start3A_767 = arith.constant 6 : i32
    %dma_start3A_768 = arith.constant 0 : i32
    %dma_start3A_769 = arith.constant 0 : i32
    %dma_start3A_770 = tpu.memref_slice %arg6[%dma_start3A_767, %dma_start3A_768, %dma_start3A_769] : memref<10x80x128xf32, #tpu.memory_space<vmem>> -> memref<1x80x128xf32, #tpu.memory_space<vmem>>
    %dma_start3A_771 = tpu.memref_squeeze %dma_start3A_770 : memref<1x80x128xf32, #tpu.memory_space<vmem>> -> memref<80x128xf32, #tpu.memory_space<vmem>>
    %dma_start3A_772 = arith.constant 0 : i32
    %dma_start3A_773 = tpu.memref_slice %arg4[%add3A_766, %dma_start3A_772] : memref<204800x128xf32, #tpu.memory_space<hbm>> -> memref<80x128xf32, #tpu.memory_space<hbm>>
    %dma_start3A_774 = arith.constant 0 : i32
    %dma_start3A_775 = tpu.memref_slice %arg4[%add3A_766, %dma_start3A_774] : memref<204800x128xf32, #tpu.memory_space<hbm>> -> memref<80x128xf32, #tpu.memory_space<hbm>>
    %dma_start3A_776 = arith.constant 0 : i32
    %dma_start3A_777 = arith.constant 0 : i32
    %dma_start3A_778 = tpu.memref_slice %arg6[%dma_start3A_767, %dma_start3A_776, %dma_start3A_777] : memref<10x80x128xf32, #tpu.memory_space<vmem>> -> memref<1x80x128xf32, #tpu.memory_space<vmem>>
    %dma_start3A_779 = tpu.memref_squeeze %dma_start3A_778 : memref<1x80x128xf32, #tpu.memory_space<vmem>> -> memref<80x128xf32, #tpu.memory_space<vmem>>
    tpu.enqueue_dma source(%dma_start3A_779 : memref<80x128xf32, #tpu.memory_space<vmem>>) target(%dma_start3A_775 : memref<80x128xf32, #tpu.memory_space<hbm>>) target_semaphore(%arg23 : memref<!tpu.dma_semaphore, #tpu.memory_space<semaphore_mem>>)
    %dma_wait3A_780 = arith.constant 7 : i32
    %dma_wait3A_781 = arith.constant 0 : i32
    %dma_wait3A_782 = arith.constant 0 : i32
    %dma_wait3A_783 = tpu.memref_slice %arg6[%dma_wait3A_780, %dma_wait3A_781, %dma_wait3A_782] : memref<10x80x128xf32, #tpu.memory_space<vmem>> -> memref<1x80x128xf32, #tpu.memory_space<vmem>>
    %dma_wait3A_784 = tpu.memref_squeeze %dma_wait3A_783 : memref<1x80x128xf32, #tpu.memory_space<vmem>> -> memref<80x128xf32, #tpu.memory_space<vmem>>
    %dma_wait3A_785 = arith.constant 6160 : i32
    %dma_wait3A_786 = tpu.memref_slice %arg5[%dma_wait3A_785] : memref<6400xi32, #tpu.memory_space<vmem>> -> memref<80xi32, #tpu.memory_space<vmem>>
    %dma_wait3A_787 = arith.constant 0 : i32
    %dma_wait3A_788 = arith.constant 0 : i32
    %dma_wait3A_789 = tpu.memref_slice %arg2[%dma_wait3A_787, %dma_wait3A_788] : memref<100000x128xf32, #tpu.memory_space<hbm>> -> memref<100000x128xf32, #tpu.memory_space<hbm>>
    tpu.wait_indirect_dma semaphore(%arg14 : memref<!tpu.dma_semaphore, #tpu.memory_space<semaphore_mem>>) src(%dma_wait3A_789 : memref<100000x128xf32, #tpu.memory_space<hbm>>) dst(%dma_wait3A_784 : memref<80x128xf32, #tpu.memory_space<vmem>>)
    %add3A_790 = arith.constant 6160 : i32
    %add3A_791 = arith.addi %mul3A_2, %add3A_790 : i32
    %dma_start3A_792 = arith.constant 7 : i32
    %dma_start3A_793 = arith.constant 0 : i32
    %dma_start3A_794 = arith.constant 0 : i32
    %dma_start3A_795 = tpu.memref_slice %arg6[%dma_start3A_792, %dma_start3A_793, %dma_start3A_794] : memref<10x80x128xf32, #tpu.memory_space<vmem>> -> memref<1x80x128xf32, #tpu.memory_space<vmem>>
    %dma_start3A_796 = tpu.memref_squeeze %dma_start3A_795 : memref<1x80x128xf32, #tpu.memory_space<vmem>> -> memref<80x128xf32, #tpu.memory_space<vmem>>
    %dma_start3A_797 = arith.constant 0 : i32
    %dma_start3A_798 = tpu.memref_slice %arg4[%add3A_791, %dma_start3A_797] : memref<204800x128xf32, #tpu.memory_space<hbm>> -> memref<80x128xf32, #tpu.memory_space<hbm>>
    %dma_start3A_799 = arith.constant 0 : i32
    %dma_start3A_800 = tpu.memref_slice %arg4[%add3A_791, %dma_start3A_799] : memref<204800x128xf32, #tpu.memory_space<hbm>> -> memref<80x128xf32, #tpu.memory_space<hbm>>
    %dma_start3A_801 = arith.constant 0 : i32
    %dma_start3A_802 = arith.constant 0 : i32
    %dma_start3A_803 = tpu.memref_slice %arg6[%dma_start3A_792, %dma_start3A_801, %dma_start3A_802] : memref<10x80x128xf32, #tpu.memory_space<vmem>> -> memref<1x80x128xf32, #tpu.memory_space<vmem>>
    %dma_start3A_804 = tpu.memref_squeeze %dma_start3A_803 : memref<1x80x128xf32, #tpu.memory_space<vmem>> -> memref<80x128xf32, #tpu.memory_space<vmem>>
    tpu.enqueue_dma source(%dma_start3A_804 : memref<80x128xf32, #tpu.memory_space<vmem>>) target(%dma_start3A_800 : memref<80x128xf32, #tpu.memory_space<hbm>>) target_semaphore(%arg24 : memref<!tpu.dma_semaphore, #tpu.memory_space<semaphore_mem>>)
    %dma_wait3A_805 = arith.constant 8 : i32
    %dma_wait3A_806 = arith.constant 0 : i32
    %dma_wait3A_807 = arith.constant 0 : i32
    %dma_wait3A_808 = tpu.memref_slice %arg6[%dma_wait3A_805, %dma_wait3A_806, %dma_wait3A_807] : memref<10x80x128xf32, #tpu.memory_space<vmem>> -> memref<1x80x128xf32, #tpu.memory_space<vmem>>
    %dma_wait3A_809 = tpu.memref_squeeze %dma_wait3A_808 : memref<1x80x128xf32, #tpu.memory_space<vmem>> -> memref<80x128xf32, #tpu.memory_space<vmem>>
    %dma_wait3A_810 = arith.constant 6240 : i32
    %dma_wait3A_811 = tpu.memref_slice %arg5[%dma_wait3A_810] : memref<6400xi32, #tpu.memory_space<vmem>> -> memref<80xi32, #tpu.memory_space<vmem>>
    %dma_wait3A_812 = arith.constant 0 : i32
    %dma_wait3A_813 = arith.constant 0 : i32
    %dma_wait3A_814 = tpu.memref_slice %arg2[%dma_wait3A_812, %dma_wait3A_813] : memref<100000x128xf32, #tpu.memory_space<hbm>> -> memref<100000x128xf32, #tpu.memory_space<hbm>>
    tpu.wait_indirect_dma semaphore(%arg15 : memref<!tpu.dma_semaphore, #tpu.memory_space<semaphore_mem>>) src(%dma_wait3A_814 : memref<100000x128xf32, #tpu.memory_space<hbm>>) dst(%dma_wait3A_809 : memref<80x128xf32, #tpu.memory_space<vmem>>)
    %add3A_815 = arith.constant 6240 : i32
    %add3A_816 = arith.addi %mul3A_2, %add3A_815 : i32
    %dma_start3A_817 = arith.constant 8 : i32
    %dma_start3A_818 = arith.constant 0 : i32
    %dma_start3A_819 = arith.constant 0 : i32
    %dma_start3A_820 = tpu.memref_slice %arg6[%dma_start3A_817, %dma_start3A_818, %dma_start3A_819] : memref<10x80x128xf32, #tpu.memory_space<vmem>> -> memref<1x80x128xf32, #tpu.memory_space<vmem>>
    %dma_start3A_821 = tpu.memref_squeeze %dma_start3A_820 : memref<1x80x128xf32, #tpu.memory_space<vmem>> -> memref<80x128xf32, #tpu.memory_space<vmem>>
    %dma_start3A_822 = arith.constant 0 : i32
    %dma_start3A_823 = tpu.memref_slice %arg4[%add3A_816, %dma_start3A_822] : memref<204800x128xf32, #tpu.memory_space<hbm>> -> memref<80x128xf32, #tpu.memory_space<hbm>>
    %dma_start3A_824 = arith.constant 0 : i32
    %dma_start3A_825 = tpu.memref_slice %arg4[%add3A_816, %dma_start3A_824] : memref<204800x128xf32, #tpu.memory_space<hbm>> -> memref<80x128xf32, #tpu.memory_space<hbm>>
    %dma_start3A_826 = arith.constant 0 : i32
    %dma_start3A_827 = arith.constant 0 : i32
    %dma_start3A_828 = tpu.memref_slice %arg6[%dma_start3A_817, %dma_start3A_826, %dma_start3A_827] : memref<10x80x128xf32, #tpu.memory_space<vmem>> -> memref<1x80x128xf32, #tpu.memory_space<vmem>>
    %dma_start3A_829 = tpu.memref_squeeze %dma_start3A_828 : memref<1x80x128xf32, #tpu.memory_space<vmem>> -> memref<80x128xf32, #tpu.memory_space<vmem>>
    tpu.enqueue_dma source(%dma_start3A_829 : memref<80x128xf32, #tpu.memory_space<vmem>>) target(%dma_start3A_825 : memref<80x128xf32, #tpu.memory_space<hbm>>) target_semaphore(%arg25 : memref<!tpu.dma_semaphore, #tpu.memory_space<semaphore_mem>>)
    %dma_wait3A_830 = arith.constant 9 : i32
    %dma_wait3A_831 = arith.constant 0 : i32
    %dma_wait3A_832 = arith.constant 0 : i32
    %dma_wait3A_833 = tpu.memref_slice %arg6[%dma_wait3A_830, %dma_wait3A_831, %dma_wait3A_832] : memref<10x80x128xf32, #tpu.memory_space<vmem>> -> memref<1x80x128xf32, #tpu.memory_space<vmem>>
    %dma_wait3A_834 = tpu.memref_squeeze %dma_wait3A_833 : memref<1x80x128xf32, #tpu.memory_space<vmem>> -> memref<80x128xf32, #tpu.memory_space<vmem>>
    %dma_wait3A_835 = arith.constant 6320 : i32
    %dma_wait3A_836 = tpu.memref_slice %arg5[%dma_wait3A_835] : memref<6400xi32, #tpu.memory_space<vmem>> -> memref<80xi32, #tpu.memory_space<vmem>>
    %dma_wait3A_837 = arith.constant 0 : i32
    %dma_wait3A_838 = arith.constant 0 : i32
    %dma_wait3A_839 = tpu.memref_slice %arg2[%dma_wait3A_837, %dma_wait3A_838] : memref<100000x128xf32, #tpu.memory_space<hbm>> -> memref<100000x128xf32, #tpu.memory_space<hbm>>
    tpu.wait_indirect_dma semaphore(%arg16 : memref<!tpu.dma_semaphore, #tpu.memory_space<semaphore_mem>>) src(%dma_wait3A_839 : memref<100000x128xf32, #tpu.memory_space<hbm>>) dst(%dma_wait3A_834 : memref<80x128xf32, #tpu.memory_space<vmem>>)
    %add3A_840 = arith.constant 6320 : i32
    %add3A_841 = arith.addi %mul3A_2, %add3A_840 : i32
    %dma_start3A_842 = arith.constant 9 : i32
    %dma_start3A_843 = arith.constant 0 : i32
    %dma_start3A_844 = arith.constant 0 : i32
    %dma_start3A_845 = tpu.memref_slice %arg6[%dma_start3A_842, %dma_start3A_843, %dma_start3A_844] : memref<10x80x128xf32, #tpu.memory_space<vmem>> -> memref<1x80x128xf32, #tpu.memory_space<vmem>>
    %dma_start3A_846 = tpu.memref_squeeze %dma_start3A_845 : memref<1x80x128xf32, #tpu.memory_space<vmem>> -> memref<80x128xf32, #tpu.memory_space<vmem>>
    %dma_start3A_847 = arith.constant 0 : i32
    %dma_start3A_848 = tpu.memref_slice %arg4[%add3A_841, %dma_start3A_847] : memref<204800x128xf32, #tpu.memory_space<hbm>> -> memref<80x128xf32, #tpu.memory_space<hbm>>
    %dma_start3A_849 = arith.constant 0 : i32
    %dma_start3A_850 = tpu.memref_slice %arg4[%add3A_841, %dma_start3A_849] : memref<204800x128xf32, #tpu.memory_space<hbm>> -> memref<80x128xf32, #tpu.memory_space<hbm>>
    %dma_start3A_851 = arith.constant 0 : i32
    %dma_start3A_852 = arith.constant 0 : i32
    %dma_start3A_853 = tpu.memref_slice %arg6[%dma_start3A_842, %dma_start3A_851, %dma_start3A_852] : memref<10x80x128xf32, #tpu.memory_space<vmem>> -> memref<1x80x128xf32, #tpu.memory_space<vmem>>
    %dma_start3A_854 = tpu.memref_squeeze %dma_start3A_853 : memref<1x80x128xf32, #tpu.memory_space<vmem>> -> memref<80x128xf32, #tpu.memory_space<vmem>>
    tpu.enqueue_dma source(%dma_start3A_854 : memref<80x128xf32, #tpu.memory_space<vmem>>) target(%dma_start3A_850 : memref<80x128xf32, #tpu.memory_space<hbm>>) target_semaphore(%arg26 : memref<!tpu.dma_semaphore, #tpu.memory_space<semaphore_mem>>)
    %add3A_855 = arith.constant 5600 : i32
    %add3A_856 = arith.addi %mul3A_2, %add3A_855 : i32
    %dma_wait3A_857 = arith.constant 0 : i32
    %dma_wait3A_858 = arith.constant 0 : i32
    %dma_wait3A_859 = arith.constant 0 : i32
    %dma_wait3A_860 = tpu.memref_slice %arg6[%dma_wait3A_857, %dma_wait3A_858, %dma_wait3A_859] : memref<10x80x128xf32, #tpu.memory_space<vmem>> -> memref<1x80x128xf32, #tpu.memory_space<vmem>>
    %dma_wait3A_861 = tpu.memref_squeeze %dma_wait3A_860 : memref<1x80x128xf32, #tpu.memory_space<vmem>> -> memref<80x128xf32, #tpu.memory_space<vmem>>
    %dma_wait3A_862 = arith.constant 0 : i32
    %dma_wait3A_863 = tpu.memref_slice %arg4[%add3A_856, %dma_wait3A_862] : memref<204800x128xf32, #tpu.memory_space<hbm>> -> memref<80x128xf32, #tpu.memory_space<hbm>>
    %dma_wait3A_864 = arith.constant 0 : i32
    %dma_wait3A_865 = tpu.memref_slice %arg4[%add3A_856, %dma_wait3A_864] : memref<204800x128xf32, #tpu.memory_space<hbm>> -> memref<80x128xf32, #tpu.memory_space<hbm>>
    %dma_wait3A_866 = arith.constant 0 : i32
    %dma_wait3A_867 = arith.constant 0 : i32
    %dma_wait3A_868 = tpu.memref_slice %arg6[%dma_wait3A_857, %dma_wait3A_866, %dma_wait3A_867] : memref<10x80x128xf32, #tpu.memory_space<vmem>> -> memref<1x80x128xf32, #tpu.memory_space<vmem>>
    %dma_wait3A_869 = tpu.memref_squeeze %dma_wait3A_868 : memref<1x80x128xf32, #tpu.memory_space<vmem>> -> memref<80x128xf32, #tpu.memory_space<vmem>>
    tpu.wait_dma2 semaphore(%arg17 : memref<!tpu.dma_semaphore, #tpu.memory_space<semaphore_mem>>) src(%dma_wait3A_869 : memref<80x128xf32, #tpu.memory_space<vmem>>) dst(%dma_wait3A_865 : memref<80x128xf32, #tpu.memory_space<hbm>>)
    %add3A_870 = arith.constant 5680 : i32
    %add3A_871 = arith.addi %mul3A_2, %add3A_870 : i32
    %dma_wait3A_872 = arith.constant 1 : i32
    %dma_wait3A_873 = arith.constant 0 : i32
    %dma_wait3A_874 = arith.constant 0 : i32
    %dma_wait3A_875 = tpu.memref_slice %arg6[%dma_wait3A_872, %dma_wait3A_873, %dma_wait3A_874] : memref<10x80x128xf32, #tpu.memory_space<vmem>> -> memref<1x80x128xf32, #tpu.memory_space<vmem>>
    %dma_wait3A_876 = tpu.memref_squeeze %dma_wait3A_875 : memref<1x80x128xf32, #tpu.memory_space<vmem>> -> memref<80x128xf32, #tpu.memory_space<vmem>>
    %dma_wait3A_877 = arith.constant 0 : i32
    %dma_wait3A_878 = tpu.memref_slice %arg4[%add3A_871, %dma_wait3A_877] : memref<204800x128xf32, #tpu.memory_space<hbm>> -> memref<80x128xf32, #tpu.memory_space<hbm>>
    %dma_wait3A_879 = arith.constant 0 : i32
    %dma_wait3A_880 = tpu.memref_slice %arg4[%add3A_871, %dma_wait3A_879] : memref<204800x128xf32, #tpu.memory_space<hbm>> -> memref<80x128xf32, #tpu.memory_space<hbm>>
    %dma_wait3A_881 = arith.constant 0 : i32
    %dma_wait3A_882 = arith.constant 0 : i32
    %dma_wait3A_883 = tpu.memref_slice %arg6[%dma_wait3A_872, %dma_wait3A_881, %dma_wait3A_882] : memref<10x80x128xf32, #tpu.memory_space<vmem>> -> memref<1x80x128xf32, #tpu.memory_space<vmem>>
    %dma_wait3A_884 = tpu.memref_squeeze %dma_wait3A_883 : memref<1x80x128xf32, #tpu.memory_space<vmem>> -> memref<80x128xf32, #tpu.memory_space<vmem>>
    tpu.wait_dma2 semaphore(%arg18 : memref<!tpu.dma_semaphore, #tpu.memory_space<semaphore_mem>>) src(%dma_wait3A_884 : memref<80x128xf32, #tpu.memory_space<vmem>>) dst(%dma_wait3A_880 : memref<80x128xf32, #tpu.memory_space<hbm>>)
    %add3A_885 = arith.constant 5760 : i32
    %add3A_886 = arith.addi %mul3A_2, %add3A_885 : i32
    %dma_wait3A_887 = arith.constant 2 : i32
    %dma_wait3A_888 = arith.constant 0 : i32
    %dma_wait3A_889 = arith.constant 0 : i32
    %dma_wait3A_890 = tpu.memref_slice %arg6[%dma_wait3A_887, %dma_wait3A_888, %dma_wait3A_889] : memref<10x80x128xf32, #tpu.memory_space<vmem>> -> memref<1x80x128xf32, #tpu.memory_space<vmem>>
    %dma_wait3A_891 = tpu.memref_squeeze %dma_wait3A_890 : memref<1x80x128xf32, #tpu.memory_space<vmem>> -> memref<80x128xf32, #tpu.memory_space<vmem>>
    %dma_wait3A_892 = arith.constant 0 : i32
    %dma_wait3A_893 = tpu.memref_slice %arg4[%add3A_886, %dma_wait3A_892] : memref<204800x128xf32, #tpu.memory_space<hbm>> -> memref<80x128xf32, #tpu.memory_space<hbm>>
    %dma_wait3A_894 = arith.constant 0 : i32
    %dma_wait3A_895 = tpu.memref_slice %arg4[%add3A_886, %dma_wait3A_894] : memref<204800x128xf32, #tpu.memory_space<hbm>> -> memref<80x128xf32, #tpu.memory_space<hbm>>
    %dma_wait3A_896 = arith.constant 0 : i32
    %dma_wait3A_897 = arith.constant 0 : i32
    %dma_wait3A_898 = tpu.memref_slice %arg6[%dma_wait3A_887, %dma_wait3A_896, %dma_wait3A_897] : memref<10x80x128xf32, #tpu.memory_space<vmem>> -> memref<1x80x128xf32, #tpu.memory_space<vmem>>
    %dma_wait3A_899 = tpu.memref_squeeze %dma_wait3A_898 : memref<1x80x128xf32, #tpu.memory_space<vmem>> -> memref<80x128xf32, #tpu.memory_space<vmem>>
    tpu.wait_dma2 semaphore(%arg19 : memref<!tpu.dma_semaphore, #tpu.memory_space<semaphore_mem>>) src(%dma_wait3A_899 : memref<80x128xf32, #tpu.memory_space<vmem>>) dst(%dma_wait3A_895 : memref<80x128xf32, #tpu.memory_space<hbm>>)
    %add3A_900 = arith.constant 5840 : i32
    %add3A_901 = arith.addi %mul3A_2, %add3A_900 : i32
    %dma_wait3A_902 = arith.constant 3 : i32
    %dma_wait3A_903 = arith.constant 0 : i32
    %dma_wait3A_904 = arith.constant 0 : i32
    %dma_wait3A_905 = tpu.memref_slice %arg6[%dma_wait3A_902, %dma_wait3A_903, %dma_wait3A_904] : memref<10x80x128xf32, #tpu.memory_space<vmem>> -> memref<1x80x128xf32, #tpu.memory_space<vmem>>
    %dma_wait3A_906 = tpu.memref_squeeze %dma_wait3A_905 : memref<1x80x128xf32, #tpu.memory_space<vmem>> -> memref<80x128xf32, #tpu.memory_space<vmem>>
    %dma_wait3A_907 = arith.constant 0 : i32
    %dma_wait3A_908 = tpu.memref_slice %arg4[%add3A_901, %dma_wait3A_907] : memref<204800x128xf32, #tpu.memory_space<hbm>> -> memref<80x128xf32, #tpu.memory_space<hbm>>
    %dma_wait3A_909 = arith.constant 0 : i32
    %dma_wait3A_910 = tpu.memref_slice %arg4[%add3A_901, %dma_wait3A_909] : memref<204800x128xf32, #tpu.memory_space<hbm>> -> memref<80x128xf32, #tpu.memory_space<hbm>>
    %dma_wait3A_911 = arith.constant 0 : i32
    %dma_wait3A_912 = arith.constant 0 : i32
    %dma_wait3A_913 = tpu.memref_slice %arg6[%dma_wait3A_902, %dma_wait3A_911, %dma_wait3A_912] : memref<10x80x128xf32, #tpu.memory_space<vmem>> -> memref<1x80x128xf32, #tpu.memory_space<vmem>>
    %dma_wait3A_914 = tpu.memref_squeeze %dma_wait3A_913 : memref<1x80x128xf32, #tpu.memory_space<vmem>> -> memref<80x128xf32, #tpu.memory_space<vmem>>
    tpu.wait_dma2 semaphore(%arg20 : memref<!tpu.dma_semaphore, #tpu.memory_space<semaphore_mem>>) src(%dma_wait3A_914 : memref<80x128xf32, #tpu.memory_space<vmem>>) dst(%dma_wait3A_910 : memref<80x128xf32, #tpu.memory_space<hbm>>)
    %add3A_915 = arith.constant 5920 : i32
    %add3A_916 = arith.addi %mul3A_2, %add3A_915 : i32
    %dma_wait3A_917 = arith.constant 4 : i32
    %dma_wait3A_918 = arith.constant 0 : i32
    %dma_wait3A_919 = arith.constant 0 : i32
    %dma_wait3A_920 = tpu.memref_slice %arg6[%dma_wait3A_917, %dma_wait3A_918, %dma_wait3A_919] : memref<10x80x128xf32, #tpu.memory_space<vmem>> -> memref<1x80x128xf32, #tpu.memory_space<vmem>>
    %dma_wait3A_921 = tpu.memref_squeeze %dma_wait3A_920 : memref<1x80x128xf32, #tpu.memory_space<vmem>> -> memref<80x128xf32, #tpu.memory_space<vmem>>
    %dma_wait3A_922 = arith.constant 0 : i32
    %dma_wait3A_923 = tpu.memref_slice %arg4[%add3A_916, %dma_wait3A_922] : memref<204800x128xf32, #tpu.memory_space<hbm>> -> memref<80x128xf32, #tpu.memory_space<hbm>>
    %dma_wait3A_924 = arith.constant 0 : i32
    %dma_wait3A_925 = tpu.memref_slice %arg4[%add3A_916, %dma_wait3A_924] : memref<204800x128xf32, #tpu.memory_space<hbm>> -> memref<80x128xf32, #tpu.memory_space<hbm>>
    %dma_wait3A_926 = arith.constant 0 : i32
    %dma_wait3A_927 = arith.constant 0 : i32
    %dma_wait3A_928 = tpu.memref_slice %arg6[%dma_wait3A_917, %dma_wait3A_926, %dma_wait3A_927] : memref<10x80x128xf32, #tpu.memory_space<vmem>> -> memref<1x80x128xf32, #tpu.memory_space<vmem>>
    %dma_wait3A_929 = tpu.memref_squeeze %dma_wait3A_928 : memref<1x80x128xf32, #tpu.memory_space<vmem>> -> memref<80x128xf32, #tpu.memory_space<vmem>>
    tpu.wait_dma2 semaphore(%arg21 : memref<!tpu.dma_semaphore, #tpu.memory_space<semaphore_mem>>) src(%dma_wait3A_929 : memref<80x128xf32, #tpu.memory_space<vmem>>) dst(%dma_wait3A_925 : memref<80x128xf32, #tpu.memory_space<hbm>>)
    %add3A_930 = arith.constant 6000 : i32
    %add3A_931 = arith.addi %mul3A_2, %add3A_930 : i32
    %dma_wait3A_932 = arith.constant 5 : i32
    %dma_wait3A_933 = arith.constant 0 : i32
    %dma_wait3A_934 = arith.constant 0 : i32
    %dma_wait3A_935 = tpu.memref_slice %arg6[%dma_wait3A_932, %dma_wait3A_933, %dma_wait3A_934] : memref<10x80x128xf32, #tpu.memory_space<vmem>> -> memref<1x80x128xf32, #tpu.memory_space<vmem>>
    %dma_wait3A_936 = tpu.memref_squeeze %dma_wait3A_935 : memref<1x80x128xf32, #tpu.memory_space<vmem>> -> memref<80x128xf32, #tpu.memory_space<vmem>>
    %dma_wait3A_937 = arith.constant 0 : i32
    %dma_wait3A_938 = tpu.memref_slice %arg4[%add3A_931, %dma_wait3A_937] : memref<204800x128xf32, #tpu.memory_space<hbm>> -> memref<80x128xf32, #tpu.memory_space<hbm>>
    %dma_wait3A_939 = arith.constant 0 : i32
    %dma_wait3A_940 = tpu.memref_slice %arg4[%add3A_931, %dma_wait3A_939] : memref<204800x128xf32, #tpu.memory_space<hbm>> -> memref<80x128xf32, #tpu.memory_space<hbm>>
    %dma_wait3A_941 = arith.constant 0 : i32
    %dma_wait3A_942 = arith.constant 0 : i32
    %dma_wait3A_943 = tpu.memref_slice %arg6[%dma_wait3A_932, %dma_wait3A_941, %dma_wait3A_942] : memref<10x80x128xf32, #tpu.memory_space<vmem>> -> memref<1x80x128xf32, #tpu.memory_space<vmem>>
    %dma_wait3A_944 = tpu.memref_squeeze %dma_wait3A_943 : memref<1x80x128xf32, #tpu.memory_space<vmem>> -> memref<80x128xf32, #tpu.memory_space<vmem>>
    tpu.wait_dma2 semaphore(%arg22 : memref<!tpu.dma_semaphore, #tpu.memory_space<semaphore_mem>>) src(%dma_wait3A_944 : memref<80x128xf32, #tpu.memory_space<vmem>>) dst(%dma_wait3A_940 : memref<80x128xf32, #tpu.memory_space<hbm>>)
    %add3A_945 = arith.constant 6080 : i32
    %add3A_946 = arith.addi %mul3A_2, %add3A_945 : i32
    %dma_wait3A_947 = arith.constant 6 : i32
    %dma_wait3A_948 = arith.constant 0 : i32
    %dma_wait3A_949 = arith.constant 0 : i32
    %dma_wait3A_950 = tpu.memref_slice %arg6[%dma_wait3A_947, %dma_wait3A_948, %dma_wait3A_949] : memref<10x80x128xf32, #tpu.memory_space<vmem>> -> memref<1x80x128xf32, #tpu.memory_space<vmem>>
    %dma_wait3A_951 = tpu.memref_squeeze %dma_wait3A_950 : memref<1x80x128xf32, #tpu.memory_space<vmem>> -> memref<80x128xf32, #tpu.memory_space<vmem>>
    %dma_wait3A_952 = arith.constant 0 : i32
    %dma_wait3A_953 = tpu.memref_slice %arg4[%add3A_946, %dma_wait3A_952] : memref<204800x128xf32, #tpu.memory_space<hbm>> -> memref<80x128xf32, #tpu.memory_space<hbm>>
    %dma_wait3A_954 = arith.constant 0 : i32
    %dma_wait3A_955 = tpu.memref_slice %arg4[%add3A_946, %dma_wait3A_954] : memref<204800x128xf32, #tpu.memory_space<hbm>> -> memref<80x128xf32, #tpu.memory_space<hbm>>
    %dma_wait3A_956 = arith.constant 0 : i32
    %dma_wait3A_957 = arith.constant 0 : i32
    %dma_wait3A_958 = tpu.memref_slice %arg6[%dma_wait3A_947, %dma_wait3A_956, %dma_wait3A_957] : memref<10x80x128xf32, #tpu.memory_space<vmem>> -> memref<1x80x128xf32, #tpu.memory_space<vmem>>
    %dma_wait3A_959 = tpu.memref_squeeze %dma_wait3A_958 : memref<1x80x128xf32, #tpu.memory_space<vmem>> -> memref<80x128xf32, #tpu.memory_space<vmem>>
    tpu.wait_dma2 semaphore(%arg23 : memref<!tpu.dma_semaphore, #tpu.memory_space<semaphore_mem>>) src(%dma_wait3A_959 : memref<80x128xf32, #tpu.memory_space<vmem>>) dst(%dma_wait3A_955 : memref<80x128xf32, #tpu.memory_space<hbm>>)
    %add3A_960 = arith.constant 6160 : i32
    %add3A_961 = arith.addi %mul3A_2, %add3A_960 : i32
    %dma_wait3A_962 = arith.constant 7 : i32
    %dma_wait3A_963 = arith.constant 0 : i32
    %dma_wait3A_964 = arith.constant 0 : i32
    %dma_wait3A_965 = tpu.memref_slice %arg6[%dma_wait3A_962, %dma_wait3A_963, %dma_wait3A_964] : memref<10x80x128xf32, #tpu.memory_space<vmem>> -> memref<1x80x128xf32, #tpu.memory_space<vmem>>
    %dma_wait3A_966 = tpu.memref_squeeze %dma_wait3A_965 : memref<1x80x128xf32, #tpu.memory_space<vmem>> -> memref<80x128xf32, #tpu.memory_space<vmem>>
    %dma_wait3A_967 = arith.constant 0 : i32
    %dma_wait3A_968 = tpu.memref_slice %arg4[%add3A_961, %dma_wait3A_967] : memref<204800x128xf32, #tpu.memory_space<hbm>> -> memref<80x128xf32, #tpu.memory_space<hbm>>
    %dma_wait3A_969 = arith.constant 0 : i32
    %dma_wait3A_970 = tpu.memref_slice %arg4[%add3A_961, %dma_wait3A_969] : memref<204800x128xf32, #tpu.memory_space<hbm>> -> memref<80x128xf32, #tpu.memory_space<hbm>>
    %dma_wait3A_971 = arith.constant 0 : i32
    %dma_wait3A_972 = arith.constant 0 : i32
    %dma_wait3A_973 = tpu.memref_slice %arg6[%dma_wait3A_962, %dma_wait3A_971, %dma_wait3A_972] : memref<10x80x128xf32, #tpu.memory_space<vmem>> -> memref<1x80x128xf32, #tpu.memory_space<vmem>>
    %dma_wait3A_974 = tpu.memref_squeeze %dma_wait3A_973 : memref<1x80x128xf32, #tpu.memory_space<vmem>> -> memref<80x128xf32, #tpu.memory_space<vmem>>
    tpu.wait_dma2 semaphore(%arg24 : memref<!tpu.dma_semaphore, #tpu.memory_space<semaphore_mem>>) src(%dma_wait3A_974 : memref<80x128xf32, #tpu.memory_space<vmem>>) dst(%dma_wait3A_970 : memref<80x128xf32, #tpu.memory_space<hbm>>)
    %add3A_975 = arith.constant 6240 : i32
    %add3A_976 = arith.addi %mul3A_2, %add3A_975 : i32
    %dma_wait3A_977 = arith.constant 8 : i32
    %dma_wait3A_978 = arith.constant 0 : i32
    %dma_wait3A_979 = arith.constant 0 : i32
    %dma_wait3A_980 = tpu.memref_slice %arg6[%dma_wait3A_977, %dma_wait3A_978, %dma_wait3A_979] : memref<10x80x128xf32, #tpu.memory_space<vmem>> -> memref<1x80x128xf32, #tpu.memory_space<vmem>>
    %dma_wait3A_981 = tpu.memref_squeeze %dma_wait3A_980 : memref<1x80x128xf32, #tpu.memory_space<vmem>> -> memref<80x128xf32, #tpu.memory_space<vmem>>
    %dma_wait3A_982 = arith.constant 0 : i32
    %dma_wait3A_983 = tpu.memref_slice %arg4[%add3A_976, %dma_wait3A_982] : memref<204800x128xf32, #tpu.memory_space<hbm>> -> memref<80x128xf32, #tpu.memory_space<hbm>>
    %dma_wait3A_984 = arith.constant 0 : i32
    %dma_wait3A_985 = tpu.memref_slice %arg4[%add3A_976, %dma_wait3A_984] : memref<204800x128xf32, #tpu.memory_space<hbm>> -> memref<80x128xf32, #tpu.memory_space<hbm>>
    %dma_wait3A_986 = arith.constant 0 : i32
    %dma_wait3A_987 = arith.constant 0 : i32
    %dma_wait3A_988 = tpu.memref_slice %arg6[%dma_wait3A_977, %dma_wait3A_986, %dma_wait3A_987] : memref<10x80x128xf32, #tpu.memory_space<vmem>> -> memref<1x80x128xf32, #tpu.memory_space<vmem>>
    %dma_wait3A_989 = tpu.memref_squeeze %dma_wait3A_988 : memref<1x80x128xf32, #tpu.memory_space<vmem>> -> memref<80x128xf32, #tpu.memory_space<vmem>>
    tpu.wait_dma2 semaphore(%arg25 : memref<!tpu.dma_semaphore, #tpu.memory_space<semaphore_mem>>) src(%dma_wait3A_989 : memref<80x128xf32, #tpu.memory_space<vmem>>) dst(%dma_wait3A_985 : memref<80x128xf32, #tpu.memory_space<hbm>>)
    %add3A_990 = arith.constant 6320 : i32
    %add3A_991 = arith.addi %mul3A_2, %add3A_990 : i32
    %dma_wait3A_992 = arith.constant 9 : i32
    %dma_wait3A_993 = arith.constant 0 : i32
    %dma_wait3A_994 = arith.constant 0 : i32
    %dma_wait3A_995 = tpu.memref_slice %arg6[%dma_wait3A_992, %dma_wait3A_993, %dma_wait3A_994] : memref<10x80x128xf32, #tpu.memory_space<vmem>> -> memref<1x80x128xf32, #tpu.memory_space<vmem>>
    %dma_wait3A_996 = tpu.memref_squeeze %dma_wait3A_995 : memref<1x80x128xf32, #tpu.memory_space<vmem>> -> memref<80x128xf32, #tpu.memory_space<vmem>>
    %dma_wait3A_997 = arith.constant 0 : i32
    %dma_wait3A_998 = tpu.memref_slice %arg4[%add3A_991, %dma_wait3A_997] : memref<204800x128xf32, #tpu.memory_space<hbm>> -> memref<80x128xf32, #tpu.memory_space<hbm>>
    %dma_wait3A_999 = arith.constant 0 : i32
    %dma_wait3A_1000 = tpu.memref_slice %arg4[%add3A_991, %dma_wait3A_999] : memref<204800x128xf32, #tpu.memory_space<hbm>> -> memref<80x128xf32, #tpu.memory_space<hbm>>
    %dma_wait3A_1001 = arith.constant 0 : i32
    %dma_wait3A_1002 = arith.constant 0 : i32
    %dma_wait3A_1003 = tpu.memref_slice %arg6[%dma_wait3A_992, %dma_wait3A_1001, %dma_wait3A_1002] : memref<10x80x128xf32, #tpu.memory_space<vmem>> -> memref<1x80x128xf32, #tpu.memory_space<vmem>>
    %dma_wait3A_1004 = tpu.memref_squeeze %dma_wait3A_1003 : memref<1x80x128xf32, #tpu.memory_space<vmem>> -> memref<80x128xf32, #tpu.memory_space<vmem>>
    tpu.wait_dma2 semaphore(%arg26 : memref<!tpu.dma_semaphore, #tpu.memory_space<semaphore_mem>>) src(%dma_wait3A_1004 : memref<80x128xf32, #tpu.memory_space<vmem>>) dst(%dma_wait3A_1000 : memref<80x128xf32, #tpu.memory_space<hbm>>)
    return
  }
}

</mosaic_0001>

<sc_bundles>
// kernel: kernel.3.cloned.1.call-start
scs
__scs_entry_jumppad:
0x0: {  	(pc) =	sbr.rel $0x88, $3  }
0x1: {  	(tag) =	ssettag $0x0;
	lr =	simm.s32 $0x1  }
0x2: {  	[smem:$0x3F9F] =	sst lr;
	_ =	strace $0xD0000000  }
0x3: {  	_ = 	snop  }
0x4: {  	_ = 	snop  }
0x5: {  	_ = 	snop  }
0x6: {  	_ = 	snop  }
0x7: {  	_ = 	snop  }
__scs_overlays_trampoline_lowered:
0x8: {  	[smem:$0x3FAE] =	sst s0  }
0x9: {  	[smem:$0x3FAF] =	sst s1  }
0xa: {  	[smem:$0x3FB0] =	sst s2  }
0xb: {  	[smem:$0x3FB1] =	sst s3  }
0xc: {  	[smem:$0x3FB2] =	sst s4  }
0xd: {  	[smem:$0x3FB3] =	sst s5  }
0xe: {  	[smem:$0x3FB4] =	sst s6  }
0xf: {  	[smem:$0x3FB5] =	sst s7  }
0x10: {  	[smem:$0x3FB6] =	sst s8  }
0x11: {  	[smem:$0x3FB7] =	sst s9;
	s0 =	simm.s32 @!p0 $0x0  }
0x12: {  	s1 =	sld [smem:$0x3F9D];
	s0 =	simm.s32 @p0 $0x1  }
0x13: {  	[smem:$0x3FB8] =	sst s0;
	s0 =	simm.s32 @!p1 $0x0  }
0x14: {  	s2 =	sld [smem:$0x3F9C];
	s0 =	simm.s32 @p1 $0x1  }
0x15: {  	[smem:$0x3FB9] =	sst s0;
	s0 =	simm.s32 @!p2 $0x0  }
0x16: {  	s3 =	sld [smem:$0x3FDB];
	s0 =	simm.s32 @p2 $0x1  }
0x17: {  	s4 =	simm.s32 $0x1BF5;
	[smem:$0x3FBB] =	sst s0  }
0x18: {  	s0 =	sld [smem:$0x3F9E];
	_ =	swait.ge [sflag:s4], $0x0  }
0x19: {  	s7 =	sld [smem:$0x3F9F]  }
0x1a: {  	s8 =	sadd.s32 $0xFFFFE003, lr  }
0x1b: {  	s9 =	sadd.s32 $0xFFFFFEF7, lr;
	s5 =	simm.s32 $0xFFFFFFFF;
	p2 =	slt.u32 s8, $0xFFFFF086  }
0x1c: {  	p1 =	slt.u32 s9, $0xF7A;
	s5 =	simm.s32 @!p2 $0x0  }
0x1d: {  	s5 =	simm.s32 @p1 $0x1;
	p0 =	seq.s32 s7, s2  }
0x1e: {  	s7 =	smul.u32 @!p0 $0xF7A, s2;
	p2 =	seq.s32 @!p0 s5, $0x0  }
0x1f: {  	s9 =	smul.u32 $0xF7A, s1;
	s8 =	simm.s32 @!p0 $0x1BF5;
	p2 =	por !p2, p0  }
0x20: {  	[sflag:s8] =	ssyncset.s32 @!p0 $0xFFFFF086;
	s6 =	sadd.s32 @!p0 s3, s7;
	s7 =	simm.s32 @!p0 $0x108  }
0x21: {  	s3 =	sadd.s32 s3, s9;
	s6 =	sadd.s32 @!p0 $0x88, s6;
	s7 =	simm.s32 @p2 $0x1082  }
0x22: {  	[simem:s7], [sflag:s8] =	dma.local @!p0 [hbm:s6], $0xF7A  }
0x23: {  	s9 =	sor.u32 $0xD0000000, s2;
	s6 =	simm.s32 $0x108;
	_ =	swait.ge @!p0 [sflag:s8], $0x0  }
0x24: {  	s3 =	sadd.s32 $0x88, s3;
	s6 =	simm.s32 @!p1 $0x1082;
	[sflag:s4] =	ssyncset.s32 $0xFFFFF086  }
0x25: {  	[simem:s6], [sflag:s4] =	dma.local [hbm:s3], $0xF7A  }
0x26: {  	[smem:$0x3F9F] =	sst s1;
	(tag) =	ssettag s2;
	_ =	strace s9  }
0x27: {  	s1 =	sld [smem:$0x3FAF]  }
0x28: {  	s2 =	sld [smem:$0x3FB0]  }
0x29: {  	s4 =	sld [smem:$0x3FB2]  }
0x2a: {  	p0 =	seq.s32 s5, $0x0;
	s5 =	sld [smem:$0x3FB3]  }
0x2b: {  	s6 =	sld [smem:$0x3FB4]  }
0x2c: {  	s7 =	sld [smem:$0x3FB5]  }
0x2d: {  	s3 =	simm.s32 $0x108;
	s8 =	sld [smem:$0x3FB6]  }
0x2e: {  	s3 =	simm.s32 @!p0 $0x1082;
	s9 =	sld [smem:$0x3FB7]  }
0x2f: {  	lr =	sadd.s32 s0, s3;
	s0 =	sld [smem:$0x3FAE]  }
0x30: {  	s3 =	sld [smem:$0x3FB1]  }
0x31: {  	[smem:$0x3FBA] =	sst s10  }
0x32: {  	s10 =	sld [smem:$0x3FB8];
	_ =	sdelay $0x3  }
0x33: {  	p0 =	seq.s32 s10, $0x1;
	s10 =	sld [smem:$0x3FBA];
	_ =	sdelay $0x3  }
0x34: {  	[smem:$0x3FBA] =	sst s10  }
0x35: {  	s10 =	sld [smem:$0x3FB9];
	_ =	sdelay $0x3  }
0x36: {  	p1 =	seq.s32 s10, $0x1;
	s10 =	sld [smem:$0x3FBA];
	_ =	sdelay $0x3  }
0x37: {  	[smem:$0x3FBA] =	sst s10  }
0x38: {  	s10 =	sld [smem:$0x3FBB]  }
0x39: {  	_ = 	snop;
	(pc) =	sbr.ind lr, $3  }
0x3a: {  	_ = 	snop  }
0x3b: {  	_ = 	snop  }
0x3c: {  	p2 =	seq.s32 s10, $0x1;
	s10 =	sld [smem:$0x3FBA]  }
0x3d: {  	_ =	shalt  }
0x3e: {  	_ =	shalt  }
0x3f: {  	_ =	shalt  }
0x40: {  	_ =	shalt  }
0x41: {  	_ =	shalt  }
0x42: {  	_ =	shalt  }
0x43: {  	_ =	shalt  }
0x44: {  	_ =	shalt  }
0x45: {  	_ =	shalt  }
0x46: {  	_ =	shalt  }
0x47: {  	_ =	shalt  }
0x48: {  	_ =	shalt  }
0x49: {  	_ =	shalt  }
0x4a: {  	_ =	shalt  }
0x4b: {  	_ =	shalt  }
0x4c: {  	_ =	shalt  }
0x4d: {  	_ =	shalt  }
0x4e: {  	_ =	shalt  }
0x4f: {  	_ =	shalt  }
0x50: {  	_ =	shalt  }
0x51: {  	_ =	shalt  }
0x52: {  	_ =	shalt  }
0x53: {  	_ =	shalt  }
0x54: {  	_ =	shalt  }
0x55: {  	_ =	shalt  }
0x56: {  	_ =	shalt  }
0x57: {  	_ =	shalt  }
0x58: {  	_ =	shalt  }
0x59: {  	_ =	shalt  }
0x5a: {  	_ =	shalt  }
0x5b: {  	_ =	shalt  }
0x5c: {  	_ =	shalt  }
0x5d: {  	_ =	shalt  }
0x5e: {  	_ =	shalt  }
0x5f: {  	_ =	shalt  }
0x60: {  	_ =	shalt  }
0x61: {  	_ =	shalt  }
0x62: {  	_ =	shalt  }
0x63: {  	_ =	shalt  }
0x64: {  	_ =	shalt  }
0x65: {  	_ =	shalt  }
0x66: {  	_ =	shalt  }
0x67: {  	_ =	shalt  }
0x68: {  	_ =	shalt  }
0x69: {  	_ =	shalt  }
0x6a: {  	_ =	shalt  }
0x6b: {  	_ =	shalt  }
0x6c: {  	_ =	shalt  }
0x6d: {  	_ =	shalt  }
0x6e: {  	_ =	shalt  }
0x6f: {  	_ =	shalt  }
0x70: {  	_ =	shalt  }
0x71: {  	_ =	shalt  }
0x72: {  	_ =	shalt  }
0x73: {  	_ =	shalt  }
0x74: {  	_ =	shalt  }
0x75: {  	_ =	shalt  }
0x76: {  	_ =	shalt  }
0x77: {  	_ =	shalt  }
0x78: {  	_ =	shalt  }
0x79: {  	_ =	shalt  }
0x7a: {  	_ =	shalt  }
0x7b: {  	_ =	shalt  }
0x7c: {  	_ =	shalt  }
0x7d: {  	_ =	shalt  }
0x7e: {  	_ =	shalt  }
0x7f: {  	_ =	shalt  }
0x80: {  	_ =	shalt  }
0x81: {  	_ =	shalt  }
0x82: {  	_ =	shalt  }
0x83: {  	_ =	shalt  }
0x84: {  	_ =	shalt  }
0x85: {  	_ =	shalt  }
0x86: {  	_ =	shalt  }
0x87: {  	_ =	shalt  }
.Lfunc_end0:
.L_simem_size_0:
called_computation_lowered:
.L_overlay_start_0:
0x88: {  	s2 =	sld [smem:$0x3FD9]  }
0x89: {  	s3 =	sld [smem:$0x3FFE];
	_ =	sdelay $0x1  }
0x8a: {  	s1 =	srdreg.scid  }
0x8b: {  	s0 =	sand.u32 $0x1, s1  }
0x8c: {  	s17 =	sshll.u32 s0, $0xA;
	s2 =	sadd.s32 s3, s2  }
0x8d: {  	s2 =	sadd.s32 s2, s17  }
0x8e: {  	[smem:$0x3FC6] =	sst s2  }
0x8f: {  	_ = 	snop  }
0x90: {  	s2 =	sld [smem:$0x3FC8]  }
0x91: {  	s18 =	sld [smem:$0x3FD0];
	(tm) =	ssettm $0x1  }
0x92: {  	s4 =	sld [smem:$0x3FFB];
	_ =	sdelay $0x3  }
0x93: {  	_ =	strace s4  }
0x94: {  	s4 =	sld [smem:$0x3FFC];
	_ =	sdelay $0x3  }
0x95: {  	_ =	strace s4  }
0x96: {  	s4 =	sld [smem:$0x3FFD];
	_ =	sdelay $0x3  }
0x97: {  	_ =	strace s4  }
0x98: {  	_ =	strace $0x8FFFFFFF  }
0x99: {  	s19 =	sld [smem:$0x3FDB];
	_ =	sdelay $0x1  }
0x9a: {  	s5 =	simm.s32 $_scs_section_size  }
0x9b: {  	s6 =	simm.s32 $_size__tile_overlayer_lowered;
	s7 =	simm.s32 $_tile_overlayer_lowered  }
0x9c: {  	s22 =	simm.s32 $0x1BFF;
	s21 =	sshll.u32 s7, $0x1;
	s4 =	sadd.s32 s5, s19  }
0x9d: {  	s8 =	simm.s32 $0x0;
	s20 =	sshll.u32 s6, $0x1;
	s6 =	sadd.s32 s21, s4  }
0x9e: {  	[timem:s8], [sflag:s22] =	dma.local [hbm:s6], s20  }
0x9f: {  	_ =	swait.ge [sflag:s22], s20  }
0xa0: {  	s5 =	ssub.s32 $0x0, s20;
	[sflag:s22] =	ssyncset.done $0x0  }
0xa1: {  	[sflag:s22] =	ssyncadd.s32 s5;
	_ =	sdelay $0x1  }
0xa2: {  	s23 =	simm.s32 $0x1B8B  }
0xa3: {  	_ =	swait.ge [sflag:s23], $0x1  }
0xa4: {  	[sflag:s23] =	ssyncset.done $0x0  }
0xa5: {  	s25 =	simm.s32 $0x1B8E;
	s24 =	sld [smem:$0x3FFE];
	[sflag:s23] =	ssyncadd.s32 $0xFFFFFFFF  }
0xa6: {  	s26 =	simm.s32 $execute0_lowered;
	[smem:$0x3FD2] =	sst s25  }
0xa7: {  	s6 =	sshll.u32 s26, $0x1;
	_ =	strace $0x80000046;
	[dreg:$0x1] =	wrdreg $0xFFFFFFFF  }
0xa8: {  	s28 =	simm.s32 $_size_execute0_lowered;
	s4 =	sadd.s32 s4, s6;
	[dreg:$0x0] =	wrdreg $0x0  }
0xa9: {  	s6 =	sshll.u32 s28, $0x1;
	[dreg:$0x2] =	wrdreg s4  }
0xaa: {  	[dreg:$0x3] =	wrdreg s6  }
0xab: {  	[dreg:$0x4] =	wrdreg $0xC0  }
0xac: {  	_ =	task [dreg:s8], $0x5FFFF  }
0xad: {  	[dreg:$0x1] =	wrdreg $0xFFFFFFFF  }
0xae: {  	[dreg:$0x0] =	wrdreg $0x60  }
0xaf: {  	[dreg:$0x2] =	wrdreg s2  }
0xb0: {  	[dreg:$0x3] =	wrdreg s24  }
0xb1: {  	[dreg:$0x4] =	wrdreg s18  }
0xb2: {  	[dreg:$0x5] =	wrdreg $0x9  }
0xb3: {  	_ =	task.clear_ibuf [dreg:s8], $0x6FFFF;
	_ =	strace $0x90000046  }
0xb4: {  	s29 =	simm.s32 $0x9;
	_ =	strace $0x80000048  }
0xb5: {  	_ =	swait.ge [sflag:s29], $0x1  }
0xb6: {  	[sflag:s29] =	ssyncadd.s32 $0xFFFFFFFF  }
0xb7: {  	_ =	strace $0x90000048  }
0xb8: {  	_ =	sfence  }
0xb9: {  	s30 =	sld [smem:$0x0];
	_ =	sdelay $0x2  }
0xba: {  	s31 =	sshll.u32 s1, $0xD;
	s1 =	sshrl.u32 s1, $0x2  }
0xbb: {  	s3 =	sand.u32 $0x4000, s31;
	s1 =	sadd.s32 s1, s30  }
0xbc: {  	s0 =	sor.u32 s3, s0;
	s1 =	sshll.u32 s1, $0x11  }
0xbd: {  	s0 =	sor.u32 s1, s0  }
0xbe: {  	s0 =	sadd.s32 $0x8F2B, s0  }
0xbf: {  	[sflag:s0] =	ssyncadd.remote.s32 $0x1  }
0xc0: {  	_ =	sfence.sel $0xFFFF  }
0xc1: {  	[dreg:$0x0] =	wrdreg $0xFFFFFFFF;
	(pc) =	sbr.abs _section_cstart, $3  }
0xc2: {  	[dreg:$0x1] =	wrdreg $0xFFFFFFFF  }
0xc3: {  	_ =	task.clear_ibuf [dreg:s8], $0x2FFFF;
	_ =	strace $0x9FFFFFFF  }
0xc4: {  	(tm) =	ssettm $0x7FFFFFFF  }
0xc5: {  	_ =	shalt  }
tec
execute0_lowered:
.L_overlay_start_1:
0x0: {  	(tag) =	ssettag $0x1  }
0x1: {  	s0 =	srdreg.scid;
	s9 =	stileid.u32  }
0x2: {  	s1 =	rddreg [dreg:$0x0];
	s0 =	sand.u32 $0x1, s0;
	s3 =	sshll.u32 s9, $0x1  }
0x3: {  	s2 =	rddreg [dreg:$0x1];
	s5 =	sor.u32 s0, s3  }
0x4: {  	s4 =	rddreg [dreg:$0x2];
	s6 =	smul.u32 $0x1900, s5  }
0x5: {  	s3 =	simm.s32 $0x0;
	s8 =	ssub.s32 $0x2, s0;
	s7 =	smul.u32 $0x19000, s5  }
0x6: {  	[smem:$0x7FF] =	sst s3;
	s5 =	smul.u32 $0xC8000, s5;
	s23 =	sshrl.u32 s8, $0x1  }
0x7: {  	_ =	strace $0x80000047;
	s6 =	sshrl.u32 s6, $0x3;
	s7 =	sadd.s32 s4, s7  }
0x8: {  	s5 =	sshrl.u32 s5, $0x3;
	s24 =	sadd.s32 $0x500, s7;
	[dreg:$0x4] =	wrdreg s7  }
0x9: {  	s2 =	sadd.s32 s6, s2;
	s26 =	sadd.s32 $0xA00, s7;
	[dreg:$0x6] =	wrdreg s24  }
0xa: {  	s25 =	sadd.s32 s4, s5;
	s2 =	sadd.s32 $0x400, s2;
	[dreg:$0x7] =	wrdreg s26  }
0xb: {  	s6 =	ssub.s32 s8, s23;
	s8 =	sadd.s32 $0x1400, s25;
	[dreg:$0x5] =	wrdreg s2  }
0xc: {  	s10 =	sadd.s32 $0x1900, s25;
	[dreg:$0x8] =	wrdreg s8  }
0xd: {  	s11 =	sadd.s32 $0x1E00, s25;
	[dreg:$0x9] =	wrdreg s10  }
0xe: {  	s12 =	sadd.s32 $0x2300, s25;
	[dreg:$0xa] =	wrdreg s11  }
0xf: {  	s13 =	sadd.s32 $0x2800, s25;
	[dreg:$0xb] =	wrdreg s12  }
0x10: {  	s29 =	simm.s32 $0x50;
	s14 =	sadd.s32 $0x2D00, s25;
	[dreg:$0xc] =	wrdreg s13  }
0x11: {  	s28 =	simm.s32 $0x11;
	s15 =	sadd.s32 $0x15E00, s25;
	[dreg:$0xd] =	wrdreg s14  }
0x12: {  	s30 =	simm.s32 $0x13;
	s16 =	sadd.s32 $0x16300, s25;
	[dreg:$0xe] =	wrdreg s15  }
0x13: {  	s31 =	simm.s32 $0x14;
	s17 =	sadd.s32 $0x16800, s25;
	[dreg:$0xf] =	wrdreg s16  }
0x14: {  	s19 =	smul.u32 $0x32000, s9;
	s18 =	sadd.s32 $0x16D00, s25;
	[dreg:$0x10] =	wrdreg s17  }
0x15: {  	s0 =	smul.u32 $0x19000, s0;
	s20 =	sadd.s32 $0x17200, s25;
	[dreg:$0x11] =	wrdreg s18  }
0x16: {  	s4 =	sadd.s32 s19, s4;
	s21 =	sadd.s32 $0x17700, s25;
	[dreg:$0x12] =	wrdreg s20  }
0x17: {  	s19 =	simm.s32 $0xD;
	s22 =	sadd.s32 $0x17C00, s25;
	[dreg:$0x13] =	wrdreg s21  }
0x18: {  	s23 =	sadd.s32 $0x18100, s25;
	s0 =	sadd.s32 s0, s4;
	[dreg:$0x14] =	wrdreg s22  }
0x19: {  	s24 =	sadd.s32 $0x18600, s25;
	s26 =	sadd.s32 $0xF00, s7;
	[dreg:$0x15] =	wrdreg s23  }
0x1a: {  	s4 =	simm.s32 $0xA;
	[dreg:$0x16] =	wrdreg s24;
	s2 =	sadd.s32 $0x18B00, s25  }
0x1b: {  	s25 =	smax.u32 s6, $0x1;
	s0 =	sadd.s32 $0x5F00, s0;
	[dreg:$0x1a] =	wrdreg s26  }
0x1c: {  	s18 =	simm.s32 $0x6;
	s20 =	simm.s32 $0x7;
	s21 =	simm.s32 $0xE  }
0x1d: {  	s22 =	simm.s32 $0x8;
	s23 =	simm.s32 $0xF;
	[dreg:$0x17] =	wrdreg s2  }
0x1e: {  	s24 =	simm.s32 $0x9;
	s26 =	simm.s32 $0x10;
	[dreg:$0x18] =	wrdreg s25  }
0x1f: {  	[dreg:$0x19] =	wrdreg s0;
	s25 =	simm.s32 $0x12;
	s2 =	simm.s32 $0x0  }
.LBB2_1:
0x20: {  	[dreg:$0x1b] =	wrdreg s2  }
0x21: {  	s0 =	rddreg [dreg:$0x5];
	s5 =	simm.s32 $0x15  }
0x22: {  	[tilespmem:s3], [sflag:$0x15] =	stream.linear.gather [hbm4b:s0+s3], $0x1900, $0x38;
	[tilespmem:$0x1A900] =	vst v63  }
0x23: {  	_ =	swait.ge [sflag:s5], $0x1900  }
0x24: {  	[sflag:s5] =	ssyncset.done $0x0  }
0x25: {  	s8 =	simm.s32 $0x1900;
	[sflag:s5] =	ssyncadd.s32 $0xFFFFE700  }
0x26: {  	[tilespmem:s8], [sflag:$0x1] =	stream.indirect.gather [hbm4b:s1+s29], $0x80, s3, s29, $0xb8;
	[tilespmem:$0x1A900] =	vst v63  }
0x27: {  	s9 =	simm.s32 $0x4100  }
0x28: {  	[tilespmem:s9], [sflag:$0x2] =	stream.indirect.gather [hbm4b:s1+s29], $0x80, s29, s29, $0xb8;
	[tilespmem:$0x1A900] =	vst v63  }
0x29: {  	s6 =	simm.s32 $0xA0;
	s12 =	simm.s32 $0x6900  }
0x2a: {  	[tilespmem:s12], [sflag:$0x3] =	stream.indirect.gather [hbm4b:s1+s29], $0x80, s6, s29, $0xb8;
	[tilespmem:$0x1A900] =	vst v63  }
0x2b: {  	s7 =	simm.s32 $0xF0;
	s10 =	simm.s32 $0x9100  }
0x2c: {  	[tilespmem:s10], [sflag:$0x4] =	stream.indirect.gather [hbm4b:s1+s29], $0x80, s7, s29, $0xb8;
	[tilespmem:$0x1A900] =	vst v63  }
0x2d: {  	s11 =	simm.s32 $0x140;
	s13 =	simm.s32 $0xB900  }
0x2e: {  	[tilespmem:s13], [sflag:$0x5] =	stream.indirect.gather [hbm4b:s1+s29], $0x80, s11, s29, $0xb8;
	[tilespmem:$0x1A900] =	vst v63  }
0x2f: {  	s14 =	simm.s32 $0x190;
	s15 =	simm.s32 $0xE100  }
0x30: {  	[tilespmem:s15], [sflag:$0x6] =	stream.indirect.gather [hbm4b:s1+s29], $0x80, s14, s29, $0xb8;
	[tilespmem:$0x1A900] =	vst v63  }
0x31: {  	s16 =	simm.s32 $0x1E0;
	s17 =	simm.s32 $0x10900  }
0x32: {  	[tilespmem:s17], [sflag:$0x7] =	stream.indirect.gather [hbm4b:s1+s29], $0x80, s16, s29, $0xb8;
	[tilespmem:$0x1A900] =	vst v63  }
0x33: {  	s2 =	simm.s32 $0x230;
	s6 =	simm.s32 $0x13100  }
0x34: {  	[tilespmem:s6], [sflag:$0x8] =	stream.indirect.gather [hbm4b:s1+s29], $0x80, s2, s29, $0xb8;
	[tilespmem:$0x1A900] =	vst v63  }
0x35: {  	s13 =	simm.s32 $0x280;
	s14 =	simm.s32 $0x15900  }
0x36: {  	[tilespmem:s14], [sflag:$0x9] =	stream.indirect.gather [hbm4b:s1+s29], $0x80, s13, s29, $0xb8;
	[tilespmem:$0x1A900] =	vst v63  }
0x37: {  	s15 =	simm.s32 $0x2D0;
	s16 =	simm.s32 $0x18100;
	s2 =	simm.s32 $0x1  }
0x38: {  	[tilespmem:s16], [sflag:$0xA] =	stream.indirect.gather [hbm4b:s1+s29], $0x80, s15, s29, $0xb8;
	[tilespmem:$0x1A900] =	vst v63  }
0x39: {  	_ =	swait.ge [sflag:s2], $0x2800  }
0x3a: {  	[sflag:s2] =	ssyncset.done $0x0  }
0x3b: {  	s15 =	simm.s32 $0x2;
	s17 =	rddreg [dreg:$0x4];
	[sflag:s2] =	ssyncadd.s32 $0xFFFFD800  }
0x3c: {  	[hbm4b:s17+s3] =	stream.linear.scatter [tilespmem:s8], [sflag:$0xB], $0x2800, $0x38;
	[tilespmem:$0x1A900] =	vst v63  }
0x3d: {  	_ =	swait.ge [sflag:s15], $0x2800  }
0x3e: {  	[sflag:s15] =	ssyncset.done $0x0  }
0x3f: {  	s16 =	simm.s32 $0x3;
	s6 =	rddreg [dreg:$0x6];
	[sflag:s15] =	ssyncadd.s32 $0xFFFFD800  }
0x40: {  	[hbm4b:s6+s3] =	stream.linear.scatter [tilespmem:s9], [sflag:$0xC], $0x2800, $0x38;
	[tilespmem:$0x1A900] =	vst v63  }
0x41: {  	_ =	swait.ge [sflag:s16], $0x2800  }
0x42: {  	[sflag:s16] =	ssyncset.done $0x0  }
0x43: {  	s17 =	simm.s32 $0x4;
	s13 =	rddreg [dreg:$0x7];
	[sflag:s16] =	ssyncadd.s32 $0xFFFFD800  }
0x44: {  	[hbm4b:s13+s3] =	stream.linear.scatter [tilespmem:s12], [sflag:$0xD], $0x2800, $0x38;
	[tilespmem:$0x1A900] =	vst v63  }
0x45: {  	_ =	swait.ge [sflag:s17], $0x2800  }
0x46: {  	[sflag:s17] =	ssyncset.done $0x0  }
0x47: {  	s5 =	simm.s32 $0x9100;
	s14 =	rddreg [dreg:$0x1a];
	[sflag:s17] =	ssyncadd.s32 $0xFFFFD800  }
0x48: {  	[hbm4b:s14+s3] =	stream.linear.scatter [tilespmem:s5], [sflag:$0xE], $0x2800, $0x38;
	[tilespmem:$0x1A900] =	vst v63  }
0x49: {  	s5 =	simm.s32 $0xB  }
0x4a: {  	_ =	swait.ge [sflag:s5], $0x2800  }
0x4b: {  	[sflag:s5] =	ssyncset.done $0x0  }
0x4c: {  	s6 =	simm.s32 $0x320;
	[sflag:s5] =	ssyncadd.s32 $0xFFFFD800  }
0x4d: {  	[tilespmem:s8], [sflag:$0x1] =	stream.indirect.gather [hbm4b:s1+s29], $0x80, s6, s29, $0xb8;
	[tilespmem:$0x1A900] =	vst v63  }
0x4e: {  	s6 =	simm.s32 $0x5  }
0x4f: {  	_ =	swait.ge [sflag:s6], $0x2800  }
0x50: {  	[sflag:s6] =	ssyncset.done $0x0  }
0x51: {  	s7 =	simm.s32 $0xB900;
	s14 =	rddreg [dreg:$0x8];
	[sflag:s6] =	ssyncadd.s32 $0xFFFFD800  }
0x52: {  	[hbm4b:s14+s3] =	stream.linear.scatter [tilespmem:s7], [sflag:$0xF], $0x2800, $0x38;
	[tilespmem:$0x1A900] =	vst v63  }
0x53: {  	s7 =	simm.s32 $0xC  }
0x54: {  	_ =	swait.ge [sflag:s7], $0x2800  }
0x55: {  	[sflag:s7] =	ssyncset.done $0x0  }
0x56: {  	s0 =	simm.s32 $0x370;
	[sflag:s7] =	ssyncadd.s32 $0xFFFFD800  }
0x57: {  	[tilespmem:s9], [sflag:$0x2] =	stream.indirect.gather [hbm4b:s1+s29], $0x80, s0, s29, $0xb8;
	[tilespmem:$0x1A900] =	vst v63  }
0x58: {  	_ =	swait.ge [sflag:s18], $0x2800  }
0x59: {  	[sflag:s18] =	ssyncset.done $0x0  }
0x5a: {  	s10 =	simm.s32 $0xE100;
	s0 =	rddreg [dreg:$0x9];
	[sflag:s18] =	ssyncadd.s32 $0xFFFFD800  }
0x5b: {  	[hbm4b:s0+s3] =	stream.linear.scatter [tilespmem:s10], [sflag:$0x10], $0x2800, $0x38;
	[tilespmem:$0x1A900] =	vst v63  }
0x5c: {  	_ =	swait.ge [sflag:s19], $0x2800  }
0x5d: {  	[sflag:s19] =	ssyncset.done $0x0  }
0x5e: {  	s0 =	simm.s32 $0x3C0;
	[sflag:s19] =	ssyncadd.s32 $0xFFFFD800  }
0x5f: {  	[tilespmem:s12], [sflag:$0x3] =	stream.indirect.gather [hbm4b:s1+s29], $0x80, s0, s29, $0xb8;
	[tilespmem:$0x1A900] =	vst v63  }
0x60: {  	_ =	swait.ge [sflag:s20], $0x2800  }
0x61: {  	[sflag:s20] =	ssyncset.done $0x0  }
0x62: {  	s11 =	simm.s32 $0x10900;
	s0 =	rddreg [dreg:$0xa];
	[sflag:s20] =	ssyncadd.s32 $0xFFFFD800  }
0x63: {  	[hbm4b:s0+s3] =	stream.linear.scatter [tilespmem:s11], [sflag:$0x11], $0x2800, $0x38;
	[tilespmem:$0x1A900] =	vst v63  }
0x64: {  	_ =	swait.ge [sflag:s21], $0x2800  }
0x65: {  	[sflag:s21] =	ssyncset.done $0x0  }
0x66: {  	s13 =	simm.s32 $0x9100;
	s0 =	simm.s32 $0x410;
	[sflag:s21] =	ssyncadd.s32 $0xFFFFD800  }
0x67: {  	[tilespmem:s13], [sflag:$0x4] =	stream.indirect.gather [hbm4b:s1+s29], $0x80, s0, s29, $0xb8;
	[tilespmem:$0x1A900] =	vst v63  }
0x68: {  	_ =	swait.ge [sflag:s22], $0x2800  }
0x69: {  	[sflag:s22] =	ssyncset.done $0x0  }
0x6a: {  	s13 =	simm.s32 $0x13100;
	s0 =	rddreg [dreg:$0xb];
	[sflag:s22] =	ssyncadd.s32 $0xFFFFD800  }
0x6b: {  	[hbm4b:s0+s3] =	stream.linear.scatter [tilespmem:s13], [sflag:$0x12], $0x2800, $0x38;
	[tilespmem:$0x1A900] =	vst v63  }
0x6c: {  	_ =	swait.ge [sflag:s23], $0x2800  }
0x6d: {  	[sflag:s23] =	ssyncset.done $0x0  }
0x6e: {  	s14 =	simm.s32 $0xB900;
	s0 =	simm.s32 $0x460;
	[sflag:s23] =	ssyncadd.s32 $0xFFFFD800  }
0x6f: {  	[tilespmem:s14], [sflag:$0x5] =	stream.indirect.gather [hbm4b:s1+s29], $0x80, s0, s29, $0xb8;
	[tilespmem:$0x1A900] =	vst v63  }
0x70: {  	_ =	swait.ge [sflag:s24], $0x2800  }
0x71: {  	[sflag:s24] =	ssyncset.done $0x0  }
0x72: {  	s14 =	simm.s32 $0x15900;
	s0 =	rddreg [dreg:$0xc];
	[sflag:s24] =	ssyncadd.s32 $0xFFFFD800  }
0x73: {  	[hbm4b:s0+s3] =	stream.linear.scatter [tilespmem:s14], [sflag:$0x13], $0x2800, $0x38;
	[tilespmem:$0x1A900] =	vst v63  }
0x74: {  	_ =	swait.ge [sflag:s26], $0x2800  }
0x75: {  	[sflag:s26] =	ssyncset.done $0x0  }
0x76: {  	s10 =	simm.s32 $0xE100;
	s0 =	simm.s32 $0x4B0;
	[sflag:s26] =	ssyncadd.s32 $0xFFFFD800  }
0x77: {  	[tilespmem:s10], [sflag:$0x6] =	stream.indirect.gather [hbm4b:s1+s29], $0x80, s0, s29, $0xb8;
	[tilespmem:$0x1A900] =	vst v63  }
0x78: {  	_ =	swait.ge [sflag:s4], $0x2800  }
0x79: {  	[sflag:s4] =	ssyncset.done $0x0  }
0x7a: {  	s10 =	simm.s32 $0x18100;
	s0 =	rddreg [dreg:$0xd];
	[sflag:s4] =	ssyncadd.s32 $0xFFFFD800  }
0x7b: {  	[hbm4b:s0+s3] =	stream.linear.scatter [tilespmem:s10], [sflag:$0x14], $0x2800, $0x38;
	[tilespmem:$0x1A900] =	vst v63  }
0x7c: {  	_ =	swait.ge [sflag:s28], $0x2800  }
0x7d: {  	[sflag:s28] =	ssyncset.done $0x0  }
0x7e: {  	s11 =	simm.s32 $0x10900;
	s10 =	simm.s32 $0x500;
	[sflag:s28] =	ssyncadd.s32 $0xFFFFD800  }
0x7f: {  	[tilespmem:s11], [sflag:$0x7] =	stream.indirect.gather [hbm4b:s1+s29], $0x80, s10, s29, $0xb8;
	[tilespmem:$0x1A900] =	vst v63  }
0x80: {  	_ =	swait.ge [sflag:s2], $0x2800  }
0x81: {  	[sflag:s2] =	ssyncset.done $0x0  }
0x82: {  	[sflag:s2] =	ssyncadd.s32 $0xFFFFD800;
	s2 =	rddreg [dreg:$0x19]  }
0x83: {  	s10 =	sadd.s32 $0xFFFFD300, s2  }
0x84: {  	[hbm4b:s10+s3] =	stream.linear.scatter [tilespmem:s8], [sflag:$0xB], $0x2800, $0x38;
	[tilespmem:$0x1A900] =	vst v63  }
0x85: {  	_ =	swait.ge [sflag:s25], $0x2800  }
0x86: {  	[sflag:s25] =	ssyncset.done $0x0  }
0x87: {  	s13 =	simm.s32 $0x13100;
	s11 =	simm.s32 $0x550;
	[sflag:s25] =	ssyncadd.s32 $0xFFFFD800  }
0x88: {  	[tilespmem:s13], [sflag:$0x8] =	stream.indirect.gather [hbm4b:s1+s29], $0x80, s11, s29, $0xb8;
	[tilespmem:$0x1A900] =	vst v63  }
0x89: {  	_ =	swait.ge [sflag:s15], $0x2800  }
0x8a: {  	[sflag:s15] =	ssyncset.done $0x0  }
0x8b: {  	[sflag:s15] =	ssyncadd.s32 $0xFFFFD800;
	s15 =	sadd.s32 $0xFFFFD800, s2  }
0x8c: {  	[hbm4b:s15+s3] =	stream.linear.scatter [tilespmem:s9], [sflag:$0xC], $0x2800, $0x38;
	[tilespmem:$0x1A900] =	vst v63  }
0x8d: {  	_ =	swait.ge [sflag:s30], $0x2800  }
0x8e: {  	[sflag:s30] =	ssyncset.done $0x0  }
0x8f: {  	s14 =	simm.s32 $0x15900;
	s10 =	simm.s32 $0x5A0;
	[sflag:s30] =	ssyncadd.s32 $0xFFFFD800  }
0x90: {  	[tilespmem:s14], [sflag:$0x9] =	stream.indirect.gather [hbm4b:s1+s29], $0x80, s10, s29, $0xb8;
	[tilespmem:$0x1A900] =	vst v63  }
0x91: {  	_ =	swait.ge [sflag:s16], $0x2800  }
0x92: {  	[sflag:s16] =	ssyncset.done $0x0  }
0x93: {  	s11 =	sadd.s32 $0xFFFFDD00, s2;
	[sflag:s16] =	ssyncadd.s32 $0xFFFFD800  }
0x94: {  	[hbm4b:s11+s3] =	stream.linear.scatter [tilespmem:s12], [sflag:$0xD], $0x2800, $0x38;
	[tilespmem:$0x1A900] =	vst v63  }
0x95: {  	_ =	swait.ge [sflag:s31], $0x2800  }
0x96: {  	[sflag:s31] =	ssyncset.done $0x0  }
0x97: {  	s15 =	simm.s32 $0x18100;
	s14 =	simm.s32 $0x5F0;
	[sflag:s31] =	ssyncadd.s32 $0xFFFFD800  }
0x98: {  	[tilespmem:s15], [sflag:$0xA] =	stream.indirect.gather [hbm4b:s1+s29], $0x80, s14, s29, $0xb8;
	[tilespmem:$0x1A900] =	vst v63  }
0x99: {  	_ =	swait.ge [sflag:s17], $0x2800  }
0x9a: {  	[sflag:s17] =	ssyncset.done $0x0  }
0x9b: {  	s16 =	sadd.s32 $0xFFFFE200, s2;
	[sflag:s17] =	ssyncadd.s32 $0xFFFFD800;
	s17 =	simm.s32 $0x9100  }
0x9c: {  	[hbm4b:s16+s3] =	stream.linear.scatter [tilespmem:s17], [sflag:$0xE], $0x2800, $0x38;
	[tilespmem:$0x1A900] =	vst v63  }
0x9d: {  	_ =	swait.ge [sflag:s5], $0x2800  }
0x9e: {  	[sflag:s5] =	ssyncset.done $0x0  }
0x9f: {  	s10 =	simm.s32 $0x640;
	[sflag:s5] =	ssyncadd.s32 $0xFFFFD800  }
0xa0: {  	[tilespmem:s8], [sflag:$0x1] =	stream.indirect.gather [hbm4b:s1+s29], $0x80, s10, s29, $0xb8;
	[tilespmem:$0x1A900] =	vst v63  }
0xa1: {  	_ =	swait.ge [sflag:s6], $0x2800  }
0xa2: {  	[sflag:s6] =	ssyncset.done $0x0  }
0xa3: {  	s14 =	sadd.s32 $0xFFFFE700, s2;
	s5 =	simm.s32 $0xB900;
	[sflag:s6] =	ssyncadd.s32 $0xFFFFD800  }
0xa4: {  	[hbm4b:s14+s3] =	stream.linear.scatter [tilespmem:s5], [sflag:$0xF], $0x2800, $0x38;
	[tilespmem:$0x1A900] =	vst v63  }
0xa5: {  	_ =	swait.ge [sflag:s7], $0x2800  }
0xa6: {  	[sflag:s7] =	ssyncset.done $0x0  }
0xa7: {  	s16 =	simm.s32 $0x690;
	[sflag:s7] =	ssyncadd.s32 $0xFFFFD800  }
0xa8: {  	[tilespmem:s9], [sflag:$0x2] =	stream.indirect.gather [hbm4b:s1+s29], $0x80, s16, s29, $0xb8;
	[tilespmem:$0x1A900] =	vst v63  }
0xa9: {  	_ =	swait.ge [sflag:s18], $0x2800  }
0xaa: {  	[sflag:s18] =	ssyncset.done $0x0  }
0xab: {  	s17 =	sadd.s32 $0xFFFFEC00, s2;
	s7 =	simm.s32 $0xE100;
	[sflag:s18] =	ssyncadd.s32 $0xFFFFD800  }
0xac: {  	[hbm4b:s17+s3] =	stream.linear.scatter [tilespmem:s7], [sflag:$0x10], $0x2800, $0x38;
	[tilespmem:$0x1A900] =	vst v63  }
0xad: {  	_ =	swait.ge [sflag:s19], $0x2800  }
0xae: {  	[sflag:s19] =	ssyncset.done $0x0  }
0xaf: {  	s6 =	simm.s32 $0x6E0;
	[sflag:s19] =	ssyncadd.s32 $0xFFFFD800  }
0xb0: {  	[tilespmem:s12], [sflag:$0x3] =	stream.indirect.gather [hbm4b:s1+s29], $0x80, s6, s29, $0xb8;
	[tilespmem:$0x1A900] =	vst v63  }
0xb1: {  	_ =	swait.ge [sflag:s20], $0x2800  }
0xb2: {  	[sflag:s20] =	ssyncset.done $0x0  }
0xb3: {  	s8 =	sadd.s32 $0xFFFFF100, s2;
	s9 =	simm.s32 $0x10900;
	[sflag:s20] =	ssyncadd.s32 $0xFFFFD800  }
0xb4: {  	[hbm4b:s8+s3] =	stream.linear.scatter [tilespmem:s9], [sflag:$0x11], $0x2800, $0x38;
	[tilespmem:$0x1A900] =	vst v63  }
0xb5: {  	_ =	swait.ge [sflag:s21], $0x2800  }
0xb6: {  	[sflag:s21] =	ssyncset.done $0x0  }
0xb7: {  	s11 =	simm.s32 $0x9100;
	s10 =	simm.s32 $0x730;
	[sflag:s21] =	ssyncadd.s32 $0xFFFFD800  }
0xb8: {  	[tilespmem:s11], [sflag:$0x4] =	stream.indirect.gather [hbm4b:s1+s29], $0x80, s10, s29, $0xb8;
	[tilespmem:$0x1A900] =	vst v63  }
0xb9: {  	_ =	swait.ge [sflag:s22], $0x2800  }
0xba: {  	[sflag:s22] =	ssyncset.done $0x0  }
0xbb: {  	s12 =	simm.s32 $0x13100;
	s11 =	sadd.s32 $0xFFFFF600, s2;
	[sflag:s22] =	ssyncadd.s32 $0xFFFFD800  }
0xbc: {  	[hbm4b:s11+s3] =	stream.linear.scatter [tilespmem:s12], [sflag:$0x12], $0x2800, $0x38;
	[tilespmem:$0x1A900] =	vst v63  }
0xbd: {  	_ =	swait.ge [sflag:s23], $0x2800  }
0xbe: {  	[sflag:s23] =	ssyncset.done $0x0  }
0xbf: {  	s14 =	simm.s32 $0x780;
	[sflag:s23] =	ssyncadd.s32 $0xFFFFD800  }
0xc0: {  	[tilespmem:s5], [sflag:$0x5] =	stream.indirect.gather [hbm4b:s1+s29], $0x80, s14, s29, $0xb8;
	[tilespmem:$0x1A900] =	vst v63  }
0xc1: {  	_ =	swait.ge [sflag:s24], $0x2800  }
0xc2: {  	[sflag:s24] =	ssyncset.done $0x0  }
0xc3: {  	s13 =	simm.s32 $0x15900;
	s16 =	sadd.s32 $0xFFFFFB00, s2;
	[sflag:s24] =	ssyncadd.s32 $0xFFFFD800  }
0xc4: {  	[hbm4b:s16+s3] =	stream.linear.scatter [tilespmem:s13], [sflag:$0x13], $0x2800, $0x38;
	[tilespmem:$0x1A900] =	vst v63  }
0xc5: {  	_ =	swait.ge [sflag:s26], $0x2800  }
0xc6: {  	[sflag:s26] =	ssyncset.done $0x0  }
0xc7: {  	s17 =	simm.s32 $0x7D0;
	[sflag:s26] =	ssyncadd.s32 $0xFFFFD800  }
0xc8: {  	[tilespmem:s7], [sflag:$0x6] =	stream.indirect.gather [hbm4b:s1+s29], $0x80, s17, s29, $0xb8;
	[tilespmem:$0x1A900] =	vst v63  }
0xc9: {  	_ =	swait.ge [sflag:s4], $0x2800  }
0xca: {  	[sflag:s4] =	ssyncset.done $0x0  }
0xcb: {  	[sflag:s4] =	ssyncadd.s32 $0xFFFFD800  }
0xcc: {  	[hbm4b:s2+s3] =	stream.linear.scatter [tilespmem:s15], [sflag:$0x14], $0x2800, $0x38;
	[tilespmem:$0x1A900] =	vst v63  }
0xcd: {  	_ =	swait.ge [sflag:s28], $0x2800  }
0xce: {  	s0 =	simm.s32 $0xC80;
	[sflag:s28] =	ssyncset.done $0x0  }
0xcf: {  	s5 =	simm.s32 $0x820;
	s2 =	sadd.s32 $0x3200, s2;
	[sflag:s28] =	ssyncadd.s32 $0xFFFFD800  }
.LBB2_2:
0xd0: {  	s14 =	simm.s32 $0x10900  }
0xd1: {  	[tilespmem:s14], [sflag:$0x7] =	stream.indirect.gather [hbm4b:s1+s29], $0x80, s5, s29, $0xb8;
	[tilespmem:$0x1A900] =	vst v63  }
0xd2: {  	s6 =	simm.s32 $0x1;
	s5 =	smov.u32 s0  }
0xd3: {  	p0 =	sne.s32 s0, $0x3E80;
	s0 =	sadd.s32 $0xC80, s0;
	_ =	swait.ge [sflag:s6], $0x2800  }
0xd4: {  	[sflag:s6] =	ssyncset.done $0x0  }
0xd5: {  	s8 =	simm.s32 $0x1900;
	[sflag:s6] =	ssyncadd.s32 $0xFFFFD800;
	s6 =	sadd.s32 $0xFFFFD300, s2  }
0xd6: {  	[hbm4b:s6+s3] =	stream.linear.scatter [tilespmem:s8], [sflag:$0xB], $0x2800, $0x38;
	[tilespmem:$0x1A900] =	vst v63  }
0xd7: {  	_ =	swait.ge [sflag:s25], $0x2800  }
0xd8: {  	s5 =	sshra.s32 s5, $0x2;
	[sflag:s25] =	ssyncset.done $0x0  }
0xd9: {  	s15 =	simm.s32 $0x13100;
	s6 =	sadd.s32 $0x550, s5;
	[sflag:s25] =	ssyncadd.s32 $0xFFFFD800  }
0xda: {  	[tilespmem:s15], [sflag:$0x8] =	stream.indirect.gather [hbm4b:s1+s29], $0x80, s6, s29, $0xb8;
	[tilespmem:$0x1A900] =	vst v63  }
0xdb: {  	s6 =	simm.s32 $0x2  }
0xdc: {  	_ =	swait.ge [sflag:s6], $0x2800  }
0xdd: {  	[sflag:s6] =	ssyncset.done $0x0  }
0xde: {  	s9 =	simm.s32 $0x4100;
	[sflag:s6] =	ssyncadd.s32 $0xFFFFD800;
	s6 =	sadd.s32 $0xFFFFD800, s2  }
0xdf: {  	[hbm4b:s6+s3] =	stream.linear.scatter [tilespmem:s9], [sflag:$0xC], $0x2800, $0x38;
	[tilespmem:$0x1A900] =	vst v63  }
0xe0: {  	_ =	swait.ge [sflag:s30], $0x2800  }
0xe1: {  	[sflag:s30] =	ssyncset.done $0x0  }
0xe2: {  	s16 =	simm.s32 $0x15900;
	s6 =	sadd.s32 $0x5A0, s5;
	[sflag:s30] =	ssyncadd.s32 $0xFFFFD800  }
0xe3: {  	[tilespmem:s16], [sflag:$0x9] =	stream.indirect.gather [hbm4b:s1+s29], $0x80, s6, s29, $0xb8;
	[tilespmem:$0x1A900] =	vst v63  }
0xe4: {  	s6 =	simm.s32 $0x3  }
0xe5: {  	_ =	swait.ge [sflag:s6], $0x2800  }
0xe6: {  	[sflag:s6] =	ssyncset.done $0x0  }
0xe7: {  	s10 =	simm.s32 $0x6900;
	[sflag:s6] =	ssyncadd.s32 $0xFFFFD800;
	s6 =	sadd.s32 $0xFFFFDD00, s2  }
0xe8: {  	[hbm4b:s6+s3] =	stream.linear.scatter [tilespmem:s10], [sflag:$0xD], $0x2800, $0x38;
	[tilespmem:$0x1A900] =	vst v63  }
0xe9: {  	_ =	swait.ge [sflag:s31], $0x2800  }
0xea: {  	[sflag:s31] =	ssyncset.done $0x0  }
0xeb: {  	s17 =	simm.s32 $0x18100;
	s6 =	sadd.s32 $0x5F0, s5;
	[sflag:s31] =	ssyncadd.s32 $0xFFFFD800  }
0xec: {  	[tilespmem:s17], [sflag:$0xA] =	stream.indirect.gather [hbm4b:s1+s29], $0x80, s6, s29, $0xb8;
	[tilespmem:$0x1A900] =	vst v63  }
0xed: {  	s6 =	simm.s32 $0x4  }
0xee: {  	_ =	swait.ge [sflag:s6], $0x2800  }
0xef: {  	[sflag:s6] =	ssyncset.done $0x0  }
0xf0: {  	s11 =	simm.s32 $0x9100;
	[sflag:s6] =	ssyncadd.s32 $0xFFFFD800;
	s6 =	sadd.s32 $0xFFFFE200, s2  }
0xf1: {  	[hbm4b:s6+s3] =	stream.linear.scatter [tilespmem:s11], [sflag:$0xE], $0x2800, $0x38;
	[tilespmem:$0x1A900] =	vst v63  }
0xf2: {  	s6 =	simm.s32 $0xB  }
0xf3: {  	_ =	swait.ge [sflag:s6], $0x2800  }
0xf4: {  	[sflag:s6] =	ssyncset.done $0x0  }
0xf5: {  	[sflag:s6] =	ssyncadd.s32 $0xFFFFD800;
	s6 =	sadd.s32 $0x640, s5  }
0xf6: {  	[tilespmem:s8], [sflag:$0x1] =	stream.indirect.gather [hbm4b:s1+s29], $0x80, s6, s29, $0xb8;
	[tilespmem:$0x1A900] =	vst v63  }
0xf7: {  	s7 =	simm.s32 $0x1900;
	s6 =	simm.s32 $0x5  }
0xf8: {  	_ =	swait.ge [sflag:s6], $0x2800  }
0xf9: {  	[sflag:s6] =	ssyncset.done $0x0  }
0xfa: {  	s12 =	simm.s32 $0xB900;
	[sflag:s6] =	ssyncadd.s32 $0xFFFFD800;
	s6 =	sadd.s32 $0xFFFFE700, s2  }
0xfb: {  	[hbm4b:s6+s3] =	stream.linear.scatter [tilespmem:s12], [sflag:$0xF], $0x2800, $0x38;
	[tilespmem:$0x1A900] =	vst v63  }
0xfc: {  	s6 =	simm.s32 $0xC  }
0xfd: {  	_ =	swait.ge [sflag:s6], $0x2800  }
0xfe: {  	[sflag:s6] =	ssyncset.done $0x0  }
0xff: {  	s8 =	simm.s32 $0x4100;
	[sflag:s6] =	ssyncadd.s32 $0xFFFFD800;
	s6 =	sadd.s32 $0x690, s5  }
0x100: {  	[tilespmem:s9], [sflag:$0x2] =	stream.indirect.gather [hbm4b:s1+s29], $0x80, s6, s29, $0xb8;
	[tilespmem:$0x1A900] =	vst v63  }
0x101: {  	_ =	swait.ge [sflag:s18], $0x2800  }
0x102: {  	[sflag:s18] =	ssyncset.done $0x0  }
0x103: {  	s13 =	simm.s32 $0xE100;
	s6 =	sadd.s32 $0xFFFFEC00, s2;
	[sflag:s18] =	ssyncadd.s32 $0xFFFFD800  }
0x104: {  	[hbm4b:s6+s3] =	stream.linear.scatter [tilespmem:s13], [sflag:$0x10], $0x2800, $0x38;
	[tilespmem:$0x1A900] =	vst v63  }
0x105: {  	_ =	swait.ge [sflag:s19], $0x2800  }
0x106: {  	[sflag:s19] =	ssyncset.done $0x0  }
0x107: {  	s9 =	simm.s32 $0x6900;
	s6 =	sadd.s32 $0x6E0, s5;
	[sflag:s19] =	ssyncadd.s32 $0xFFFFD800  }
0x108: {  	[tilespmem:s10], [sflag:$0x3] =	stream.indirect.gather [hbm4b:s1+s29], $0x80, s6, s29, $0xb8;
	[tilespmem:$0x1A900] =	vst v63  }
0x109: {  	_ =	swait.ge [sflag:s20], $0x2800  }
0x10a: {  	[sflag:s20] =	ssyncset.done $0x0  }
0x10b: {  	s6 =	sadd.s32 $0xFFFFF100, s2;
	[sflag:s20] =	ssyncadd.s32 $0xFFFFD800  }
0x10c: {  	[hbm4b:s6+s3] =	stream.linear.scatter [tilespmem:s14], [sflag:$0x11], $0x2800, $0x38;
	[tilespmem:$0x1A900] =	vst v63  }
0x10d: {  	_ =	swait.ge [sflag:s21], $0x2800  }
0x10e: {  	[sflag:s21] =	ssyncset.done $0x0  }
0x10f: {  	s10 =	simm.s32 $0x9100;
	s6 =	sadd.s32 $0x730, s5;
	[sflag:s21] =	ssyncadd.s32 $0xFFFFD800  }
0x110: {  	[tilespmem:s11], [sflag:$0x4] =	stream.indirect.gather [hbm4b:s1+s29], $0x80, s6, s29, $0xb8;
	[tilespmem:$0x1A900] =	vst v63  }
0x111: {  	_ =	swait.ge [sflag:s22], $0x2800  }
0x112: {  	[sflag:s22] =	ssyncset.done $0x0  }
0x113: {  	s6 =	sadd.s32 $0xFFFFF600, s2;
	[sflag:s22] =	ssyncadd.s32 $0xFFFFD800  }
0x114: {  	[hbm4b:s6+s3] =	stream.linear.scatter [tilespmem:s15], [sflag:$0x12], $0x2800, $0x38;
	[tilespmem:$0x1A900] =	vst v63  }
0x115: {  	_ =	swait.ge [sflag:s23], $0x2800  }
0x116: {  	[sflag:s23] =	ssyncset.done $0x0  }
0x117: {  	s11 =	simm.s32 $0xB900;
	s6 =	sadd.s32 $0x780, s5;
	[sflag:s23] =	ssyncadd.s32 $0xFFFFD800  }
0x118: {  	[tilespmem:s12], [sflag:$0x5] =	stream.indirect.gather [hbm4b:s1+s29], $0x80, s6, s29, $0xb8;
	[tilespmem:$0x1A900] =	vst v63  }
0x119: {  	_ =	swait.ge [sflag:s24], $0x2800  }
0x11a: {  	[sflag:s24] =	ssyncset.done $0x0  }
0x11b: {  	s6 =	sadd.s32 $0xFFFFFB00, s2;
	[sflag:s24] =	ssyncadd.s32 $0xFFFFD800  }
0x11c: {  	[hbm4b:s6+s3] =	stream.linear.scatter [tilespmem:s16], [sflag:$0x13], $0x2800, $0x38;
	[tilespmem:$0x1A900] =	vst v63  }
0x11d: {  	_ =	swait.ge [sflag:s26], $0x2800  }
0x11e: {  	[sflag:s26] =	ssyncset.done $0x0  }
0x11f: {  	s12 =	simm.s32 $0xE100;
	s6 =	sadd.s32 $0x7D0, s5;
	[sflag:s26] =	ssyncadd.s32 $0xFFFFD800  }
0x120: {  	[tilespmem:s13], [sflag:$0x6] =	stream.indirect.gather [hbm4b:s1+s29], $0x80, s6, s29, $0xb8;
	[tilespmem:$0x1A900] =	vst v63  }
0x121: {  	_ =	swait.ge [sflag:s4], $0x2800  }
0x122: {  	[sflag:s4] =	ssyncset.done $0x0  }
.Ltmp0:
0x123: {  	[sflag:s4] =	ssyncadd.s32 $0xFFFFD800;
	(pc) =	sbr.rel @p0 .LBB2_2-.Ltmp0, $4  }
0x124: {  	[hbm4b:s2+s3] =	stream.linear.scatter [tilespmem:s17], [sflag:$0x14], $0x2800, $0x38;
	[tilespmem:$0x1A900] =	vst v63  }
0x125: {  	_ =	swait.ge [sflag:s28], $0x2800  }
0x126: {  	[sflag:s28] =	ssyncset.done $0x0  }
0x127: {  	s5 =	sadd.s32 $0x820, s5;
	s2 =	sadd.s32 $0x3200, s2;
	[sflag:s28] =	ssyncadd.s32 $0xFFFFD800  }
0x128: {  	s2 =	simm.s32 $0x10900;
	s0 =	simm.s32 $0x1  }
0x129: {  	[tilespmem:s2], [sflag:$0x7] =	stream.indirect.gather [hbm4b:s1+s29], $0x80, s5, s29, $0xb8;
	[tilespmem:$0x1A900] =	vst v63  }
0x12a: {  	_ =	swait.ge [sflag:s0], $0x2800  }
0x12b: {  	[sflag:s0] =	ssyncset.done $0x0  }
0x12c: {  	s15 =	rddreg [dreg:$0xe];
	[sflag:s0] =	ssyncadd.s32 $0xFFFFD800  }
0x12d: {  	[hbm4b:s15+s3] =	stream.linear.scatter [tilespmem:s7], [sflag:$0xB], $0x2800, $0x38;
	[tilespmem:$0x1A900] =	vst v63  }
0x12e: {  	_ =	swait.ge [sflag:s25], $0x2800  }
0x12f: {  	s16 =	simm.s32 $0x1810;
	[sflag:s25] =	ssyncset.done $0x0  }
0x130: {  	s17 =	simm.s32 $0x2;
	s5 =	simm.s32 $0x13100;
	[sflag:s25] =	ssyncadd.s32 $0xFFFFD800  }
0x131: {  	[tilespmem:s5], [sflag:$0x8] =	stream.indirect.gather [hbm4b:s1+s29], $0x80, s16, s29, $0xb8;
	[tilespmem:$0x1A900] =	vst v63  }
0x132: {  	_ =	swait.ge [sflag:s17], $0x2800  }
0x133: {  	[sflag:s17] =	ssyncset.done $0x0  }
0x134: {  	s6 =	rddreg [dreg:$0xf];
	[sflag:s17] =	ssyncadd.s32 $0xFFFFD800  }
0x135: {  	[hbm4b:s6+s3] =	stream.linear.scatter [tilespmem:s8], [sflag:$0xC], $0x2800, $0x38;
	[tilespmem:$0x1A900] =	vst v63  }
0x136: {  	_ =	swait.ge [sflag:s30], $0x2800  }
0x137: {  	s7 =	simm.s32 $0x1860;
	[sflag:s30] =	ssyncset.done $0x0  }
0x138: {  	s6 =	simm.s32 $0x15900;
	s8 =	simm.s32 $0x3;
	[sflag:s30] =	ssyncadd.s32 $0xFFFFD800  }
0x139: {  	[tilespmem:s6], [sflag:$0x9] =	stream.indirect.gather [hbm4b:s1+s29], $0x80, s7, s29, $0xb8;
	[tilespmem:$0x1A900] =	vst v63  }
0x13a: {  	_ =	swait.ge [sflag:s8], $0x2800  }
0x13b: {  	[sflag:s8] =	ssyncset.done $0x0  }
0x13c: {  	s13 =	rddreg [dreg:$0x10];
	[sflag:s8] =	ssyncadd.s32 $0xFFFFD800  }
0x13d: {  	[hbm4b:s13+s3] =	stream.linear.scatter [tilespmem:s9], [sflag:$0xD], $0x2800, $0x38;
	[tilespmem:$0x1A900] =	vst v63  }
0x13e: {  	_ =	swait.ge [sflag:s31], $0x2800  }
0x13f: {  	s14 =	simm.s32 $0x18B0;
	[sflag:s31] =	ssyncset.done $0x0  }
0x140: {  	s15 =	simm.s32 $0x4;
	s7 =	simm.s32 $0x18100;
	[sflag:s31] =	ssyncadd.s32 $0xFFFFD800  }
0x141: {  	[tilespmem:s7], [sflag:$0xA] =	stream.indirect.gather [hbm4b:s1+s29], $0x80, s14, s29, $0xb8;
	[tilespmem:$0x1A900] =	vst v63  }
0x142: {  	_ =	swait.ge [sflag:s15], $0x2800  }
0x143: {  	[sflag:s15] =	ssyncset.done $0x0  }
0x144: {  	s17 =	simm.s32 $0x5;
	s16 =	rddreg [dreg:$0x11];
	[sflag:s15] =	ssyncadd.s32 $0xFFFFD800  }
0x145: {  	[hbm4b:s16+s3] =	stream.linear.scatter [tilespmem:s10], [sflag:$0xE], $0x2800, $0x38;
	[tilespmem:$0x1A900] =	vst v63  }
0x146: {  	_ =	swait.ge [sflag:s17], $0x2800  }
0x147: {  	[sflag:s17] =	ssyncset.done $0x0  }
0x148: {  	s8 =	rddreg [dreg:$0x12];
	[sflag:s17] =	ssyncadd.s32 $0xFFFFD800  }
0x149: {  	[hbm4b:s8+s3] =	stream.linear.scatter [tilespmem:s11], [sflag:$0xF], $0x2800, $0x38;
	[tilespmem:$0x1A900] =	vst v63  }
0x14a: {  	_ =	swait.ge [sflag:s18], $0x2800  }
0x14b: {  	[sflag:s18] =	ssyncset.done $0x0  }
0x14c: {  	s9 =	rddreg [dreg:$0x13];
	[sflag:s18] =	ssyncadd.s32 $0xFFFFD800  }
0x14d: {  	[hbm4b:s9+s3] =	stream.linear.scatter [tilespmem:s12], [sflag:$0x10], $0x2800, $0x38;
	[tilespmem:$0x1A900] =	vst v63  }
0x14e: {  	_ =	swait.ge [sflag:s20], $0x2800  }
0x14f: {  	[sflag:s20] =	ssyncset.done $0x0  }
0x150: {  	s10 =	rddreg [dreg:$0x14];
	[sflag:s20] =	ssyncadd.s32 $0xFFFFD800  }
0x151: {  	[hbm4b:s10+s3] =	stream.linear.scatter [tilespmem:s2], [sflag:$0x11], $0x2800, $0x38;
	[tilespmem:$0x1A900] =	vst v63  }
0x152: {  	_ =	swait.ge [sflag:s22], $0x2800  }
0x153: {  	[sflag:s22] =	ssyncset.done $0x0  }
0x154: {  	s11 =	rddreg [dreg:$0x15];
	[sflag:s22] =	ssyncadd.s32 $0xFFFFD800  }
0x155: {  	[hbm4b:s11+s3] =	stream.linear.scatter [tilespmem:s5], [sflag:$0x12], $0x2800, $0x38;
	[tilespmem:$0x1A900] =	vst v63  }
0x156: {  	_ =	swait.ge [sflag:s24], $0x2800  }
0x157: {  	[sflag:s24] =	ssyncset.done $0x0  }
0x158: {  	s12 =	rddreg [dreg:$0x16];
	[sflag:s24] =	ssyncadd.s32 $0xFFFFD800  }
0x159: {  	[hbm4b:s12+s3] =	stream.linear.scatter [tilespmem:s6], [sflag:$0x13], $0x2800, $0x38;
	[tilespmem:$0x1A900] =	vst v63  }
0x15a: {  	_ =	swait.ge [sflag:s4], $0x2800  }
0x15b: {  	[sflag:s4] =	ssyncset.done $0x0  }
0x15c: {  	s14 =	simm.s32 $0xB;
	s13 =	rddreg [dreg:$0x17];
	[sflag:s4] =	ssyncadd.s32 $0xFFFFD800  }
0x15d: {  	[hbm4b:s13+s3] =	stream.linear.scatter [tilespmem:s7], [sflag:$0x14], $0x2800, $0x38;
	[tilespmem:$0x1A900] =	vst v63  }
0x15e: {  	_ =	swait.ge [sflag:s14], $0x2800  }
0x15f: {  	[sflag:s14] =	ssyncset.done $0x0  }
0x160: {  	s15 =	simm.s32 $0xC;
	[sflag:s14] =	ssyncadd.s32 $0xFFFFD800  }
0x161: {  	_ =	swait.ge [sflag:s15], $0x2800  }
0x162: {  	[sflag:s15] =	ssyncset.done $0x0  }
0x163: {  	[sflag:s15] =	ssyncadd.s32 $0xFFFFD800  }
0x164: {  	_ =	swait.ge [sflag:s19], $0x2800  }
0x165: {  	[sflag:s19] =	ssyncset.done $0x0  }
0x166: {  	[sflag:s19] =	ssyncadd.s32 $0xFFFFD800  }
0x167: {  	_ =	swait.ge [sflag:s21], $0x2800  }
0x168: {  	[sflag:s21] =	ssyncset.done $0x0  }
0x169: {  	[sflag:s21] =	ssyncadd.s32 $0xFFFFD800  }
0x16a: {  	_ =	swait.ge [sflag:s23], $0x2800  }
0x16b: {  	[sflag:s23] =	ssyncset.done $0x0  }
0x16c: {  	[sflag:s23] =	ssyncadd.s32 $0xFFFFD800  }
0x16d: {  	_ =	swait.ge [sflag:s26], $0x2800  }
0x16e: {  	[sflag:s26] =	ssyncset.done $0x0  }
0x16f: {  	[sflag:s26] =	ssyncadd.s32 $0xFFFFD800  }
0x170: {  	_ =	swait.ge [sflag:s28], $0x2800  }
0x171: {  	[sflag:s28] =	ssyncset.done $0x0  }
0x172: {  	[sflag:s28] =	ssyncadd.s32 $0xFFFFD800  }
0x173: {  	_ =	swait.ge [sflag:s25], $0x2800  }
0x174: {  	[sflag:s25] =	ssyncset.done $0x0  }
0x175: {  	[sflag:s25] =	ssyncadd.s32 $0xFFFFD800  }
0x176: {  	_ =	swait.ge [sflag:s30], $0x2800  }
0x177: {  	[sflag:s30] =	ssyncset.done $0x0  }
0x178: {  	[sflag:s30] =	ssyncadd.s32 $0xFFFFD800  }
0x179: {  	_ =	swait.ge [sflag:s31], $0x2800  }
0x17a: {  	s16 =	rddreg [dreg:$0x1b]  }
0x17b: {  	s17 =	rddreg [dreg:$0x18];
	s2 =	sadd.s32 $0x1, s16  }
0x17c: {  	p0 =	sne.s32 s2, s17  }
.Ltmp1:
0x17d: {  	_ = 	snop;
	(pc) =	sbr.rel @p0 .LBB2_1-.Ltmp1, $3  }
0x17e: {  	_ =	sdelay $0x1  }
0x17f: {  	[sflag:s31] =	ssyncset.done $0x0  }
0x180: {  	[sflag:s31] =	ssyncadd.s32 $0xFFFFD800  }
0x181: {  	_ =	sfence.sel $0x180000  }
0x182: {  	[bflag:$0x0] =	sbarrier.arrive $0xFFFF  }
0x183: {  	_ =	strace $0x90000047  }
0x184: {  	s0 =	stileid.u32;
	[bflag:$0x2] =	sbarrier.arrive $0xFFFF  }
0x185: {  	p0 =	sne.s32 s0, $0x0;
	s0 =	rddreg [dreg:$0x3]  }
0x186: {  	s0 =	sadd.s32 @!p0 $0x100000, s0  }
0x187: {  	[sflag:s0] =	ssyncadd.tile.s32 @!p0 $0x1;
	_ =	shalt  }
.Lfunc_end2:
_tile_overlayer_lowered:
.L_overlay_start_2:
0x188: {  	(tag) =	ssettag $0x2  }
0x189: {  	s0 =	rddreg [dreg:$0x0];
	s2 =	stileid.u32  }
0x18a: {  	s1 =	rddreg [dreg:$0x1];
	p0 =	sne.s32 s2, $0x0  }
0x18b: {  	s3 =	rddreg [dreg:$0x2];
	[bflag:$0x3] =	sbarrier.arrive $0xFFFF;
	s2 =	simm.s32 @!p0 $0x1C15  }
0x18c: {  	[timem:s3], [sflag:s2] =	dma.local @!p0 [hbm:s0], s1  }
0x18d: {  	s0 =	simm.s32 @!p0 $0x15  }
0x18e: {  	_ =	swait.ge @!p0 [sflag:s0], s1  }
0x18f: {  	s1 =	ssub.s32 @!p0 $0x0, s1;
	[sflag:s0] =	ssyncset.done @!p0 $0x0  }
0x190: {  	[sflag:s0] =	ssyncadd.s32 @!p0 s1  }
0x191: {  	[bflag:$0x3] =	sbarrier.arrive $0xFFFF  }
0x192: {  	_ =	shalt  }

</sc_bundles>
